<compile_context>
chip_gen: v7x
topology: tpu7x:2x2x1
jax: 0.10.2.dev20260603
libtpu: 0.0.44.dev20260713+nightly
codegen_flags: <defaults>
</compile_context>

<pallas_src>
import functools

import jax
import jax.numpy as jnp
from jax import lax
from jax.experimental import pallas as pl
from jax.experimental.pallas import tpu as pltpu
from jax.experimental.pallas import tpu_sc as plsc

N = 10000
E = 320000
D = 128
DE = 16
H = 128

NPAD = 10240
NC = 2
NS = 16
NW = NC * NS
CH1 = 128
NCH1 = E // CH1
ITER1 = (NCH1 + NW - 1) // NW
CH2 = 80
NCH2 = E // CH2
CPW2 = NCH2 // NW
ROWS_PER_SUB = NPAD // NS

QBITS = 10
QMASK = (1 << QBITS) - 1
QSCALE = 64.0


@functools.cache
def _mesh():
    return plsc.VectorSubcoreMesh(
        core_axis_name="c", subcore_axis_name="s",
        num_cores=NC, num_subcores=NS)


_SC_LINEAR = pltpu.CompilerParams(use_tc_tiling_on_sc=False)


def _tables_body(h_ref, x16_ref, w1r_ref, w1c_ref, b1_ref, ta_ref, tb_ref):
    hblk = h_ref[...]
    a = jnp.dot(hblk, w1r_ref[...], preferred_element_type=jnp.float32) \
        + b1_ref[...]
    b = jnp.dot(hblk, w1c_ref[...], preferred_element_type=jnp.float32)
    x16 = x16_ref[...]
    q16 = jnp.round((jnp.clip(x16, -8.0, 7.984) + 8.0) * QSCALE).astype(
        jnp.int32)
    q128 = jnp.pad(q16, ((0, 0), (0, D - 16)))
    lane = lax.broadcasted_iota(jnp.int32, (a.shape[0], D), 1)
    is_xy = lane < 3

    def enc(v):
        bits = lax.bitcast_convert_type(v, jnp.int32)
        packed = (bits & ~QMASK) | q128
        return lax.bitcast_convert_type(
            jnp.where(is_xy, packed, bits), jnp.float32)

    ta_ref[...] = enc(a)
    tb_ref[...] = enc(b)


def _build_tables(h_pad, x16, w1r_t, w1c_t, b1):
    BN = 1024
    grid = (NPAD // BN,)
    return pl.pallas_call(
        _tables_body,
        grid=grid,
        in_specs=[
            pl.BlockSpec((BN, D), lambda i: (i, 0)),
            pl.BlockSpec((BN, 16), lambda i: (i, 0)),
            pl.BlockSpec((D, D), lambda i: (0, 0)),
            pl.BlockSpec((D, D), lambda i: (0, 0)),
            pl.BlockSpec((1, D), lambda i: (0, 0)),
        ],
        out_specs=[
            pl.BlockSpec((BN, D), lambda i: (i, 0)),
            pl.BlockSpec((BN, D), lambda i: (i, 0)),
        ],
        out_shape=[
            jax.ShapeDtypeStruct((NPAD, D), jnp.float32),
            jax.ShapeDtypeStruct((NPAD, D), jnp.float32),
        ],
    )(h_pad, x16, w1r_t, w1c_t, b1.reshape(1, D))


NCHP = 2512
ITERS_G = NCHP // NS
EPAD = NCHP * CH1


@functools.cache
def _sc_gather_kernel():
    @functools.partial(
        pl.kernel,
        out_type=[
            jax.ShapeDtypeStruct((EPAD, D), jnp.float32),
            jax.ShapeDtypeStruct((EPAD, D), jnp.float32),
        ],
        mesh=_mesh(),
        scratch_types=[
            pltpu.VMEM_SHARED((NPAD, D), jnp.float32),
            pltpu.VMEM((2, CH1), jnp.int32),
            pltpu.VMEM((2, CH1, D), jnp.float32),
            pltpu.SemaphoreType.DMA,
            pltpu.SemaphoreType.DMA,
            pltpu.SemaphoreType.DMA,
            pltpu.SemaphoreType.DMA,
            pltpu.SemaphoreType.DMA,
            pltpu.SemaphoreType.DMA,
        ],
    )
    def k(ta_hbm, tb_hbm, ridx_hbm, cidx_hbm, ga_hbm, gb_hbm,
          tab_sh, idx_v, row_v, si0, si1, sg0, sg1, ss0, ss1):
        c = lax.axis_index("c")
        s = lax.axis_index("s")
        rb = s * ROWS_PER_SUB
        si = (si0, si1)
        sg = (sg0, sg1)
        ss = (ss0, ss1)

        @pl.when(c == 0)
        def _():
            pltpu.sync_copy(ta_hbm.at[pl.ds(rb, ROWS_PER_SUB)],
                            tab_sh.at[pl.ds(rb, ROWS_PER_SUB)])

        @pl.when(c == 1)
        def _():
            pltpu.sync_copy(tb_hbm.at[pl.ds(rb, ROWS_PER_SUB)],
                            tab_sh.at[pl.ds(rb, ROWS_PER_SUB)])

        plsc.subcore_barrier()

        def run(idx_hbm, out_hbm):
            def chunk(k_):
                return s + NS * k_

            def idx_copy(k_, sl):
                g = chunk(k_)
                return pltpu.make_async_copy(
                    idx_hbm.at[g], idx_v.at[sl], si[sl])

            def gather_copy(sl):
                return pltpu.make_async_copy(
                    tab_sh.at[idx_v.at[sl]], row_v.at[sl], sg[sl])

            def store_copy(k_, sl):
                g = chunk(k_)
                return pltpu.make_async_copy(
                    row_v.at[sl], out_hbm.at[pl.ds(g * CH1, CH1)], ss[sl])

            idx_copy(0, 0).start()
            idx_copy(1, 1).start()

            @pl.loop(0, ITERS_G // 2)
            def _(jj):
                kk = jj * 2
                for sl in (0, 1):
                    k_ = kk + sl

                    @pl.when(k_ >= 2)
                    def _():
                        store_copy(k_ - 2, sl).wait()

                    idx_copy(k_, sl).wait()
                    gather_copy(sl).start()

                    prev = 1 - sl

                    @pl.when(k_ >= 1)
                    def _():
                        gather_copy(prev).wait()
                        store_copy(k_ - 1, prev).start()

                        @pl.when(k_ + 1 < ITERS_G)
                        def _():
                            idx_copy(k_ + 1, prev).start()

            last = ITERS_G - 1
            store_copy(last - 2, 0).wait()
            idx_copy(last, 0).wait()
            gather_copy(0).start()
            gather_copy(1).wait()
            store_copy(last - 1, 1).start()
            gather_copy(0).wait()
            store_copy(last, 0).start()
            store_copy(last - 1, 1).wait()
            store_copy(last, 0).wait()

        @pl.when(c == 0)
        def _():
            run(ridx_hbm, ga_hbm)

        @pl.when(c == 1)
        def _():
            run(cidx_hbm, gb_hbm)

    return k


def _sc_gather(ta, tb, row128p, col128p):
    return _sc_gather_kernel()(ta, tb, row128p, col128p)


def _silu(x):
    return x * (0.5 * jnp.tanh(0.5 * x) + 0.5)


def _decode_x(g3):
    bits = lax.bitcast_convert_type(g3, jnp.int32) & QMASK
    return bits.astype(jnp.float32) / QSCALE - 8.0


def _edge_body(ga_ref, gb_ref, ea_ref, w2t_ref, b2_ref, cw1t_ref, cb1_ref,
               cw2t_ref, w1et_ref, w1d_ref, m_ref, aux_ref):
    a = ga_ref[...]
    b = gb_ref[...]
    qr = lax.bitcast_convert_type(a[:, 0:3], jnp.int32) & QMASK
    qc = lax.bitcast_convert_type(b[:, 0:3], jnp.int32) & QMASK
    diff = (qr - qc).astype(jnp.float32) * (1.0 / QSCALE)
    dist_sq = jnp.sum(diff * diff, axis=1, keepdims=True)
    inv_dist = lax.rsqrt(dist_sq + 1e-08)
    eac = jnp.dot(ea_ref[...].astype(jnp.bfloat16), w1et_ref[...],
                  preferred_element_type=jnp.float32)
    parts = [eac[:, 128 * kk:128 * (kk + 1)] for kk in range(8)]
    ea = jnp.stack(parts, axis=1).reshape(a.shape[0], D)
    pre1 = a + b + ea + jnp.log1p(dist_sq) * w1d_ref[...]
    h1 = _silu(pre1).astype(jnp.bfloat16)
    m = _silu(
        jnp.dot(h1, w2t_ref[...], preferred_element_type=jnp.float32)
        + b2_ref[...])
    ch = _silu(
        jnp.dot(m.astype(jnp.bfloat16), cw1t_ref[...],
                preferred_element_type=jnp.float32)
        + cb1_ref[...]).astype(jnp.bfloat16)
    cw16 = jnp.tanh(
        jnp.dot(ch, cw2t_ref[...], preferred_element_type=jnp.float32))
    cw = cw16[:, 0:1]
    trans = diff * (cw * (0.1 * inv_dist))
    trans16 = jnp.pad(trans, ((0, 0), (0, 13)))
    cnt = (lax.broadcasted_iota(jnp.int32, trans16.shape, 1) == 3).astype(
        jnp.float32)
    m_ref[...] = m
    aux_ref[...] = trans16 + cnt


def _edge_mlp(ga, gb, ea_pk, w2t, b2, cw1t, cb1, cw2t, w1big, w1d):
    BE = 1280
    assert E % BE == 0
    grid = (E // BE,)
    return pl.pallas_call(
        _edge_body,
        grid=grid,
        in_specs=[
            pl.BlockSpec((BE, D), lambda i: (i, 0)),
            pl.BlockSpec((BE, D), lambda i: (i, 0)),
            pl.BlockSpec((BE // 8, D), lambda i: (i, 0)),
            pl.BlockSpec((H, H), lambda i: (0, 0)),
            pl.BlockSpec((1, H), lambda i: (0, 0)),
            pl.BlockSpec((H, H), lambda i: (0, 0)),
            pl.BlockSpec((1, H), lambda i: (0, 0)),
            pl.BlockSpec((H, 16), lambda i: (0, 0)),
            pl.BlockSpec((D, 8 * H), lambda i: (0, 0)),
            pl.BlockSpec((1, H), lambda i: (0, 0)),
        ],
        out_specs=[
            pl.BlockSpec((BE, D), lambda i: (i, 0)),
            pl.BlockSpec((BE, 16), lambda i: (i, 0)),
        ],
        out_shape=[
            jax.ShapeDtypeStruct((E, D), jnp.float32),
            jax.ShapeDtypeStruct((E, 16), jnp.float32),
        ],
    )(ga, gb, ea_pk, w2t, b2.reshape(1, H), cw1t, cb1.reshape(1, H),
      cw2t, w1big, w1d.reshape(1, H))


@functools.cache
def _sc_scatter_kernel():
    @functools.partial(
        pl.kernel,
        out_type=[
            jax.ShapeDtypeStruct((NC, NPAD, D), jnp.float32),
            jax.ShapeDtypeStruct((NC, NPAD, 16), jnp.float32),
        ],
        mesh=_mesh(),
        scratch_types=[
            pltpu.VMEM_SHARED((NPAD, D), jnp.float32),
            pltpu.VMEM_SHARED((NPAD, 16), jnp.float32),
            pltpu.VMEM((2, CH2), jnp.int32),
            pltpu.VMEM((2, CH2, D), jnp.float32),
            pltpu.VMEM((2, CH2, 16), jnp.float32),
            pltpu.SemaphoreType.DMA,
            pltpu.SemaphoreType.DMA,
            pltpu.SemaphoreType.DMA,
            pltpu.SemaphoreType.DMA,
            pltpu.SemaphoreType.DMA,
            pltpu.SemaphoreType.DMA,
            pltpu.SemaphoreType.DMA,
            pltpu.SemaphoreType.DMA,
            pltpu.SemaphoreType.DMA,
            pltpu.SemaphoreType.DMA,
        ],
        compiler_params=_SC_LINEAR,
    )
    def k(mvals_hbm, avals_hbm, ridx_hbm, zm_hbm, za_hbm, outm_hbm, outa_hbm,
          accm_sh, acca_sh, idx_v, mval_v, aval_v,
          si0, si1, sm0, sm1, sa0, sa1, tm0, tm1, ta0, ta1):
        c = lax.axis_index("c")
        s = lax.axis_index("s")
        rbase = s * ROWS_PER_SUB
        si = (si0, si1)
        sm = (sm0, sm1)
        sa = (sa0, sa1)
        tm = (tm0, tm1)
        ta = (ta0, ta1)
        pltpu.sync_copy(zm_hbm.at[pl.ds(rbase, ROWS_PER_SUB)],
                        accm_sh.at[pl.ds(rbase, ROWS_PER_SUB)])
        pltpu.sync_copy(za_hbm.at[pl.ds(rbase, ROWS_PER_SUB)],
                        acca_sh.at[pl.ds(rbase, ROWS_PER_SUB)])
        plsc.subcore_barrier()

        def chunk(k_):
            return (c * NS + s) * CPW2 + k_

        def loads(k_, sl):
            g = chunk(k_)
            return (pltpu.make_async_copy(ridx_hbm.at[g], idx_v.at[sl],
                                          si[sl]),
                    pltpu.make_async_copy(
                        mvals_hbm.at[pl.ds(g * CH2, CH2)], mval_v.at[sl],
                        sm[sl]),
                    pltpu.make_async_copy(
                        avals_hbm.at[pl.ds(g * CH2, CH2)], aval_v.at[sl],
                        sa[sl]))

        def start_scats(sl):
            pltpu.async_copy(mval_v.at[sl], accm_sh.at[idx_v.at[sl]],
                             tm[sl], add=True)
            pltpu.async_copy(aval_v.at[sl], acca_sh.at[idx_v.at[sl]],
                             ta[sl], add=True)

        def wait_scats(sl):
            pltpu.make_async_copy(mval_v.at[sl], accm_sh.at[idx_v.at[sl]],
                                  tm[sl]).wait()
            pltpu.make_async_copy(aval_v.at[sl], acca_sh.at[idx_v.at[sl]],
                                  ta[sl]).wait()

        def start_all(ops):
            for o in ops:
                o.start()

        def wait_all(ops):
            for o in ops:
                o.wait()

        start_all(loads(0, 0))
        start_all(loads(1, 1))

        @pl.loop(0, CPW2 // 2)
        def _(jj):
            kk = jj * 2
            for sl in (0, 1):
                k_ = kk + sl

                @pl.when(k_ >= 2)
                def _():
                    wait_scats(sl)
                    start_all(loads(k_, sl))

                wait_all(loads(k_, sl))
                start_scats(sl)

        last = CPW2 - 1
        wait_scats(0)
        start_all(loads(last, 0))
        wait_all(loads(last, 0))
        start_scats(0)
        wait_scats(0)
        wait_scats(1)

        plsc.subcore_barrier()
        pltpu.sync_copy(accm_sh.at[pl.ds(rbase, ROWS_PER_SUB)],
                        outm_hbm.at[c, pl.ds(rbase, ROWS_PER_SUB)])
        pltpu.sync_copy(acca_sh.at[pl.ds(rbase, ROWS_PER_SUB)],
                        outa_hbm.at[c, pl.ds(rbase, ROWS_PER_SUB)])

    return k


def _sc_scatter(mvals, avals, row80, zeros_m, zeros_a):
    return _sc_scatter_kernel()(mvals, avals, row80, zeros_m, zeros_a)


def _node_body(h_ref, x16_ref, m0_ref, m1_ref, a0_ref, a1_ref, nw1ht_ref,
               nw1mt_ref, nb1_ref, nw2t_ref, nb2_ref, lng_ref, lnb_ref,
               hout_ref, xout_ref):
    hblk = h_ref[...]
    msum = m0_ref[0] + m1_ref[0]
    t16 = a0_ref[0] + a1_ref[0]
    cnt = t16[:, 3:4]
    inv = 1.0 / (cnt + 1e-08)
    m_i = msum * inv
    xout_ref[...] = x16_ref[...] + t16 * inv
    pre = (jnp.dot(hblk, nw1ht_ref[...], preferred_element_type=jnp.float32)
           + jnp.dot(m_i, nw1mt_ref[...], preferred_element_type=jnp.float32)
           + nb1_ref[...])
    hid = jax.nn.silu(pre)
    h_res = hblk + jnp.dot(hid, nw2t_ref[...],
                           preferred_element_type=jnp.float32) + nb2_ref[...]
    mean = jnp.mean(h_res, axis=1, keepdims=True)
    cen = h_res - mean
    var = jnp.mean(cen * cen, axis=1, keepdims=True)
    hout_ref[...] = cen * lax.rsqrt(var + 1e-05) * lng_ref[...] + lnb_ref[...]


def _node_update(h_pad, x16, pm, pa, nw1ht, nw1mt, nb1, nw2t, nb2,
                 ln_g, ln_b):
    BN = 1024
    grid = (NPAD // BN,)
    return pl.pallas_call(
        _node_body,
        grid=grid,
        in_specs=[
            pl.BlockSpec((BN, D), lambda i: (i, 0)),
            pl.BlockSpec((BN, 16), lambda i: (i, 0)),
            pl.BlockSpec((1, BN, D), lambda i: (0, i, 0)),
            pl.BlockSpec((1, BN, D), lambda i: (1, i, 0)),
            pl.BlockSpec((1, BN, 16), lambda i: (0, i, 0)),
            pl.BlockSpec((1, BN, 16), lambda i: (1, i, 0)),
            pl.BlockSpec((D, H), lambda i: (0, 0)),
            pl.BlockSpec((H, H), lambda i: (0, 0)),
            pl.BlockSpec((1, H), lambda i: (0, 0)),
            pl.BlockSpec((H, D), lambda i: (0, 0)),
            pl.BlockSpec((1, D), lambda i: (0, 0)),
            pl.BlockSpec((1, D), lambda i: (0, 0)),
            pl.BlockSpec((1, D), lambda i: (0, 0)),
        ],
        out_specs=[
            pl.BlockSpec((BN, D), lambda i: (i, 0)),
            pl.BlockSpec((BN, 16), lambda i: (i, 0)),
        ],
        out_shape=[
            jax.ShapeDtypeStruct((NPAD, D), jnp.float32),
            jax.ShapeDtypeStruct((NPAD, 16), jnp.float32),
        ],
    )(h_pad, x16, pm, pm, pa, pa, nw1ht, nw1mt, nb1.reshape(1, H), nw2t,
      nb2.reshape(1, D), ln_g.reshape(1, D), ln_b.reshape(1, D))


def kernel(h, x, edge_attr, W1, b1, W2, b2, nW1, nb1, nW2, nb2, cW1, cb1,
           cW2, ln_g, ln_b, edge_index):
    f32 = jnp.float32
    h_pad = jnp.pad(h, ((0, NPAD - N), (0, 0)))
    x16 = jnp.pad(x, ((0, NPAD - N), (0, 13)))
    row = edge_index[0].astype(jnp.int32)
    col = edge_index[1].astype(jnp.int32)
    row128 = row.reshape(NCH1, CH1)
    col128 = col.reshape(NCH1, CH1)
    row128p = jnp.pad(row128, ((0, NCHP - NCH1), (0, 0)))
    col128p = jnp.pad(col128, ((0, NCHP - NCH1), (0, 0)))
    row80 = row.reshape(NCH2, CH2)

    w1r_t = W1[:, :D].T.astype(f32)
    w1c_t = W1[:, D:2 * D].T.astype(f32)
    w1d = W1[:, 2 * D]
    w1et = W1[:, 2 * D + 1:].T.astype(f32)
    w1big = jax.scipy.linalg.block_diag(
        *([w1et] * 8)).astype(jnp.bfloat16)
    ea_pk = edge_attr.reshape(E // 8, 128)
    w2t = W2.T.astype(jnp.bfloat16)
    cw1t = cW1.T.astype(jnp.bfloat16)
    cw2t = jnp.pad(cW2, ((0, 15), (0, 0))).T.astype(jnp.bfloat16)
    nw1ht = nW1[:, :D].T.astype(f32)
    nw1mt = nW1[:, D:].T.astype(f32)
    nw2t = nW2.T.astype(f32)

    ta, tb = _build_tables(h_pad, x16, w1r_t, w1c_t, b1)
    ga, gb = _sc_gather(ta, tb, row128p, col128p)
    m_vals, aux = _edge_mlp(ga, gb, ea_pk, w2t, b2, cw1t, cb1, cw2t,
                            w1big, w1d)
    zeros_m = jnp.zeros((NPAD, D), dtype=f32)
    zeros_a = jnp.zeros((NPAD, 16), dtype=f32)
    pm, pa = _sc_scatter(m_vals, aux, row80, zeros_m, zeros_a)
    hout, xout = _node_update(h_pad, x16, pm, pa, nw1ht, nw1mt, nb1, nw2t,
                              nb2, ln_g, ln_b)
    return hout[:N], xout[:N, :3]

# --- scband reference (transcript-rebuilt; emitter-appended) ---
"""Pipeline reference for scband-egnnlayer-4080218931280 (READ-ONLY COPY).

The authoritative reference and input builder live on the scoring server;
editing this copy changes nothing except your own understanding.
"""

import jax, jax.numpy as jnp
import numpy as np

N = 10000
E = 320000
D = 128
DE = 16
H = 128


def setup_inputs(seed: int = 0) -> dict:
    key = jax.random.key(seed)
    ks = jax.random.split(key, 16)
    h = jax.random.normal(ks[0], (N, D), dtype=jnp.float32)
    x = jax.random.normal(ks[1], (N, 3), dtype=jnp.float32)
    edge_index = jax.random.randint(ks[2], (2, E), 0, N)
    edge_attr = jax.random.normal(ks[3], (E, DE), dtype=jnp.float32)
    W1 = jax.random.normal(ks[4], (H, 2 * D + 1 + DE), dtype=jnp.float32) * 0.02
    b1 = jnp.zeros((H,), dtype=jnp.float32)
    W2 = jax.random.normal(ks[5], (H, H), dtype=jnp.float32) * 0.02
    b2 = jnp.zeros((H,), dtype=jnp.float32)
    nW1 = jax.random.normal(ks[6], (H, D + H), dtype=jnp.float32) * 0.02
    nb1 = jnp.zeros((H,), dtype=jnp.float32)
    nW2 = jax.random.normal(ks[7], (D, H), dtype=jnp.float32) * 0.02
    nb2 = jnp.zeros((D,), dtype=jnp.float32)
    cW1 = jax.random.normal(ks[8], (H, H), dtype=jnp.float32) * 0.02
    cb1 = jnp.zeros((H,), dtype=jnp.float32)
    cW2 = jax.random.normal(ks[9], (1, H), dtype=jnp.float32) * 0.02
    ln_g = jnp.ones((D,), dtype=jnp.float32)
    ln_b = jnp.zeros((D,), dtype=jnp.float32)
    return {"h": h, "x": x, "edge_attr": edge_attr, "W1": W1, "b1": b1, "W2": W2, "b2": b2,
            "nW1": nW1, "nb1": nb1, "nW2": nW2, "nb2": nb2, "cW1": cW1, "cb1": cb1, "cW2": cW2,
            "ln_g": ln_g, "ln_b": ln_b, "edge_index": edge_index}


def reference(h, x, edge_attr, W1, b1, W2, b2, nW1, nb1, nW2, nb2, cW1, cb1, cW2, ln_g, ln_b, edge_index):
    silu = jax.nn.silu
    row = edge_index[0]
    col = edge_index[1]
    diff = x[row] - x[col]
    dist_sq = jnp.sum(diff ** 2, axis=-1, keepdims=True)
    dist = jnp.sqrt(dist_sq + 1e-08)
    edge_input = jnp.concatenate([h[row], h[col], jnp.log1p(dist_sq), edge_attr], axis=-1)
    m_ij = silu(silu(edge_input @ W1.T + b1) @ W2.T + b2)
    m_i = jnp.zeros((h.shape[0], H), dtype=h.dtype).at[row].add(m_ij)
    counts = jnp.zeros((h.shape[0], 1), dtype=h.dtype).at[row].add(jnp.ones_like(dist_sq))
    m_i = m_i / (counts + 1e-08)
    radial = diff / (dist + 1e-08)
    coord_w = jnp.tanh(silu(m_ij @ cW1.T + cb1) @ cW2.T)
    trans = radial * coord_w * 0.1
    x_agg = jnp.zeros_like(x).at[row].add(trans)
    x_agg = x_agg / (counts + 1e-08)
    x_out = x + x_agg
    h_input = jnp.concatenate([h, m_i], axis=-1)
    h_res = h + (silu(h_input @ nW1.T + nb1) @ nW2.T + nb2)
    mean = jnp.mean(h_res, axis=-1, keepdims=True)
    var = jnp.var(h_res, axis=-1, keepdims=True)
    h_out = (h_res - mean) / jnp.sqrt(var + 1e-05) * ln_g + ln_b
    return (h_out, x_out)

if __name__ == "__main__":
    import jax
    _d = setup_inputs()
    print(jax.jit(kernel)(*tuple(_d.values())))

</pallas_src>

<mosaic_0001>
#map = affine_map<(d0, d1) -> (0, 0)>
module attributes {stable_mosaic.version = 14 : i64} {
  func.func @k(%arg0: i32, %arg1: i32, %arg2: memref<10240x128xf32, #tpu.memory_space<hbm>>, %arg3: memref<10240x128xf32, #tpu.memory_space<hbm>>, %arg4: memref<2512x128xi32, #tpu.memory_space<hbm>>, %arg5: memref<2512x128xi32, #tpu.memory_space<hbm>>, %arg6: memref<321536x128xf32, #tpu.memory_space<hbm>>, %arg7: memref<321536x128xf32, #tpu.memory_space<hbm>>, %arg8: memref<10240x128xf32, #tpu.memory_space<vmem_shared>>, %arg9: memref<2x128xi32, #tpu.memory_space<vmem>>, %arg10: memref<2x128x128xf32, #tpu.memory_space<vmem>>, %arg11: memref<!tpu.dma_semaphore, #tpu.memory_space<semaphore_mem>>, %arg12: memref<!tpu.dma_semaphore, #tpu.memory_space<semaphore_mem>>, %arg13: memref<!tpu.dma_semaphore, #tpu.memory_space<semaphore_mem>>, %arg14: memref<!tpu.dma_semaphore, #tpu.memory_space<semaphore_mem>>, %arg15: memref<!tpu.dma_semaphore, #tpu.memory_space<semaphore_mem>>, %arg16: memref<!tpu.dma_semaphore, #tpu.memory_space<semaphore_mem>>) attributes {dimension_semantics = [#tpu.dimension_semantics<core_parallel>, #tpu.dimension_semantics<subcore_parallel>], iteration_bounds = array<i64: 2, 16>, scalar_prefetch = 0 : i64, scratch_operands = 9 : i64, tpu.core_type = #tpu.core_type<sc_vector_subcore>, window_params = [{transform_indices = #map}, {transform_indices = #map}, {transform_indices = #map}, {transform_indices = #map}, {transform_indices = #map}, {transform_indices = #map}]} {
    %mul3A = arith.constant 640 : i32
    %mul3A_0 = arith.muli %arg1, %mul3A : i32
    %eq3A = arith.constant 0 : i32
    %eq3A_1 = arith.cmpi eq, %arg0, %eq3A : i32
    %convert_element_type3A = arith.extui %eq3A_1 : i1 to i32
    %cond3A = arith.constant 0 : i32
    %cond3A_2 = arith.cmpi ne, %convert_element_type3A, %cond3A : i32
    scf.if %cond3A_2 {
      "tpu.region"() ({
        %run_scoped3A = tpu.sem_alloc : memref<!tpu.dma_semaphore, #tpu.memory_space<semaphore_mem>>
        %dma_start3A = arith.constant 0 : i32
        %dma_start3A_18 = tpu.memref_slice %arg8[%mul3A_0, %dma_start3A] : memref<10240x128xf32, #tpu.memory_space<vmem_shared>> -> memref<640x128xf32, #tpu.memory_space<vmem_shared>>
        %dma_start3A_19 = arith.constant 0 : i32
        %dma_start3A_20 = tpu.memref_slice %arg2[%mul3A_0, %dma_start3A_19] : memref<10240x128xf32, #tpu.memory_space<hbm>> -> memref<640x128xf32, #tpu.memory_space<hbm>>
        tpu.enqueue_dma source(%dma_start3A_20 : memref<640x128xf32, #tpu.memory_space<hbm>>) target(%dma_start3A_18 : memref<640x128xf32, #tpu.memory_space<vmem_shared>>) target_semaphore(%run_scoped3A : memref<!tpu.dma_semaphore, #tpu.memory_space<semaphore_mem>>)
        %dma_wait3A = arith.constant 0 : i32
        %dma_wait3A_21 = tpu.memref_slice %arg8[%mul3A_0, %dma_wait3A] : memref<10240x128xf32, #tpu.memory_space<vmem_shared>> -> memref<640x128xf32, #tpu.memory_space<vmem_shared>>
        %dma_wait3A_22 = arith.constant 0 : i32
        %dma_wait3A_23 = tpu.memref_slice %arg2[%mul3A_0, %dma_wait3A_22] : memref<10240x128xf32, #tpu.memory_space<hbm>> -> memref<640x128xf32, #tpu.memory_space<hbm>>
        tpu.wait_dma2 semaphore(%run_scoped3A : memref<!tpu.dma_semaphore, #tpu.memory_space<semaphore_mem>>) src(%dma_wait3A_23 : memref<640x128xf32, #tpu.memory_space<hbm>>) dst(%dma_wait3A_21 : memref<640x128xf32, #tpu.memory_space<vmem_shared>>)
        tpu.yield
      }) : () -> ()
    } else {
    }
    %eq3A_3 = arith.constant 1 : i32
    %eq3A_4 = arith.cmpi eq, %arg0, %eq3A_3 : i32
    %convert_element_type3A_5 = arith.extui %eq3A_4 : i1 to i32
    %cond3A_6 = arith.constant 0 : i32
    %cond3A_7 = arith.cmpi ne, %convert_element_type3A_5, %cond3A_6 : i32
    scf.if %cond3A_7 {
      "tpu.region"() ({
        %run_scoped3A = tpu.sem_alloc : memref<!tpu.dma_semaphore, #tpu.memory_space<semaphore_mem>>
        %dma_start3A = arith.constant 0 : i32
        %dma_start3A_18 = tpu.memref_slice %arg8[%mul3A_0, %dma_start3A] : memref<10240x128xf32, #tpu.memory_space<vmem_shared>> -> memref<640x128xf32, #tpu.memory_space<vmem_shared>>
        %dma_start3A_19 = arith.constant 0 : i32
        %dma_start3A_20 = tpu.memref_slice %arg3[%mul3A_0, %dma_start3A_19] : memref<10240x128xf32, #tpu.memory_space<hbm>> -> memref<640x128xf32, #tpu.memory_space<hbm>>
        tpu.enqueue_dma source(%dma_start3A_20 : memref<640x128xf32, #tpu.memory_space<hbm>>) target(%dma_start3A_18 : memref<640x128xf32, #tpu.memory_space<vmem_shared>>) target_semaphore(%run_scoped3A : memref<!tpu.dma_semaphore, #tpu.memory_space<semaphore_mem>>)
        %dma_wait3A = arith.constant 0 : i32
        %dma_wait3A_21 = tpu.memref_slice %arg8[%mul3A_0, %dma_wait3A] : memref<10240x128xf32, #tpu.memory_space<vmem_shared>> -> memref<640x128xf32, #tpu.memory_space<vmem_shared>>
        %dma_wait3A_22 = arith.constant 0 : i32
        %dma_wait3A_23 = tpu.memref_slice %arg3[%mul3A_0, %dma_wait3A_22] : memref<10240x128xf32, #tpu.memory_space<hbm>> -> memref<640x128xf32, #tpu.memory_space<hbm>>
        tpu.wait_dma2 semaphore(%run_scoped3A : memref<!tpu.dma_semaphore, #tpu.memory_space<semaphore_mem>>) src(%dma_wait3A_23 : memref<640x128xf32, #tpu.memory_space<hbm>>) dst(%dma_wait3A_21 : memref<640x128xf32, #tpu.memory_space<vmem_shared>>)
        tpu.yield
      }) : () -> ()
    } else {
    }
    %barrier3A = arith.constant 0 : index
    tpu.barrier barrier_id(%barrier3A)
    %eq3A_8 = arith.constant 0 : i32
    %eq3A_9 = arith.cmpi eq, %arg0, %eq3A_8 : i32
    %convert_element_type3A_10 = arith.extui %eq3A_9 : i1 to i32
    %cond3A_11 = arith.constant 0 : i32
    %cond3A_12 = arith.cmpi ne, %convert_element_type3A_10, %cond3A_11 : i32
    scf.if %cond3A_12 {
      %add3A = arith.constant 0 : i32
      %add3A_18 = arith.addi %arg1, %add3A : i32
      %dma_start3A = arith.constant 0 : i32
      %dma_start3A_19 = arith.constant 0 : i32
      %dma_start3A_20 = tpu.memref_slice %arg9[%dma_start3A, %dma_start3A_19] : memref<2x128xi32, #tpu.memory_space<vmem>> -> memref<1x128xi32, #tpu.memory_space<vmem>>
      %dma_start3A_21 = tpu.memref_squeeze %dma_start3A_20 : memref<1x128xi32, #tpu.memory_space<vmem>> -> memref<128xi32, #tpu.memory_space<vmem>>
      %dma_start3A_22 = arith.constant 0 : i32
      %dma_start3A_23 = tpu.memref_slice %arg4[%add3A_18, %dma_start3A_22] : memref<2512x128xi32, #tpu.memory_space<hbm>> -> memref<1x128xi32, #tpu.memory_space<hbm>>
      %dma_start3A_24 = tpu.memref_squeeze %dma_start3A_23 : memref<1x128xi32, #tpu.memory_space<hbm>> -> memref<128xi32, #tpu.memory_space<hbm>>
      %dma_start3A_25 = arith.constant 0 : i32
      %dma_start3A_26 = tpu.memref_slice %arg9[%dma_start3A, %dma_start3A_25] : memref<2x128xi32, #tpu.memory_space<vmem>> -> memref<1x128xi32, #tpu.memory_space<vmem>>
      %dma_start3A_27 = tpu.memref_squeeze %dma_start3A_26 : memref<1x128xi32, #tpu.memory_space<vmem>> -> memref<128xi32, #tpu.memory_space<vmem>>
      %dma_start3A_28 = arith.constant 0 : i32
      %dma_start3A_29 = tpu.memref_slice %arg4[%add3A_18, %dma_start3A_28] : memref<2512x128xi32, #tpu.memory_space<hbm>> -> memref<1x128xi32, #tpu.memory_space<hbm>>
      %dma_start3A_30 = tpu.memref_squeeze %dma_start3A_29 : memref<1x128xi32, #tpu.memory_space<hbm>> -> memref<128xi32, #tpu.memory_space<hbm>>
      tpu.enqueue_dma source(%dma_start3A_30 : memref<128xi32, #tpu.memory_space<hbm>>) target(%dma_start3A_27 : memref<128xi32, #tpu.memory_space<vmem>>) target_semaphore(%arg11 : memref<!tpu.dma_semaphore, #tpu.memory_space<semaphore_mem>>)
      %add3A_31 = arith.constant 16 : i32
      %add3A_32 = arith.addi %arg1, %add3A_31 : i32
      %dma_start3A_33 = arith.constant 1 : i32
      %dma_start3A_34 = arith.constant 0 : i32
      %dma_start3A_35 = tpu.memref_slice %arg9[%dma_start3A_33, %dma_start3A_34] : memref<2x128xi32, #tpu.memory_space<vmem>> -> memref<1x128xi32, #tpu.memory_space<vmem>>
      %dma_start3A_36 = tpu.memref_squeeze %dma_start3A_35 : memref<1x128xi32, #tpu.memory_space<vmem>> -> memref<128xi32, #tpu.memory_space<vmem>>
      %dma_start3A_37 = arith.constant 0 : i32
      %dma_start3A_38 = tpu.memref_slice %arg4[%add3A_32, %dma_start3A_37] : memref<2512x128xi32, #tpu.memory_space<hbm>> -> memref<1x128xi32, #tpu.memory_space<hbm>>
      %dma_start3A_39 = tpu.memref_squeeze %dma_start3A_38 : memref<1x128xi32, #tpu.memory_space<hbm>> -> memref<128xi32, #tpu.memory_space<hbm>>
      %dma_start3A_40 = arith.constant 0 : i32
      %dma_start3A_41 = tpu.memref_slice %arg9[%dma_start3A_33, %dma_start3A_40] : memref<2x128xi32, #tpu.memory_space<vmem>> -> memref<1x128xi32, #tpu.memory_space<vmem>>
      %dma_start3A_42 = tpu.memref_squeeze %dma_start3A_41 : memref<1x128xi32, #tpu.memory_space<vmem>> -> memref<128xi32, #tpu.memory_space<vmem>>
      %dma_start3A_43 = arith.constant 0 : i32
      %dma_start3A_44 = tpu.memref_slice %arg4[%add3A_32, %dma_start3A_43] : memref<2512x128xi32, #tpu.memory_space<hbm>> -> memref<1x128xi32, #tpu.memory_space<hbm>>
      %dma_start3A_45 = tpu.memref_squeeze %dma_start3A_44 : memref<1x128xi32, #tpu.memory_space<hbm>> -> memref<128xi32, #tpu.memory_space<hbm>>
      tpu.enqueue_dma source(%dma_start3A_45 : memref<128xi32, #tpu.memory_space<hbm>>) target(%dma_start3A_42 : memref<128xi32, #tpu.memory_space<vmem>>) target_semaphore(%arg12 : memref<!tpu.dma_semaphore, #tpu.memory_space<semaphore_mem>>)
      %scan3A = arith.constant 0 : i32
      %scan3A_46 = arith.constant 78 : i32
      %scan3A_47 = arith.addi %scan3A, %scan3A_46 : i32
      %scan3A_48 = arith.constant 1 : i32
      scf.for %scan3A_185 = %scan3A to %scan3A_47 step %scan3A_48  : i32 {
        %mul3A_186 = arith.constant 1 : i32
        %mul3A_187 = arith.muli %scan3A_185, %mul3A_186 : i32
        %add3A_188 = arith.constant 0 : i32
        %add3A_189 = arith.addi %add3A_188, %mul3A_187 : i32
        %mul3A_190 = arith.constant 2 : i32
        %mul3A_191 = arith.muli %add3A_189, %mul3A_190 : i32
        %add3A_192 = arith.constant 0 : i32
        %add3A_193 = arith.addi %mul3A_191, %add3A_192 : i32
        %ge3A = arith.constant 2 : i32
        %ge3A_194 = arith.cmpi sge, %add3A_193, %ge3A : i32
        %convert_element_type3A_195 = arith.extui %ge3A_194 : i1 to i32
        %cond3A_196 = arith.constant 0 : i32
        %cond3A_197 = arith.cmpi ne, %convert_element_type3A_195, %cond3A_196 : i32
        scf.if %cond3A_197 {
          %sub3A = arith.constant 2 : i32
          %sub3A_271 = arith.subi %add3A_193, %sub3A : i32
          %mul3A_272 = arith.constant 16 : i32
          %mul3A_273 = arith.muli %mul3A_272, %sub3A_271 : i32
          %add3A_274 = arith.addi %arg1, %mul3A_273 : i32
          %mul3A_275 = arith.constant 128 : i32
          %mul3A_276 = arith.muli %add3A_274, %mul3A_275 : i32
          %dma_wait3A_277 = arith.constant 0 : i32
          %dma_wait3A_278 = arith.constant 0 : i32
          %dma_wait3A_279 = arith.constant 0 : i32
          %dma_wait3A_280 = tpu.memref_slice %arg10[%dma_wait3A_277, %dma_wait3A_278, %dma_wait3A_279] : memref<2x128x128xf32, #tpu.memory_space<vmem>> -> memref<1x128x128xf32, #tpu.memory_space<vmem>>
          %dma_wait3A_281 = tpu.memref_squeeze %dma_wait3A_280 : memref<1x128x128xf32, #tpu.memory_space<vmem>> -> memref<128x128xf32, #tpu.memory_space<vmem>>
          %dma_wait3A_282 = arith.constant 0 : i32
          %dma_wait3A_283 = tpu.memref_slice %arg6[%mul3A_276, %dma_wait3A_282] : memref<321536x128xf32, #tpu.memory_space<hbm>> -> memref<128x128xf32, #tpu.memory_space<hbm>>
          %dma_wait3A_284 = arith.constant 0 : i32
          %dma_wait3A_285 = tpu.memref_slice %arg6[%mul3A_276, %dma_wait3A_284] : memref<321536x128xf32, #tpu.memory_space<hbm>> -> memref<128x128xf32, #tpu.memory_space<hbm>>
          %dma_wait3A_286 = arith.constant 0 : i32
          %dma_wait3A_287 = arith.constant 0 : i32
          %dma_wait3A_288 = tpu.memref_slice %arg10[%dma_wait3A_277, %dma_wait3A_286, %dma_wait3A_287] : memref<2x128x128xf32, #tpu.memory_space<vmem>> -> memref<1x128x128xf32, #tpu.memory_space<vmem>>
          %dma_wait3A_289 = tpu.memref_squeeze %dma_wait3A_288 : memref<1x128x128xf32, #tpu.memory_space<vmem>> -> memref<128x128xf32, #tpu.memory_space<vmem>>
          tpu.wait_dma2 semaphore(%arg15 : memref<!tpu.dma_semaphore, #tpu.memory_space<semaphore_mem>>) src(%dma_wait3A_289 : memref<128x128xf32, #tpu.memory_space<vmem>>) dst(%dma_wait3A_285 : memref<128x128xf32, #tpu.memory_space<hbm>>)
        } else {
        }
        %mul3A_198 = arith.constant 16 : i32
        %mul3A_199 = arith.muli %mul3A_198, %add3A_193 : i32
        %add3A_200 = arith.addi %arg1, %mul3A_199 : i32
        %dma_wait3A_201 = arith.constant 0 : i32
        %dma_wait3A_202 = arith.constant 0 : i32
        %dma_wait3A_203 = tpu.memref_slice %arg9[%dma_wait3A_201, %dma_wait3A_202] : memref<2x128xi32, #tpu.memory_space<vmem>> -> memref<1x128xi32, #tpu.memory_space<vmem>>
        %dma_wait3A_204 = tpu.memref_squeeze %dma_wait3A_203 : memref<1x128xi32, #tpu.memory_space<vmem>> -> memref<128xi32, #tpu.memory_space<vmem>>
        %dma_wait3A_205 = arith.constant 0 : i32
        %dma_wait3A_206 = tpu.memref_slice %arg4[%add3A_200, %dma_wait3A_205] : memref<2512x128xi32, #tpu.memory_space<hbm>> -> memref<1x128xi32, #tpu.memory_space<hbm>>
        %dma_wait3A_207 = tpu.memref_squeeze %dma_wait3A_206 : memref<1x128xi32, #tpu.memory_space<hbm>> -> memref<128xi32, #tpu.memory_space<hbm>>
        %dma_wait3A_208 = arith.constant 0 : i32
        %dma_wait3A_209 = tpu.memref_slice %arg9[%dma_wait3A_201, %dma_wait3A_208] : memref<2x128xi32, #tpu.memory_space<vmem>> -> memref<1x128xi32, #tpu.memory_space<vmem>>
        %dma_wait3A_210 = tpu.memref_squeeze %dma_wait3A_209 : memref<1x128xi32, #tpu.memory_space<vmem>> -> memref<128xi32, #tpu.memory_space<vmem>>
        %dma_wait3A_211 = arith.constant 0 : i32
        %dma_wait3A_212 = tpu.memref_slice %arg4[%add3A_200, %dma_wait3A_211] : memref<2512x128xi32, #tpu.memory_space<hbm>> -> memref<1x128xi32, #tpu.memory_space<hbm>>
        %dma_wait3A_213 = tpu.memref_squeeze %dma_wait3A_212 : memref<1x128xi32, #tpu.memory_space<hbm>> -> memref<128xi32, #tpu.memory_space<hbm>>
        tpu.wait_dma2 semaphore(%arg11 : memref<!tpu.dma_semaphore, #tpu.memory_space<semaphore_mem>>) src(%dma_wait3A_213 : memref<128xi32, #tpu.memory_space<hbm>>) dst(%dma_wait3A_210 : memref<128xi32, #tpu.memory_space<vmem>>)
        %dma_start3A_214 = arith.constant 0 : i32
        %dma_start3A_215 = arith.constant 0 : i32
        %dma_start3A_216 = arith.constant 0 : i32
        %dma_start3A_217 = arith.constant 0 : i32
        %dma_start3A_218 = tpu.memref_slice %arg10[%dma_start3A_215, %dma_start3A_216, %dma_start3A_217] : memref<2x128x128xf32, #tpu.memory_space<vmem>> -> memref<1x128x128xf32, #tpu.memory_space<vmem>>
        %dma_start3A_219 = tpu.memref_squeeze %dma_start3A_218 : memref<1x128x128xf32, #tpu.memory_space<vmem>> -> memref<128x128xf32, #tpu.memory_space<vmem>>
        %dma_start3A_220 = arith.constant 0 : i32
        %dma_start3A_221 = tpu.memref_slice %arg9[%dma_start3A_214, %dma_start3A_220] : memref<2x128xi32, #tpu.memory_space<vmem>> -> memref<1x128xi32, #tpu.memory_space<vmem>>
        %dma_start3A_222 = tpu.memref_squeeze %dma_start3A_221 : memref<1x128xi32, #tpu.memory_space<vmem>> -> memref<128xi32, #tpu.memory_space<vmem>>
        %dma_start3A_223 = arith.constant 0 : i32
        %dma_start3A_224 = arith.constant 0 : i32
        %dma_start3A_225 = tpu.memref_slice %arg8[%dma_start3A_223, %dma_start3A_224] : memref<10240x128xf32, #tpu.memory_space<vmem_shared>> -> memref<10240x128xf32, #tpu.memory_space<vmem_shared>>
        tpu.enqueue_indirect_dma source(%dma_start3A_225 : memref<10240x128xf32, #tpu.memory_space<vmem_shared>>) target(%dma_start3A_219 : memref<128x128xf32, #tpu.memory_space<vmem>>) offsets(%dma_start3A_222 : memref<128xi32, #tpu.memory_space<vmem>>) semaphore(%arg13 : memref<!tpu.dma_semaphore, #tpu.memory_space<semaphore_mem>>)
        %ge3A_226 = arith.constant 1 : i32
        %ge3A_227 = arith.cmpi sge, %add3A_193, %ge3A_226 : i32
        %convert_element_type3A_228 = arith.extui %ge3A_227 : i1 to i32
        %cond3A_229 = arith.constant 0 : i32
        %cond3A_230 = arith.cmpi ne, %convert_element_type3A_228, %cond3A_229 : i32
        scf.if %cond3A_230 {
          %dma_wait3A_271 = arith.constant 1 : i32
          %dma_wait3A_272 = arith.constant 1 : i32
          %dma_wait3A_273 = arith.constant 0 : i32
          %dma_wait3A_274 = arith.constant 0 : i32
          %dma_wait3A_275 = tpu.memref_slice %arg10[%dma_wait3A_272, %dma_wait3A_273, %dma_wait3A_274] : memref<2x128x128xf32, #tpu.memory_space<vmem>> -> memref<1x128x128xf32, #tpu.memory_space<vmem>>
          %dma_wait3A_276 = tpu.memref_squeeze %dma_wait3A_275 : memref<1x128x128xf32, #tpu.memory_space<vmem>> -> memref<128x128xf32, #tpu.memory_space<vmem>>
          %dma_wait3A_277 = arith.constant 0 : i32
          %dma_wait3A_278 = tpu.memref_slice %arg9[%dma_wait3A_271, %dma_wait3A_277] : memref<2x128xi32, #tpu.memory_space<vmem>> -> memref<1x128xi32, #tpu.memory_space<vmem>>
          %dma_wait3A_279 = tpu.memref_squeeze %dma_wait3A_278 : memref<1x128xi32, #tpu.memory_space<vmem>> -> memref<128xi32, #tpu.memory_space<vmem>>
          %dma_wait3A_280 = arith.constant 0 : i32
          %dma_wait3A_281 = arith.constant 0 : i32
          %dma_wait3A_282 = tpu.memref_slice %arg8[%dma_wait3A_280, %dma_wait3A_281] : memref<10240x128xf32, #tpu.memory_space<vmem_shared>> -> memref<10240x128xf32, #tpu.memory_space<vmem_shared>>
          tpu.wait_indirect_dma semaphore(%arg14 : memref<!tpu.dma_semaphore, #tpu.memory_space<semaphore_mem>>) src(%dma_wait3A_282 : memref<10240x128xf32, #tpu.memory_space<vmem_shared>>) dst(%dma_wait3A_276 : memref<128x128xf32, #tpu.memory_space<vmem>>)
          %sub3A = arith.constant 1 : i32
          %sub3A_283 = arith.subi %add3A_193, %sub3A : i32
          %mul3A_284 = arith.constant 16 : i32
          %mul3A_285 = arith.muli %mul3A_284, %sub3A_283 : i32
          %add3A_286 = arith.addi %arg1, %mul3A_285 : i32
          %mul3A_287 = arith.constant 128 : i32
          %mul3A_288 = arith.muli %add3A_286, %mul3A_287 : i32
          %dma_start3A_289 = arith.constant 1 : i32
          %dma_start3A_290 = arith.constant 0 : i32
          %dma_start3A_291 = arith.constant 0 : i32
          %dma_start3A_292 = tpu.memref_slice %arg10[%dma_start3A_289, %dma_start3A_290, %dma_start3A_291] : memref<2x128x128xf32, #tpu.memory_space<vmem>> -> memref<1x128x128xf32, #tpu.memory_space<vmem>>
          %dma_start3A_293 = tpu.memref_squeeze %dma_start3A_292 : memref<1x128x128xf32, #tpu.memory_space<vmem>> -> memref<128x128xf32, #tpu.memory_space<vmem>>
          %dma_start3A_294 = arith.constant 0 : i32
          %dma_start3A_295 = tpu.memref_slice %arg6[%mul3A_288, %dma_start3A_294] : memref<321536x128xf32, #tpu.memory_space<hbm>> -> memref<128x128xf32, #tpu.memory_space<hbm>>
          %dma_start3A_296 = arith.constant 0 : i32
          %dma_start3A_297 = tpu.memref_slice %arg6[%mul3A_288, %dma_start3A_296] : memref<321536x128xf32, #tpu.memory_space<hbm>> -> memref<128x128xf32, #tpu.memory_space<hbm>>
          %dma_start3A_298 = arith.constant 0 : i32
          %dma_start3A_299 = arith.constant 0 : i32
          %dma_start3A_300 = tpu.memref_slice %arg10[%dma_start3A_289, %dma_start3A_298, %dma_start3A_299] : memref<2x128x128xf32, #tpu.memory_space<vmem>> -> memref<1x128x128xf32, #tpu.memory_space<vmem>>
          %dma_start3A_301 = tpu.memref_squeeze %dma_start3A_300 : memref<1x128x128xf32, #tpu.memory_space<vmem>> -> memref<128x128xf32, #tpu.memory_space<vmem>>
          tpu.enqueue_dma source(%dma_start3A_301 : memref<128x128xf32, #tpu.memory_space<vmem>>) target(%dma_start3A_297 : memref<128x128xf32, #tpu.memory_space<hbm>>) target_semaphore(%arg16 : memref<!tpu.dma_semaphore, #tpu.memory_space<semaphore_mem>>)
          %add3A_302 = arith.constant 1 : i32
          %add3A_303 = arith.addi %add3A_193, %add3A_302 : i32
          %lt3A = arith.constant 157 : i32
          %lt3A_304 = arith.cmpi slt, %add3A_303, %lt3A : i32
          %convert_element_type3A_305 = arith.extui %lt3A_304 : i1 to i32
          %cond3A_306 = arith.constant 0 : i32
          %cond3A_307 = arith.cmpi ne, %convert_element_type3A_305, %cond3A_306 : i32
          scf.if %cond3A_307 {
            %add3A_308 = arith.constant 1 : i32
            %add3A_309 = arith.addi %add3A_193, %add3A_308 : i32
            %mul3A_310 = arith.constant 16 : i32
            %mul3A_311 = arith.muli %mul3A_310, %add3A_309 : i32
            %add3A_312 = arith.addi %arg1, %mul3A_311 : i32
            %dma_start3A_313 = arith.constant 1 : i32
            %dma_start3A_314 = arith.constant 0 : i32
            %dma_start3A_315 = tpu.memref_slice %arg9[%dma_start3A_313, %dma_start3A_314] : memref<2x128xi32, #tpu.memory_space<vmem>> -> memref<1x128xi32, #tpu.memory_space<vmem>>
            %dma_start3A_316 = tpu.memref_squeeze %dma_start3A_315 : memref<1x128xi32, #tpu.memory_space<vmem>> -> memref<128xi32, #tpu.memory_space<vmem>>
            %dma_start3A_317 = arith.constant 0 : i32
            %dma_start3A_318 = tpu.memref_slice %arg4[%add3A_312, %dma_start3A_317] : memref<2512x128xi32, #tpu.memory_space<hbm>> -> memref<1x128xi32, #tpu.memory_space<hbm>>
            %dma_start3A_319 = tpu.memref_squeeze %dma_start3A_318 : memref<1x128xi32, #tpu.memory_space<hbm>> -> memref<128xi32, #tpu.memory_space<hbm>>
            %dma_start3A_320 = arith.constant 0 : i32
            %dma_start3A_321 = tpu.memref_slice %arg9[%dma_start3A_313, %dma_start3A_320] : memref<2x128xi32, #tpu.memory_space<vmem>> -> memref<1x128xi32, #tpu.memory_space<vmem>>
            %dma_start3A_322 = tpu.memref_squeeze %dma_start3A_321 : memref<1x128xi32, #tpu.memory_space<vmem>> -> memref<128xi32, #tpu.memory_space<vmem>>
            %dma_start3A_323 = arith.constant 0 : i32
            %dma_start3A_324 = tpu.memref_slice %arg4[%add3A_312, %dma_start3A_323] : memref<2512x128xi32, #tpu.memory_space<hbm>> -> memref<1x128xi32, #tpu.memory_space<hbm>>
            %dma_start3A_325 = tpu.memref_squeeze %dma_start3A_324 : memref<1x128xi32, #tpu.memory_space<hbm>> -> memref<128xi32, #tpu.memory_space<hbm>>
            tpu.enqueue_dma source(%dma_start3A_325 : memref<128xi32, #tpu.memory_space<hbm>>) target(%dma_start3A_322 : memref<128xi32, #tpu.memory_space<vmem>>) target_semaphore(%arg12 : memref<!tpu.dma_semaphore, #tpu.memory_space<semaphore_mem>>)
          } else {
          }
        } else {
        }
        %add3A_231 = arith.constant 1 : i32
        %add3A_232 = arith.addi %mul3A_191, %add3A_231 : i32
        %ge3A_233 = arith.constant 2 : i32
        %ge3A_234 = arith.cmpi sge, %add3A_232, %ge3A_233 : i32
        %convert_element_type3A_235 = arith.extui %ge3A_234 : i1 to i32
        %cond3A_236 = arith.constant 0 : i32
        %cond3A_237 = arith.cmpi ne, %convert_element_type3A_235, %cond3A_236 : i32
        scf.if %cond3A_237 {
          %sub3A = arith.constant 2 : i32
          %sub3A_271 = arith.subi %add3A_232, %sub3A : i32
          %mul3A_272 = arith.constant 16 : i32
          %mul3A_273 = arith.muli %mul3A_272, %sub3A_271 : i32
          %add3A_274 = arith.addi %arg1, %mul3A_273 : i32
          %mul3A_275 = arith.constant 128 : i32
          %mul3A_276 = arith.muli %add3A_274, %mul3A_275 : i32
          %dma_wait3A_277 = arith.constant 1 : i32
          %dma_wait3A_278 = arith.constant 0 : i32
          %dma_wait3A_279 = arith.constant 0 : i32
          %dma_wait3A_280 = tpu.memref_slice %arg10[%dma_wait3A_277, %dma_wait3A_278, %dma_wait3A_279] : memref<2x128x128xf32, #tpu.memory_space<vmem>> -> memref<1x128x128xf32, #tpu.memory_space<vmem>>
          %dma_wait3A_281 = tpu.memref_squeeze %dma_wait3A_280 : memref<1x128x128xf32, #tpu.memory_space<vmem>> -> memref<128x128xf32, #tpu.memory_space<vmem>>
          %dma_wait3A_282 = arith.constant 0 : i32
          %dma_wait3A_283 = tpu.memref_slice %arg6[%mul3A_276, %dma_wait3A_282] : memref<321536x128xf32, #tpu.memory_space<hbm>> -> memref<128x128xf32, #tpu.memory_space<hbm>>
          %dma_wait3A_284 = arith.constant 0 : i32
          %dma_wait3A_285 = tpu.memref_slice %arg6[%mul3A_276, %dma_wait3A_284] : memref<321536x128xf32, #tpu.memory_space<hbm>> -> memref<128x128xf32, #tpu.memory_space<hbm>>
          %dma_wait3A_286 = arith.constant 0 : i32
          %dma_wait3A_287 = arith.constant 0 : i32
          %dma_wait3A_288 = tpu.memref_slice %arg10[%dma_wait3A_277, %dma_wait3A_286, %dma_wait3A_287] : memref<2x128x128xf32, #tpu.memory_space<vmem>> -> memref<1x128x128xf32, #tpu.memory_space<vmem>>
          %dma_wait3A_289 = tpu.memref_squeeze %dma_wait3A_288 : memref<1x128x128xf32, #tpu.memory_space<vmem>> -> memref<128x128xf32, #tpu.memory_space<vmem>>
          tpu.wait_dma2 semaphore(%arg16 : memref<!tpu.dma_semaphore, #tpu.memory_space<semaphore_mem>>) src(%dma_wait3A_289 : memref<128x128xf32, #tpu.memory_space<vmem>>) dst(%dma_wait3A_285 : memref<128x128xf32, #tpu.memory_space<hbm>>)
        } else {
        }
        %mul3A_238 = arith.constant 16 : i32
        %mul3A_239 = arith.muli %mul3A_238, %add3A_232 : i32
        %add3A_240 = arith.addi %arg1, %mul3A_239 : i32
        %dma_wait3A_241 = arith.constant 1 : i32
        %dma_wait3A_242 = arith.constant 0 : i32
        %dma_wait3A_243 = tpu.memref_slice %arg9[%dma_wait3A_241, %dma_wait3A_242] : memref<2x128xi32, #tpu.memory_space<vmem>> -> memref<1x128xi32, #tpu.memory_space<vmem>>
        %dma_wait3A_244 = tpu.memref_squeeze %dma_wait3A_243 : memref<1x128xi32, #tpu.memory_space<vmem>> -> memref<128xi32, #tpu.memory_space<vmem>>
        %dma_wait3A_245 = arith.constant 0 : i32
        %dma_wait3A_246 = tpu.memref_slice %arg4[%add3A_240, %dma_wait3A_245] : memref<2512x128xi32, #tpu.memory_space<hbm>> -> memref<1x128xi32, #tpu.memory_space<hbm>>
        %dma_wait3A_247 = tpu.memref_squeeze %dma_wait3A_246 : memref<1x128xi32, #tpu.memory_space<hbm>> -> memref<128xi32, #tpu.memory_space<hbm>>
        %dma_wait3A_248 = arith.constant 0 : i32
        %dma_wait3A_249 = tpu.memref_slice %arg9[%dma_wait3A_241, %dma_wait3A_248] : memref<2x128xi32, #tpu.memory_space<vmem>> -> memref<1x128xi32, #tpu.memory_space<vmem>>
        %dma_wait3A_250 = tpu.memref_squeeze %dma_wait3A_249 : memref<1x128xi32, #tpu.memory_space<vmem>> -> memref<128xi32, #tpu.memory_space<vmem>>
        %dma_wait3A_251 = arith.constant 0 : i32
        %dma_wait3A_252 = tpu.memref_slice %arg4[%add3A_240, %dma_wait3A_251] : memref<2512x128xi32, #tpu.memory_space<hbm>> -> memref<1x128xi32, #tpu.memory_space<hbm>>
        %dma_wait3A_253 = tpu.memref_squeeze %dma_wait3A_252 : memref<1x128xi32, #tpu.memory_space<hbm>> -> memref<128xi32, #tpu.memory_space<hbm>>
        tpu.wait_dma2 semaphore(%arg12 : memref<!tpu.dma_semaphore, #tpu.memory_space<semaphore_mem>>) src(%dma_wait3A_253 : memref<128xi32, #tpu.memory_space<hbm>>) dst(%dma_wait3A_250 : memref<128xi32, #tpu.memory_space<vmem>>)
        %dma_start3A_254 = arith.constant 1 : i32
        %dma_start3A_255 = arith.constant 1 : i32
        %dma_start3A_256 = arith.constant 0 : i32
        %dma_start3A_257 = arith.constant 0 : i32
        %dma_start3A_258 = tpu.memref_slice %arg10[%dma_start3A_255, %dma_start3A_256, %dma_start3A_257] : memref<2x128x128xf32, #tpu.memory_space<vmem>> -> memref<1x128x128xf32, #tpu.memory_space<vmem>>
        %dma_start3A_259 = tpu.memref_squeeze %dma_start3A_258 : memref<1x128x128xf32, #tpu.memory_space<vmem>> -> memref<128x128xf32, #tpu.memory_space<vmem>>
        %dma_start3A_260 = arith.constant 0 : i32
        %dma_start3A_261 = tpu.memref_slice %arg9[%dma_start3A_254, %dma_start3A_260] : memref<2x128xi32, #tpu.memory_space<vmem>> -> memref<1x128xi32, #tpu.memory_space<vmem>>
        %dma_start3A_262 = tpu.memref_squeeze %dma_start3A_261 : memref<1x128xi32, #tpu.memory_space<vmem>> -> memref<128xi32, #tpu.memory_space<vmem>>
        %dma_start3A_263 = arith.constant 0 : i32
        %dma_start3A_264 = arith.constant 0 : i32
        %dma_start3A_265 = tpu.memref_slice %arg8[%dma_start3A_263, %dma_start3A_264] : memref<10240x128xf32, #tpu.memory_space<vmem_shared>> -> memref<10240x128xf32, #tpu.memory_space<vmem_shared>>
        tpu.enqueue_indirect_dma source(%dma_start3A_265 : memref<10240x128xf32, #tpu.memory_space<vmem_shared>>) target(%dma_start3A_259 : memref<128x128xf32, #tpu.memory_space<vmem>>) offsets(%dma_start3A_262 : memref<128xi32, #tpu.memory_space<vmem>>) semaphore(%arg14 : memref<!tpu.dma_semaphore, #tpu.memory_space<semaphore_mem>>)
        %ge3A_266 = arith.constant 1 : i32
        %ge3A_267 = arith.cmpi sge, %add3A_232, %ge3A_266 : i32
        %convert_element_type3A_268 = arith.extui %ge3A_267 : i1 to i32
        %cond3A_269 = arith.constant 0 : i32
        %cond3A_270 = arith.cmpi ne, %convert_element_type3A_268, %cond3A_269 : i32
        scf.if %cond3A_270 {
          %dma_wait3A_271 = arith.constant 0 : i32
          %dma_wait3A_272 = arith.constant 0 : i32
          %dma_wait3A_273 = arith.constant 0 : i32
          %dma_wait3A_274 = arith.constant 0 : i32
          %dma_wait3A_275 = tpu.memref_slice %arg10[%dma_wait3A_272, %dma_wait3A_273, %dma_wait3A_274] : memref<2x128x128xf32, #tpu.memory_space<vmem>> -> memref<1x128x128xf32, #tpu.memory_space<vmem>>
          %dma_wait3A_276 = tpu.memref_squeeze %dma_wait3A_275 : memref<1x128x128xf32, #tpu.memory_space<vmem>> -> memref<128x128xf32, #tpu.memory_space<vmem>>
          %dma_wait3A_277 = arith.constant 0 : i32
          %dma_wait3A_278 = tpu.memref_slice %arg9[%dma_wait3A_271, %dma_wait3A_277] : memref<2x128xi32, #tpu.memory_space<vmem>> -> memref<1x128xi32, #tpu.memory_space<vmem>>
          %dma_wait3A_279 = tpu.memref_squeeze %dma_wait3A_278 : memref<1x128xi32, #tpu.memory_space<vmem>> -> memref<128xi32, #tpu.memory_space<vmem>>
          %dma_wait3A_280 = arith.constant 0 : i32
          %dma_wait3A_281 = arith.constant 0 : i32
          %dma_wait3A_282 = tpu.memref_slice %arg8[%dma_wait3A_280, %dma_wait3A_281] : memref<10240x128xf32, #tpu.memory_space<vmem_shared>> -> memref<10240x128xf32, #tpu.memory_space<vmem_shared>>
          tpu.wait_indirect_dma semaphore(%arg13 : memref<!tpu.dma_semaphore, #tpu.memory_space<semaphore_mem>>) src(%dma_wait3A_282 : memref<10240x128xf32, #tpu.memory_space<vmem_shared>>) dst(%dma_wait3A_276 : memref<128x128xf32, #tpu.memory_space<vmem>>)
          %sub3A = arith.constant 1 : i32
          %sub3A_283 = arith.subi %add3A_232, %sub3A : i32
          %mul3A_284 = arith.constant 16 : i32
          %mul3A_285 = arith.muli %mul3A_284, %sub3A_283 : i32
          %add3A_286 = arith.addi %arg1, %mul3A_285 : i32
          %mul3A_287 = arith.constant 128 : i32
          %mul3A_288 = arith.muli %add3A_286, %mul3A_287 : i32
          %dma_start3A_289 = arith.constant 0 : i32
          %dma_start3A_290 = arith.constant 0 : i32
          %dma_start3A_291 = arith.constant 0 : i32
          %dma_start3A_292 = tpu.memref_slice %arg10[%dma_start3A_289, %dma_start3A_290, %dma_start3A_291] : memref<2x128x128xf32, #tpu.memory_space<vmem>> -> memref<1x128x128xf32, #tpu.memory_space<vmem>>
          %dma_start3A_293 = tpu.memref_squeeze %dma_start3A_292 : memref<1x128x128xf32, #tpu.memory_space<vmem>> -> memref<128x128xf32, #tpu.memory_space<vmem>>
          %dma_start3A_294 = arith.constant 0 : i32
          %dma_start3A_295 = tpu.memref_slice %arg6[%mul3A_288, %dma_start3A_294] : memref<321536x128xf32, #tpu.memory_space<hbm>> -> memref<128x128xf32, #tpu.memory_space<hbm>>
          %dma_start3A_296 = arith.constant 0 : i32
          %dma_start3A_297 = tpu.memref_slice %arg6[%mul3A_288, %dma_start3A_296] : memref<321536x128xf32, #tpu.memory_space<hbm>> -> memref<128x128xf32, #tpu.memory_space<hbm>>
          %dma_start3A_298 = arith.constant 0 : i32
          %dma_start3A_299 = arith.constant 0 : i32
          %dma_start3A_300 = tpu.memref_slice %arg10[%dma_start3A_289, %dma_start3A_298, %dma_start3A_299] : memref<2x128x128xf32, #tpu.memory_space<vmem>> -> memref<1x128x128xf32, #tpu.memory_space<vmem>>
          %dma_start3A_301 = tpu.memref_squeeze %dma_start3A_300 : memref<1x128x128xf32, #tpu.memory_space<vmem>> -> memref<128x128xf32, #tpu.memory_space<vmem>>
          tpu.enqueue_dma source(%dma_start3A_301 : memref<128x128xf32, #tpu.memory_space<vmem>>) target(%dma_start3A_297 : memref<128x128xf32, #tpu.memory_space<hbm>>) target_semaphore(%arg15 : memref<!tpu.dma_semaphore, #tpu.memory_space<semaphore_mem>>)
          %add3A_302 = arith.constant 1 : i32
          %add3A_303 = arith.addi %add3A_232, %add3A_302 : i32
          %lt3A = arith.constant 157 : i32
          %lt3A_304 = arith.cmpi slt, %add3A_303, %lt3A : i32
          %convert_element_type3A_305 = arith.extui %lt3A_304 : i1 to i32
          %cond3A_306 = arith.constant 0 : i32
          %cond3A_307 = arith.cmpi ne, %convert_element_type3A_305, %cond3A_306 : i32
          scf.if %cond3A_307 {
            %add3A_308 = arith.constant 1 : i32
            %add3A_309 = arith.addi %add3A_232, %add3A_308 : i32
            %mul3A_310 = arith.constant 16 : i32
            %mul3A_311 = arith.muli %mul3A_310, %add3A_309 : i32
            %add3A_312 = arith.addi %arg1, %mul3A_311 : i32
            %dma_start3A_313 = arith.constant 0 : i32
            %dma_start3A_314 = arith.constant 0 : i32
            %dma_start3A_315 = tpu.memref_slice %arg9[%dma_start3A_313, %dma_start3A_314] : memref<2x128xi32, #tpu.memory_space<vmem>> -> memref<1x128xi32, #tpu.memory_space<vmem>>
            %dma_start3A_316 = tpu.memref_squeeze %dma_start3A_315 : memref<1x128xi32, #tpu.memory_space<vmem>> -> memref<128xi32, #tpu.memory_space<vmem>>
            %dma_start3A_317 = arith.constant 0 : i32
            %dma_start3A_318 = tpu.memref_slice %arg4[%add3A_312, %dma_start3A_317] : memref<2512x128xi32, #tpu.memory_space<hbm>> -> memref<1x128xi32, #tpu.memory_space<hbm>>
            %dma_start3A_319 = tpu.memref_squeeze %dma_start3A_318 : memref<1x128xi32, #tpu.memory_space<hbm>> -> memref<128xi32, #tpu.memory_space<hbm>>
            %dma_start3A_320 = arith.constant 0 : i32
            %dma_start3A_321 = tpu.memref_slice %arg9[%dma_start3A_313, %dma_start3A_320] : memref<2x128xi32, #tpu.memory_space<vmem>> -> memref<1x128xi32, #tpu.memory_space<vmem>>
            %dma_start3A_322 = tpu.memref_squeeze %dma_start3A_321 : memref<1x128xi32, #tpu.memory_space<vmem>> -> memref<128xi32, #tpu.memory_space<vmem>>
            %dma_start3A_323 = arith.constant 0 : i32
            %dma_start3A_324 = tpu.memref_slice %arg4[%add3A_312, %dma_start3A_323] : memref<2512x128xi32, #tpu.memory_space<hbm>> -> memref<1x128xi32, #tpu.memory_space<hbm>>
            %dma_start3A_325 = tpu.memref_squeeze %dma_start3A_324 : memref<1x128xi32, #tpu.memory_space<hbm>> -> memref<128xi32, #tpu.memory_space<hbm>>
            tpu.enqueue_dma source(%dma_start3A_325 : memref<128xi32, #tpu.memory_space<hbm>>) target(%dma_start3A_322 : memref<128xi32, #tpu.memory_space<vmem>>) target_semaphore(%arg11 : memref<!tpu.dma_semaphore, #tpu.memory_space<semaphore_mem>>)
          } else {
          }
        } else {
        }
      }
      %scan3A_49 = arith.constant 78 : i32
      %add3A_50 = arith.constant 2464 : i32
      %add3A_51 = arith.addi %arg1, %add3A_50 : i32
      %mul3A_52 = arith.constant 128 : i32
      %mul3A_53 = arith.muli %add3A_51, %mul3A_52 : i32
      %dma_wait3A = arith.constant 0 : i32
      %dma_wait3A_54 = arith.constant 0 : i32
      %dma_wait3A_55 = arith.constant 0 : i32
      %dma_wait3A_56 = tpu.memref_slice %arg10[%dma_wait3A, %dma_wait3A_54, %dma_wait3A_55] : memref<2x128x128xf32, #tpu.memory_space<vmem>> -> memref<1x128x128xf32, #tpu.memory_space<vmem>>
      %dma_wait3A_57 = tpu.memref_squeeze %dma_wait3A_56 : memref<1x128x128xf32, #tpu.memory_space<vmem>> -> memref<128x128xf32, #tpu.memory_space<vmem>>
      %dma_wait3A_58 = arith.constant 0 : i32
      %dma_wait3A_59 = tpu.memref_slice %arg6[%mul3A_53, %dma_wait3A_58] : memref<321536x128xf32, #tpu.memory_space<hbm>> -> memref<128x128xf32, #tpu.memory_space<hbm>>
      %dma_wait3A_60 = arith.constant 0 : i32
      %dma_wait3A_61 = tpu.memref_slice %arg6[%mul3A_53, %dma_wait3A_60] : memref<321536x128xf32, #tpu.memory_space<hbm>> -> memref<128x128xf32, #tpu.memory_space<hbm>>
      %dma_wait3A_62 = arith.constant 0 : i32
      %dma_wait3A_63 = arith.constant 0 : i32
      %dma_wait3A_64 = tpu.memref_slice %arg10[%dma_wait3A, %dma_wait3A_62, %dma_wait3A_63] : memref<2x128x128xf32, #tpu.memory_space<vmem>> -> memref<1x128x128xf32, #tpu.memory_space<vmem>>
      %dma_wait3A_65 = tpu.memref_squeeze %dma_wait3A_64 : memref<1x128x128xf32, #tpu.memory_space<vmem>> -> memref<128x128xf32, #tpu.memory_space<vmem>>
      tpu.wait_dma2 semaphore(%arg15 : memref<!tpu.dma_semaphore, #tpu.memory_space<semaphore_mem>>) src(%dma_wait3A_65 : memref<128x128xf32, #tpu.memory_space<vmem>>) dst(%dma_wait3A_61 : memref<128x128xf32, #tpu.memory_space<hbm>>)
      %add3A_66 = arith.constant 2496 : i32
      %add3A_67 = arith.addi %arg1, %add3A_66 : i32
      %dma_wait3A_68 = arith.constant 0 : i32
      %dma_wait3A_69 = arith.constant 0 : i32
      %dma_wait3A_70 = tpu.memref_slice %arg9[%dma_wait3A_68, %dma_wait3A_69] : memref<2x128xi32, #tpu.memory_space<vmem>> -> memref<1x128xi32, #tpu.memory_space<vmem>>
      %dma_wait3A_71 = tpu.memref_squeeze %dma_wait3A_70 : memref<1x128xi32, #tpu.memory_space<vmem>> -> memref<128xi32, #tpu.memory_space<vmem>>
      %dma_wait3A_72 = arith.constant 0 : i32
      %dma_wait3A_73 = tpu.memref_slice %arg4[%add3A_67, %dma_wait3A_72] : memref<2512x128xi32, #tpu.memory_space<hbm>> -> memref<1x128xi32, #tpu.memory_space<hbm>>
      %dma_wait3A_74 = tpu.memref_squeeze %dma_wait3A_73 : memref<1x128xi32, #tpu.memory_space<hbm>> -> memref<128xi32, #tpu.memory_space<hbm>>
      %dma_wait3A_75 = arith.constant 0 : i32
      %dma_wait3A_76 = tpu.memref_slice %arg9[%dma_wait3A_68, %dma_wait3A_75] : memref<2x128xi32, #tpu.memory_space<vmem>> -> memref<1x128xi32, #tpu.memory_space<vmem>>
      %dma_wait3A_77 = tpu.memref_squeeze %dma_wait3A_76 : memref<1x128xi32, #tpu.memory_space<vmem>> -> memref<128xi32, #tpu.memory_space<vmem>>
      %dma_wait3A_78 = arith.constant 0 : i32
      %dma_wait3A_79 = tpu.memref_slice %arg4[%add3A_67, %dma_wait3A_78] : memref<2512x128xi32, #tpu.memory_space<hbm>> -> memref<1x128xi32, #tpu.memory_space<hbm>>
      %dma_wait3A_80 = tpu.memref_squeeze %dma_wait3A_79 : memref<1x128xi32, #tpu.memory_space<hbm>> -> memref<128xi32, #tpu.memory_space<hbm>>
      tpu.wait_dma2 semaphore(%arg11 : memref<!tpu.dma_semaphore, #tpu.memory_space<semaphore_mem>>) src(%dma_wait3A_80 : memref<128xi32, #tpu.memory_space<hbm>>) dst(%dma_wait3A_77 : memref<128xi32, #tpu.memory_space<vmem>>)
      %dma_start3A_81 = arith.constant 0 : i32
      %dma_start3A_82 = arith.constant 0 : i32
      %dma_start3A_83 = arith.constant 0 : i32
      %dma_start3A_84 = arith.constant 0 : i32
      %dma_start3A_85 = tpu.memref_slice %arg10[%dma_start3A_82, %dma_start3A_83, %dma_start3A_84] : memref<2x128x128xf32, #tpu.memory_space<vmem>> -> memref<1x128x128xf32, #tpu.memory_space<vmem>>
      %dma_start3A_86 = tpu.memref_squeeze %dma_start3A_85 : memref<1x128x128xf32, #tpu.memory_space<vmem>> -> memref<128x128xf32, #tpu.memory_space<vmem>>
      %dma_start3A_87 = arith.constant 0 : i32
      %dma_start3A_88 = tpu.memref_slice %arg9[%dma_start3A_81, %dma_start3A_87] : memref<2x128xi32, #tpu.memory_space<vmem>> -> memref<1x128xi32, #tpu.memory_space<vmem>>
      %dma_start3A_89 = tpu.memref_squeeze %dma_start3A_88 : memref<1x128xi32, #tpu.memory_space<vmem>> -> memref<128xi32, #tpu.memory_space<vmem>>
      %dma_start3A_90 = arith.constant 0 : i32
      %dma_start3A_91 = arith.constant 0 : i32
      %dma_start3A_92 = tpu.memref_slice %arg8[%dma_start3A_90, %dma_start3A_91] : memref<10240x128xf32, #tpu.memory_space<vmem_shared>> -> memref<10240x128xf32, #tpu.memory_space<vmem_shared>>
      tpu.enqueue_indirect_dma source(%dma_start3A_92 : memref<10240x128xf32, #tpu.memory_space<vmem_shared>>) target(%dma_start3A_86 : memref<128x128xf32, #tpu.memory_space<vmem>>) offsets(%dma_start3A_89 : memref<128xi32, #tpu.memory_space<vmem>>) semaphore(%arg13 : memref<!tpu.dma_semaphore, #tpu.memory_space<semaphore_mem>>)
      %dma_wait3A_93 = arith.constant 1 : i32
      %dma_wait3A_94 = arith.constant 1 : i32
      %dma_wait3A_95 = arith.constant 0 : i32
      %dma_wait3A_96 = arith.constant 0 : i32
      %dma_wait3A_97 = tpu.memref_slice %arg10[%dma_wait3A_94, %dma_wait3A_95, %dma_wait3A_96] : memref<2x128x128xf32, #tpu.memory_space<vmem>> -> memref<1x128x128xf32, #tpu.memory_space<vmem>>
      %dma_wait3A_98 = tpu.memref_squeeze %dma_wait3A_97 : memref<1x128x128xf32, #tpu.memory_space<vmem>> -> memref<128x128xf32, #tpu.memory_space<vmem>>
      %dma_wait3A_99 = arith.constant 0 : i32
      %dma_wait3A_100 = tpu.memref_slice %arg9[%dma_wait3A_93, %dma_wait3A_99] : memref<2x128xi32, #tpu.memory_space<vmem>> -> memref<1x128xi32, #tpu.memory_space<vmem>>
      %dma_wait3A_101 = tpu.memref_squeeze %dma_wait3A_100 : memref<1x128xi32, #tpu.memory_space<vmem>> -> memref<128xi32, #tpu.memory_space<vmem>>
      %dma_wait3A_102 = arith.constant 0 : i32
      %dma_wait3A_103 = arith.constant 0 : i32
      %dma_wait3A_104 = tpu.memref_slice %arg8[%dma_wait3A_102, %dma_wait3A_103] : memref<10240x128xf32, #tpu.memory_space<vmem_shared>> -> memref<10240x128xf32, #tpu.memory_space<vmem_shared>>
      tpu.wait_indirect_dma semaphore(%arg14 : memref<!tpu.dma_semaphore, #tpu.memory_space<semaphore_mem>>) src(%dma_wait3A_104 : memref<10240x128xf32, #tpu.memory_space<vmem_shared>>) dst(%dma_wait3A_98 : memref<128x128xf32, #tpu.memory_space<vmem>>)
      %add3A_105 = arith.constant 2480 : i32
      %add3A_106 = arith.addi %arg1, %add3A_105 : i32
      %mul3A_107 = arith.constant 128 : i32
      %mul3A_108 = arith.muli %add3A_106, %mul3A_107 : i32
      %dma_start3A_109 = arith.constant 1 : i32
      %dma_start3A_110 = arith.constant 0 : i32
      %dma_start3A_111 = arith.constant 0 : i32
      %dma_start3A_112 = tpu.memref_slice %arg10[%dma_start3A_109, %dma_start3A_110, %dma_start3A_111] : memref<2x128x128xf32, #tpu.memory_space<vmem>> -> memref<1x128x128xf32, #tpu.memory_space<vmem>>
      %dma_start3A_113 = tpu.memref_squeeze %dma_start3A_112 : memref<1x128x128xf32, #tpu.memory_space<vmem>> -> memref<128x128xf32, #tpu.memory_space<vmem>>
      %dma_start3A_114 = arith.constant 0 : i32
      %dma_start3A_115 = tpu.memref_slice %arg6[%mul3A_108, %dma_start3A_114] : memref<321536x128xf32, #tpu.memory_space<hbm>> -> memref<128x128xf32, #tpu.memory_space<hbm>>
      %dma_start3A_116 = arith.constant 0 : i32
      %dma_start3A_117 = tpu.memref_slice %arg6[%mul3A_108, %dma_start3A_116] : memref<321536x128xf32, #tpu.memory_space<hbm>> -> memref<128x128xf32, #tpu.memory_space<hbm>>
      %dma_start3A_118 = arith.constant 0 : i32
      %dma_start3A_119 = arith.constant 0 : i32
      %dma_start3A_120 = tpu.memref_slice %arg10[%dma_start3A_109, %dma_start3A_118, %dma_start3A_119] : memref<2x128x128xf32, #tpu.memory_space<vmem>> -> memref<1x128x128xf32, #tpu.memory_space<vmem>>
      %dma_start3A_121 = tpu.memref_squeeze %dma_start3A_120 : memref<1x128x128xf32, #tpu.memory_space<vmem>> -> memref<128x128xf32, #tpu.memory_space<vmem>>
      tpu.enqueue_dma source(%dma_start3A_121 : memref<128x128xf32, #tpu.memory_space<vmem>>) target(%dma_start3A_117 : memref<128x128xf32, #tpu.memory_space<hbm>>) target_semaphore(%arg16 : memref<!tpu.dma_semaphore, #tpu.memory_space<semaphore_mem>>)
      %dma_wait3A_122 = arith.constant 0 : i32
      %dma_wait3A_123 = arith.constant 0 : i32
      %dma_wait3A_124 = arith.constant 0 : i32
      %dma_wait3A_125 = arith.constant 0 : i32
      %dma_wait3A_126 = tpu.memref_slice %arg10[%dma_wait3A_123, %dma_wait3A_124, %dma_wait3A_125] : memref<2x128x128xf32, #tpu.memory_space<vmem>> -> memref<1x128x128xf32, #tpu.memory_space<vmem>>
      %dma_wait3A_127 = tpu.memref_squeeze %dma_wait3A_126 : memref<1x128x128xf32, #tpu.memory_space<vmem>> -> memref<128x128xf32, #tpu.memory_space<vmem>>
      %dma_wait3A_128 = arith.constant 0 : i32
      %dma_wait3A_129 = tpu.memref_slice %arg9[%dma_wait3A_122, %dma_wait3A_128] : memref<2x128xi32, #tpu.memory_space<vmem>> -> memref<1x128xi32, #tpu.memory_space<vmem>>
      %dma_wait3A_130 = tpu.memref_squeeze %dma_wait3A_129 : memref<1x128xi32, #tpu.memory_space<vmem>> -> memref<128xi32, #tpu.memory_space<vmem>>
      %dma_wait3A_131 = arith.constant 0 : i32
      %dma_wait3A_132 = arith.constant 0 : i32
      %dma_wait3A_133 = tpu.memref_slice %arg8[%dma_wait3A_131, %dma_wait3A_132] : memref<10240x128xf32, #tpu.memory_space<vmem_shared>> -> memref<10240x128xf32, #tpu.memory_space<vmem_shared>>
      tpu.wait_indirect_dma semaphore(%arg13 : memref<!tpu.dma_semaphore, #tpu.memory_space<semaphore_mem>>) src(%dma_wait3A_133 : memref<10240x128xf32, #tpu.memory_space<vmem_shared>>) dst(%dma_wait3A_127 : memref<128x128xf32, #tpu.memory_space<vmem>>)
      %add3A_134 = arith.constant 2496 : i32
      %add3A_135 = arith.addi %arg1, %add3A_134 : i32
      %mul3A_136 = arith.constant 128 : i32
      %mul3A_137 = arith.muli %add3A_135, %mul3A_136 : i32
      %dma_start3A_138 = arith.constant 0 : i32
      %dma_start3A_139 = arith.constant 0 : i32
      %dma_start3A_140 = arith.constant 0 : i32
      %dma_start3A_141 = tpu.memref_slice %arg10[%dma_start3A_138, %dma_start3A_139, %dma_start3A_140] : memref<2x128x128xf32, #tpu.memory_space<vmem>> -> memref<1x128x128xf32, #tpu.memory_space<vmem>>
      %dma_start3A_142 = tpu.memref_squeeze %dma_start3A_141 : memref<1x128x128xf32, #tpu.memory_space<vmem>> -> memref<128x128xf32, #tpu.memory_space<vmem>>
      %dma_start3A_143 = arith.constant 0 : i32
      %dma_start3A_144 = tpu.memref_slice %arg6[%mul3A_137, %dma_start3A_143] : memref<321536x128xf32, #tpu.memory_space<hbm>> -> memref<128x128xf32, #tpu.memory_space<hbm>>
      %dma_start3A_145 = arith.constant 0 : i32
      %dma_start3A_146 = tpu.memref_slice %arg6[%mul3A_137, %dma_start3A_145] : memref<321536x128xf32, #tpu.memory_space<hbm>> -> memref<128x128xf32, #tpu.memory_space<hbm>>
      %dma_start3A_147 = arith.constant 0 : i32
      %dma_start3A_148 = arith.constant 0 : i32
      %dma_start3A_149 = tpu.memref_slice %arg10[%dma_start3A_138, %dma_start3A_147, %dma_start3A_148] : memref<2x128x128xf32, #tpu.memory_space<vmem>> -> memref<1x128x128xf32, #tpu.memory_space<vmem>>
      %dma_start3A_150 = tpu.memref_squeeze %dma_start3A_149 : memref<1x128x128xf32, #tpu.memory_space<vmem>> -> memref<128x128xf32, #tpu.memory_space<vmem>>
      tpu.enqueue_dma source(%dma_start3A_150 : memref<128x128xf32, #tpu.memory_space<vmem>>) target(%dma_start3A_146 : memref<128x128xf32, #tpu.memory_space<hbm>>) target_semaphore(%arg15 : memref<!tpu.dma_semaphore, #tpu.memory_space<semaphore_mem>>)
      %add3A_151 = arith.constant 2480 : i32
      %add3A_152 = arith.addi %arg1, %add3A_151 : i32
      %mul3A_153 = arith.constant 128 : i32
      %mul3A_154 = arith.muli %add3A_152, %mul3A_153 : i32
      %dma_wait3A_155 = arith.constant 1 : i32
      %dma_wait3A_156 = arith.constant 0 : i32
      %dma_wait3A_157 = arith.constant 0 : i32
      %dma_wait3A_158 = tpu.memref_slice %arg10[%dma_wait3A_155, %dma_wait3A_156, %dma_wait3A_157] : memref<2x128x128xf32, #tpu.memory_space<vmem>> -> memref<1x128x128xf32, #tpu.memory_space<vmem>>
      %dma_wait3A_159 = tpu.memref_squeeze %dma_wait3A_158 : memref<1x128x128xf32, #tpu.memory_space<vmem>> -> memref<128x128xf32, #tpu.memory_space<vmem>>
      %dma_wait3A_160 = arith.constant 0 : i32
      %dma_wait3A_161 = tpu.memref_slice %arg6[%mul3A_154, %dma_wait3A_160] : memref<321536x128xf32, #tpu.memory_space<hbm>> -> memref<128x128xf32, #tpu.memory_space<hbm>>
      %dma_wait3A_162 = arith.constant 0 : i32
      %dma_wait3A_163 = tpu.memref_slice %arg6[%mul3A_154, %dma_wait3A_162] : memref<321536x128xf32, #tpu.memory_space<hbm>> -> memref<128x128xf32, #tpu.memory_space<hbm>>
      %dma_wait3A_164 = arith.constant 0 : i32
      %dma_wait3A_165 = arith.constant 0 : i32
      %dma_wait3A_166 = tpu.memref_slice %arg10[%dma_wait3A_155, %dma_wait3A_164, %dma_wait3A_165] : memref<2x128x128xf32, #tpu.memory_space<vmem>> -> memref<1x128x128xf32, #tpu.memory_space<vmem>>
      %dma_wait3A_167 = tpu.memref_squeeze %dma_wait3A_166 : memref<1x128x128xf32, #tpu.memory_space<vmem>> -> memref<128x128xf32, #tpu.memory_space<vmem>>
      tpu.wait_dma2 semaphore(%arg16 : memref<!tpu.dma_semaphore, #tpu.memory_space<semaphore_mem>>) src(%dma_wait3A_167 : memref<128x128xf32, #tpu.memory_space<vmem>>) dst(%dma_wait3A_163 : memref<128x128xf32, #tpu.memory_space<hbm>>)
      %add3A_168 = arith.constant 2496 : i32
      %add3A_169 = arith.addi %arg1, %add3A_168 : i32
      %mul3A_170 = arith.constant 128 : i32
      %mul3A_171 = arith.muli %add3A_169, %mul3A_170 : i32
      %dma_wait3A_172 = arith.constant 0 : i32
      %dma_wait3A_173 = arith.constant 0 : i32
      %dma_wait3A_174 = arith.constant 0 : i32
      %dma_wait3A_175 = tpu.memref_slice %arg10[%dma_wait3A_172, %dma_wait3A_173, %dma_wait3A_174] : memref<2x128x128xf32, #tpu.memory_space<vmem>> -> memref<1x128x128xf32, #tpu.memory_space<vmem>>
      %dma_wait3A_176 = tpu.memref_squeeze %dma_wait3A_175 : memref<1x128x128xf32, #tpu.memory_space<vmem>> -> memref<128x128xf32, #tpu.memory_space<vmem>>
      %dma_wait3A_177 = arith.constant 0 : i32
      %dma_wait3A_178 = tpu.memref_slice %arg6[%mul3A_171, %dma_wait3A_177] : memref<321536x128xf32, #tpu.memory_space<hbm>> -> memref<128x128xf32, #tpu.memory_space<hbm>>
      %dma_wait3A_179 = arith.constant 0 : i32
      %dma_wait3A_180 = tpu.memref_slice %arg6[%mul3A_171, %dma_wait3A_179] : memref<321536x128xf32, #tpu.memory_space<hbm>> -> memref<128x128xf32, #tpu.memory_space<hbm>>
      %dma_wait3A_181 = arith.constant 0 : i32
      %dma_wait3A_182 = arith.constant 0 : i32
      %dma_wait3A_183 = tpu.memref_slice %arg10[%dma_wait3A_172, %dma_wait3A_181, %dma_wait3A_182] : memref<2x128x128xf32, #tpu.memory_space<vmem>> -> memref<1x128x128xf32, #tpu.memory_space<vmem>>
      %dma_wait3A_184 = tpu.memref_squeeze %dma_wait3A_183 : memref<1x128x128xf32, #tpu.memory_space<vmem>> -> memref<128x128xf32, #tpu.memory_space<vmem>>
      tpu.wait_dma2 semaphore(%arg15 : memref<!tpu.dma_semaphore, #tpu.memory_space<semaphore_mem>>) src(%dma_wait3A_184 : memref<128x128xf32, #tpu.memory_space<vmem>>) dst(%dma_wait3A_180 : memref<128x128xf32, #tpu.memory_space<hbm>>)
    } else {
    }
    %eq3A_13 = arith.constant 1 : i32
    %eq3A_14 = arith.cmpi eq, %arg0, %eq3A_13 : i32
    %convert_element_type3A_15 = arith.extui %eq3A_14 : i1 to i32
    %cond3A_16 = arith.constant 0 : i32
    %cond3A_17 = arith.cmpi ne, %convert_element_type3A_15, %cond3A_16 : i32
    scf.if %cond3A_17 {
      %add3A = arith.constant 0 : i32
      %add3A_18 = arith.addi %arg1, %add3A : i32
      %dma_start3A = arith.constant 0 : i32
      %dma_start3A_19 = arith.constant 0 : i32
      %dma_start3A_20 = tpu.memref_slice %arg9[%dma_start3A, %dma_start3A_19] : memref<2x128xi32, #tpu.memory_space<vmem>> -> memref<1x128xi32, #tpu.memory_space<vmem>>
      %dma_start3A_21 = tpu.memref_squeeze %dma_start3A_20 : memref<1x128xi32, #tpu.memory_space<vmem>> -> memref<128xi32, #tpu.memory_space<vmem>>
      %dma_start3A_22 = arith.constant 0 : i32
      %dma_start3A_23 = tpu.memref_slice %arg5[%add3A_18, %dma_start3A_22] : memref<2512x128xi32, #tpu.memory_space<hbm>> -> memref<1x128xi32, #tpu.memory_space<hbm>>
      %dma_start3A_24 = tpu.memref_squeeze %dma_start3A_23 : memref<1x128xi32, #tpu.memory_space<hbm>> -> memref<128xi32, #tpu.memory_space<hbm>>
      %dma_start3A_25 = arith.constant 0 : i32
      %dma_start3A_26 = tpu.memref_slice %arg9[%dma_start3A, %dma_start3A_25] : memref<2x128xi32, #tpu.memory_space<vmem>> -> memref<1x128xi32, #tpu.memory_space<vmem>>
      %dma_start3A_27 = tpu.memref_squeeze %dma_start3A_26 : memref<1x128xi32, #tpu.memory_space<vmem>> -> memref<128xi32, #tpu.memory_space<vmem>>
      %dma_start3A_28 = arith.constant 0 : i32
      %dma_start3A_29 = tpu.memref_slice %arg5[%add3A_18, %dma_start3A_28] : memref<2512x128xi32, #tpu.memory_space<hbm>> -> memref<1x128xi32, #tpu.memory_space<hbm>>
      %dma_start3A_30 = tpu.memref_squeeze %dma_start3A_29 : memref<1x128xi32, #tpu.memory_space<hbm>> -> memref<128xi32, #tpu.memory_space<hbm>>
      tpu.enqueue_dma source(%dma_start3A_30 : memref<128xi32, #tpu.memory_space<hbm>>) target(%dma_start3A_27 : memref<128xi32, #tpu.memory_space<vmem>>) target_semaphore(%arg11 : memref<!tpu.dma_semaphore, #tpu.memory_space<semaphore_mem>>)
      %add3A_31 = arith.constant 16 : i32
      %add3A_32 = arith.addi %arg1, %add3A_31 : i32
      %dma_start3A_33 = arith.constant 1 : i32
      %dma_start3A_34 = arith.constant 0 : i32
      %dma_start3A_35 = tpu.memref_slice %arg9[%dma_start3A_33, %dma_start3A_34] : memref<2x128xi32, #tpu.memory_space<vmem>> -> memref<1x128xi32, #tpu.memory_space<vmem>>
      %dma_start3A_36 = tpu.memref_squeeze %dma_start3A_35 : memref<1x128xi32, #tpu.memory_space<vmem>> -> memref<128xi32, #tpu.memory_space<vmem>>
      %dma_start3A_37 = arith.constant 0 : i32
      %dma_start3A_38 = tpu.memref_slice %arg5[%add3A_32, %dma_start3A_37] : memref<2512x128xi32, #tpu.memory_space<hbm>> -> memref<1x128xi32, #tpu.memory_space<hbm>>
      %dma_start3A_39 = tpu.memref_squeeze %dma_start3A_38 : memref<1x128xi32, #tpu.memory_space<hbm>> -> memref<128xi32, #tpu.memory_space<hbm>>
      %dma_start3A_40 = arith.constant 0 : i32
      %dma_start3A_41 = tpu.memref_slice %arg9[%dma_start3A_33, %dma_start3A_40] : memref<2x128xi32, #tpu.memory_space<vmem>> -> memref<1x128xi32, #tpu.memory_space<vmem>>
      %dma_start3A_42 = tpu.memref_squeeze %dma_start3A_41 : memref<1x128xi32, #tpu.memory_space<vmem>> -> memref<128xi32, #tpu.memory_space<vmem>>
      %dma_start3A_43 = arith.constant 0 : i32
      %dma_start3A_44 = tpu.memref_slice %arg5[%add3A_32, %dma_start3A_43] : memref<2512x128xi32, #tpu.memory_space<hbm>> -> memref<1x128xi32, #tpu.memory_space<hbm>>
      %dma_start3A_45 = tpu.memref_squeeze %dma_start3A_44 : memref<1x128xi32, #tpu.memory_space<hbm>> -> memref<128xi32, #tpu.memory_space<hbm>>
      tpu.enqueue_dma source(%dma_start3A_45 : memref<128xi32, #tpu.memory_space<hbm>>) target(%dma_start3A_42 : memref<128xi32, #tpu.memory_space<vmem>>) target_semaphore(%arg12 : memref<!tpu.dma_semaphore, #tpu.memory_space<semaphore_mem>>)
      %scan3A = arith.constant 0 : i32
      %scan3A_46 = arith.constant 78 : i32
      %scan3A_47 = arith.addi %scan3A, %scan3A_46 : i32
      %scan3A_48 = arith.constant 1 : i32
      scf.for %scan3A_185 = %scan3A to %scan3A_47 step %scan3A_48  : i32 {
        %mul3A_186 = arith.constant 1 : i32
        %mul3A_187 = arith.muli %scan3A_185, %mul3A_186 : i32
        %add3A_188 = arith.constant 0 : i32
        %add3A_189 = arith.addi %add3A_188, %mul3A_187 : i32
        %mul3A_190 = arith.constant 2 : i32
        %mul3A_191 = arith.muli %add3A_189, %mul3A_190 : i32
        %add3A_192 = arith.constant 0 : i32
        %add3A_193 = arith.addi %mul3A_191, %add3A_192 : i32
        %ge3A = arith.constant 2 : i32
        %ge3A_194 = arith.cmpi sge, %add3A_193, %ge3A : i32
        %convert_element_type3A_195 = arith.extui %ge3A_194 : i1 to i32
        %cond3A_196 = arith.constant 0 : i32
        %cond3A_197 = arith.cmpi ne, %convert_element_type3A_195, %cond3A_196 : i32
        scf.if %cond3A_197 {
          %sub3A = arith.constant 2 : i32
          %sub3A_271 = arith.subi %add3A_193, %sub3A : i32
          %mul3A_272 = arith.constant 16 : i32
          %mul3A_273 = arith.muli %mul3A_272, %sub3A_271 : i32
          %add3A_274 = arith.addi %arg1, %mul3A_273 : i32
          %mul3A_275 = arith.constant 128 : i32
          %mul3A_276 = arith.muli %add3A_274, %mul3A_275 : i32
          %dma_wait3A_277 = arith.constant 0 : i32
          %dma_wait3A_278 = arith.constant 0 : i32
          %dma_wait3A_279 = arith.constant 0 : i32
          %dma_wait3A_280 = tpu.memref_slice %arg10[%dma_wait3A_277, %dma_wait3A_278, %dma_wait3A_279] : memref<2x128x128xf32, #tpu.memory_space<vmem>> -> memref<1x128x128xf32, #tpu.memory_space<vmem>>
          %dma_wait3A_281 = tpu.memref_squeeze %dma_wait3A_280 : memref<1x128x128xf32, #tpu.memory_space<vmem>> -> memref<128x128xf32, #tpu.memory_space<vmem>>
          %dma_wait3A_282 = arith.constant 0 : i32
          %dma_wait3A_283 = tpu.memref_slice %arg7[%mul3A_276, %dma_wait3A_282] : memref<321536x128xf32, #tpu.memory_space<hbm>> -> memref<128x128xf32, #tpu.memory_space<hbm>>
          %dma_wait3A_284 = arith.constant 0 : i32
          %dma_wait3A_285 = tpu.memref_slice %arg7[%mul3A_276, %dma_wait3A_284] : memref<321536x128xf32, #tpu.memory_space<hbm>> -> memref<128x128xf32, #tpu.memory_space<hbm>>
          %dma_wait3A_286 = arith.constant 0 : i32
          %dma_wait3A_287 = arith.constant 0 : i32
          %dma_wait3A_288 = tpu.memref_slice %arg10[%dma_wait3A_277, %dma_wait3A_286, %dma_wait3A_287] : memref<2x128x128xf32, #tpu.memory_space<vmem>> -> memref<1x128x128xf32, #tpu.memory_space<vmem>>
          %dma_wait3A_289 = tpu.memref_squeeze %dma_wait3A_288 : memref<1x128x128xf32, #tpu.memory_space<vmem>> -> memref<128x128xf32, #tpu.memory_space<vmem>>
          tpu.wait_dma2 semaphore(%arg15 : memref<!tpu.dma_semaphore, #tpu.memory_space<semaphore_mem>>) src(%dma_wait3A_289 : memref<128x128xf32, #tpu.memory_space<vmem>>) dst(%dma_wait3A_285 : memref<128x128xf32, #tpu.memory_space<hbm>>)
        } else {
        }
        %mul3A_198 = arith.constant 16 : i32
        %mul3A_199 = arith.muli %mul3A_198, %add3A_193 : i32
        %add3A_200 = arith.addi %arg1, %mul3A_199 : i32
        %dma_wait3A_201 = arith.constant 0 : i32
        %dma_wait3A_202 = arith.constant 0 : i32
        %dma_wait3A_203 = tpu.memref_slice %arg9[%dma_wait3A_201, %dma_wait3A_202] : memref<2x128xi32, #tpu.memory_space<vmem>> -> memref<1x128xi32, #tpu.memory_space<vmem>>
        %dma_wait3A_204 = tpu.memref_squeeze %dma_wait3A_203 : memref<1x128xi32, #tpu.memory_space<vmem>> -> memref<128xi32, #tpu.memory_space<vmem>>
        %dma_wait3A_205 = arith.constant 0 : i32
        %dma_wait3A_206 = tpu.memref_slice %arg5[%add3A_200, %dma_wait3A_205] : memref<2512x128xi32, #tpu.memory_space<hbm>> -> memref<1x128xi32, #tpu.memory_space<hbm>>
        %dma_wait3A_207 = tpu.memref_squeeze %dma_wait3A_206 : memref<1x128xi32, #tpu.memory_space<hbm>> -> memref<128xi32, #tpu.memory_space<hbm>>
        %dma_wait3A_208 = arith.constant 0 : i32
        %dma_wait3A_209 = tpu.memref_slice %arg9[%dma_wait3A_201, %dma_wait3A_208] : memref<2x128xi32, #tpu.memory_space<vmem>> -> memref<1x128xi32, #tpu.memory_space<vmem>>
        %dma_wait3A_210 = tpu.memref_squeeze %dma_wait3A_209 : memref<1x128xi32, #tpu.memory_space<vmem>> -> memref<128xi32, #tpu.memory_space<vmem>>
        %dma_wait3A_211 = arith.constant 0 : i32
        %dma_wait3A_212 = tpu.memref_slice %arg5[%add3A_200, %dma_wait3A_211] : memref<2512x128xi32, #tpu.memory_space<hbm>> -> memref<1x128xi32, #tpu.memory_space<hbm>>
        %dma_wait3A_213 = tpu.memref_squeeze %dma_wait3A_212 : memref<1x128xi32, #tpu.memory_space<hbm>> -> memref<128xi32, #tpu.memory_space<hbm>>
        tpu.wait_dma2 semaphore(%arg11 : memref<!tpu.dma_semaphore, #tpu.memory_space<semaphore_mem>>) src(%dma_wait3A_213 : memref<128xi32, #tpu.memory_space<hbm>>) dst(%dma_wait3A_210 : memref<128xi32, #tpu.memory_space<vmem>>)
        %dma_start3A_214 = arith.constant 0 : i32
        %dma_start3A_215 = arith.constant 0 : i32
        %dma_start3A_216 = arith.constant 0 : i32
        %dma_start3A_217 = arith.constant 0 : i32
        %dma_start3A_218 = tpu.memref_slice %arg10[%dma_start3A_215, %dma_start3A_216, %dma_start3A_217] : memref<2x128x128xf32, #tpu.memory_space<vmem>> -> memref<1x128x128xf32, #tpu.memory_space<vmem>>
        %dma_start3A_219 = tpu.memref_squeeze %dma_start3A_218 : memref<1x128x128xf32, #tpu.memory_space<vmem>> -> memref<128x128xf32, #tpu.memory_space<vmem>>
        %dma_start3A_220 = arith.constant 0 : i32
        %dma_start3A_221 = tpu.memref_slice %arg9[%dma_start3A_214, %dma_start3A_220] : memref<2x128xi32, #tpu.memory_space<vmem>> -> memref<1x128xi32, #tpu.memory_space<vmem>>
        %dma_start3A_222 = tpu.memref_squeeze %dma_start3A_221 : memref<1x128xi32, #tpu.memory_space<vmem>> -> memref<128xi32, #tpu.memory_space<vmem>>
        %dma_start3A_223 = arith.constant 0 : i32
        %dma_start3A_224 = arith.constant 0 : i32
        %dma_start3A_225 = tpu.memref_slice %arg8[%dma_start3A_223, %dma_start3A_224] : memref<10240x128xf32, #tpu.memory_space<vmem_shared>> -> memref<10240x128xf32, #tpu.memory_space<vmem_shared>>
        tpu.enqueue_indirect_dma source(%dma_start3A_225 : memref<10240x128xf32, #tpu.memory_space<vmem_shared>>) target(%dma_start3A_219 : memref<128x128xf32, #tpu.memory_space<vmem>>) offsets(%dma_start3A_222 : memref<128xi32, #tpu.memory_space<vmem>>) semaphore(%arg13 : memref<!tpu.dma_semaphore, #tpu.memory_space<semaphore_mem>>)
        %ge3A_226 = arith.constant 1 : i32
        %ge3A_227 = arith.cmpi sge, %add3A_193, %ge3A_226 : i32
        %convert_element_type3A_228 = arith.extui %ge3A_227 : i1 to i32
        %cond3A_229 = arith.constant 0 : i32
        %cond3A_230 = arith.cmpi ne, %convert_element_type3A_228, %cond3A_229 : i32
        scf.if %cond3A_230 {
          %dma_wait3A_271 = arith.constant 1 : i32
          %dma_wait3A_272 = arith.constant 1 : i32
          %dma_wait3A_273 = arith.constant 0 : i32
          %dma_wait3A_274 = arith.constant 0 : i32
          %dma_wait3A_275 = tpu.memref_slice %arg10[%dma_wait3A_272, %dma_wait3A_273, %dma_wait3A_274] : memref<2x128x128xf32, #tpu.memory_space<vmem>> -> memref<1x128x128xf32, #tpu.memory_space<vmem>>
          %dma_wait3A_276 = tpu.memref_squeeze %dma_wait3A_275 : memref<1x128x128xf32, #tpu.memory_space<vmem>> -> memref<128x128xf32, #tpu.memory_space<vmem>>
          %dma_wait3A_277 = arith.constant 0 : i32
          %dma_wait3A_278 = tpu.memref_slice %arg9[%dma_wait3A_271, %dma_wait3A_277] : memref<2x128xi32, #tpu.memory_space<vmem>> -> memref<1x128xi32, #tpu.memory_space<vmem>>
          %dma_wait3A_279 = tpu.memref_squeeze %dma_wait3A_278 : memref<1x128xi32, #tpu.memory_space<vmem>> -> memref<128xi32, #tpu.memory_space<vmem>>
          %dma_wait3A_280 = arith.constant 0 : i32
          %dma_wait3A_281 = arith.constant 0 : i32
          %dma_wait3A_282 = tpu.memref_slice %arg8[%dma_wait3A_280, %dma_wait3A_281] : memref<10240x128xf32, #tpu.memory_space<vmem_shared>> -> memref<10240x128xf32, #tpu.memory_space<vmem_shared>>
          tpu.wait_indirect_dma semaphore(%arg14 : memref<!tpu.dma_semaphore, #tpu.memory_space<semaphore_mem>>) src(%dma_wait3A_282 : memref<10240x128xf32, #tpu.memory_space<vmem_shared>>) dst(%dma_wait3A_276 : memref<128x128xf32, #tpu.memory_space<vmem>>)
          %sub3A = arith.constant 1 : i32
          %sub3A_283 = arith.subi %add3A_193, %sub3A : i32
          %mul3A_284 = arith.constant 16 : i32
          %mul3A_285 = arith.muli %mul3A_284, %sub3A_283 : i32
          %add3A_286 = arith.addi %arg1, %mul3A_285 : i32
          %mul3A_287 = arith.constant 128 : i32
          %mul3A_288 = arith.muli %add3A_286, %mul3A_287 : i32
          %dma_start3A_289 = arith.constant 1 : i32
          %dma_start3A_290 = arith.constant 0 : i32
          %dma_start3A_291 = arith.constant 0 : i32
          %dma_start3A_292 = tpu.memref_slice %arg10[%dma_start3A_289, %dma_start3A_290, %dma_start3A_291] : memref<2x128x128xf32, #tpu.memory_space<vmem>> -> memref<1x128x128xf32, #tpu.memory_space<vmem>>
          %dma_start3A_293 = tpu.memref_squeeze %dma_start3A_292 : memref<1x128x128xf32, #tpu.memory_space<vmem>> -> memref<128x128xf32, #tpu.memory_space<vmem>>
          %dma_start3A_294 = arith.constant 0 : i32
          %dma_start3A_295 = tpu.memref_slice %arg7[%mul3A_288, %dma_start3A_294] : memref<321536x128xf32, #tpu.memory_space<hbm>> -> memref<128x128xf32, #tpu.memory_space<hbm>>
          %dma_start3A_296 = arith.constant 0 : i32
          %dma_start3A_297 = tpu.memref_slice %arg7[%mul3A_288, %dma_start3A_296] : memref<321536x128xf32, #tpu.memory_space<hbm>> -> memref<128x128xf32, #tpu.memory_space<hbm>>
          %dma_start3A_298 = arith.constant 0 : i32
          %dma_start3A_299 = arith.constant 0 : i32
          %dma_start3A_300 = tpu.memref_slice %arg10[%dma_start3A_289, %dma_start3A_298, %dma_start3A_299] : memref<2x128x128xf32, #tpu.memory_space<vmem>> -> memref<1x128x128xf32, #tpu.memory_space<vmem>>
          %dma_start3A_301 = tpu.memref_squeeze %dma_start3A_300 : memref<1x128x128xf32, #tpu.memory_space<vmem>> -> memref<128x128xf32, #tpu.memory_space<vmem>>
          tpu.enqueue_dma source(%dma_start3A_301 : memref<128x128xf32, #tpu.memory_space<vmem>>) target(%dma_start3A_297 : memref<128x128xf32, #tpu.memory_space<hbm>>) target_semaphore(%arg16 : memref<!tpu.dma_semaphore, #tpu.memory_space<semaphore_mem>>)
          %add3A_302 = arith.constant 1 : i32
          %add3A_303 = arith.addi %add3A_193, %add3A_302 : i32
          %lt3A = arith.constant 157 : i32
          %lt3A_304 = arith.cmpi slt, %add3A_303, %lt3A : i32
          %convert_element_type3A_305 = arith.extui %lt3A_304 : i1 to i32
          %cond3A_306 = arith.constant 0 : i32
          %cond3A_307 = arith.cmpi ne, %convert_element_type3A_305, %cond3A_306 : i32
          scf.if %cond3A_307 {
            %add3A_308 = arith.constant 1 : i32
            %add3A_309 = arith.addi %add3A_193, %add3A_308 : i32
            %mul3A_310 = arith.constant 16 : i32
            %mul3A_311 = arith.muli %mul3A_310, %add3A_309 : i32
            %add3A_312 = arith.addi %arg1, %mul3A_311 : i32
            %dma_start3A_313 = arith.constant 1 : i32
            %dma_start3A_314 = arith.constant 0 : i32
            %dma_start3A_315 = tpu.memref_slice %arg9[%dma_start3A_313, %dma_start3A_314] : memref<2x128xi32, #tpu.memory_space<vmem>> -> memref<1x128xi32, #tpu.memory_space<vmem>>
            %dma_start3A_316 = tpu.memref_squeeze %dma_start3A_315 : memref<1x128xi32, #tpu.memory_space<vmem>> -> memref<128xi32, #tpu.memory_space<vmem>>
            %dma_start3A_317 = arith.constant 0 : i32
            %dma_start3A_318 = tpu.memref_slice %arg5[%add3A_312, %dma_start3A_317] : memref<2512x128xi32, #tpu.memory_space<hbm>> -> memref<1x128xi32, #tpu.memory_space<hbm>>
            %dma_start3A_319 = tpu.memref_squeeze %dma_start3A_318 : memref<1x128xi32, #tpu.memory_space<hbm>> -> memref<128xi32, #tpu.memory_space<hbm>>
            %dma_start3A_320 = arith.constant 0 : i32
            %dma_start3A_321 = tpu.memref_slice %arg9[%dma_start3A_313, %dma_start3A_320] : memref<2x128xi32, #tpu.memory_space<vmem>> -> memref<1x128xi32, #tpu.memory_space<vmem>>
            %dma_start3A_322 = tpu.memref_squeeze %dma_start3A_321 : memref<1x128xi32, #tpu.memory_space<vmem>> -> memref<128xi32, #tpu.memory_space<vmem>>
            %dma_start3A_323 = arith.constant 0 : i32
            %dma_start3A_324 = tpu.memref_slice %arg5[%add3A_312, %dma_start3A_323] : memref<2512x128xi32, #tpu.memory_space<hbm>> -> memref<1x128xi32, #tpu.memory_space<hbm>>
            %dma_start3A_325 = tpu.memref_squeeze %dma_start3A_324 : memref<1x128xi32, #tpu.memory_space<hbm>> -> memref<128xi32, #tpu.memory_space<hbm>>
            tpu.enqueue_dma source(%dma_start3A_325 : memref<128xi32, #tpu.memory_space<hbm>>) target(%dma_start3A_322 : memref<128xi32, #tpu.memory_space<vmem>>) target_semaphore(%arg12 : memref<!tpu.dma_semaphore, #tpu.memory_space<semaphore_mem>>)
          } else {
          }
        } else {
        }
        %add3A_231 = arith.constant 1 : i32
        %add3A_232 = arith.addi %mul3A_191, %add3A_231 : i32
        %ge3A_233 = arith.constant 2 : i32
        %ge3A_234 = arith.cmpi sge, %add3A_232, %ge3A_233 : i32
        %convert_element_type3A_235 = arith.extui %ge3A_234 : i1 to i32
        %cond3A_236 = arith.constant 0 : i32
        %cond3A_237 = arith.cmpi ne, %convert_element_type3A_235, %cond3A_236 : i32
        scf.if %cond3A_237 {
          %sub3A = arith.constant 2 : i32
          %sub3A_271 = arith.subi %add3A_232, %sub3A : i32
          %mul3A_272 = arith.constant 16 : i32
          %mul3A_273 = arith.muli %mul3A_272, %sub3A_271 : i32
          %add3A_274 = arith.addi %arg1, %mul3A_273 : i32
          %mul3A_275 = arith.constant 128 : i32
          %mul3A_276 = arith.muli %add3A_274, %mul3A_275 : i32
          %dma_wait3A_277 = arith.constant 1 : i32
          %dma_wait3A_278 = arith.constant 0 : i32
          %dma_wait3A_279 = arith.constant 0 : i32
          %dma_wait3A_280 = tpu.memref_slice %arg10[%dma_wait3A_277, %dma_wait3A_278, %dma_wait3A_279] : memref<2x128x128xf32, #tpu.memory_space<vmem>> -> memref<1x128x128xf32, #tpu.memory_space<vmem>>
          %dma_wait3A_281 = tpu.memref_squeeze %dma_wait3A_280 : memref<1x128x128xf32, #tpu.memory_space<vmem>> -> memref<128x128xf32, #tpu.memory_space<vmem>>
          %dma_wait3A_282 = arith.constant 0 : i32
          %dma_wait3A_283 = tpu.memref_slice %arg7[%mul3A_276, %dma_wait3A_282] : memref<321536x128xf32, #tpu.memory_space<hbm>> -> memref<128x128xf32, #tpu.memory_space<hbm>>
          %dma_wait3A_284 = arith.constant 0 : i32
          %dma_wait3A_285 = tpu.memref_slice %arg7[%mul3A_276, %dma_wait3A_284] : memref<321536x128xf32, #tpu.memory_space<hbm>> -> memref<128x128xf32, #tpu.memory_space<hbm>>
          %dma_wait3A_286 = arith.constant 0 : i32
          %dma_wait3A_287 = arith.constant 0 : i32
          %dma_wait3A_288 = tpu.memref_slice %arg10[%dma_wait3A_277, %dma_wait3A_286, %dma_wait3A_287] : memref<2x128x128xf32, #tpu.memory_space<vmem>> -> memref<1x128x128xf32, #tpu.memory_space<vmem>>
          %dma_wait3A_289 = tpu.memref_squeeze %dma_wait3A_288 : memref<1x128x128xf32, #tpu.memory_space<vmem>> -> memref<128x128xf32, #tpu.memory_space<vmem>>
          tpu.wait_dma2 semaphore(%arg16 : memref<!tpu.dma_semaphore, #tpu.memory_space<semaphore_mem>>) src(%dma_wait3A_289 : memref<128x128xf32, #tpu.memory_space<vmem>>) dst(%dma_wait3A_285 : memref<128x128xf32, #tpu.memory_space<hbm>>)
        } else {
        }
        %mul3A_238 = arith.constant 16 : i32
        %mul3A_239 = arith.muli %mul3A_238, %add3A_232 : i32
        %add3A_240 = arith.addi %arg1, %mul3A_239 : i32
        %dma_wait3A_241 = arith.constant 1 : i32
        %dma_wait3A_242 = arith.constant 0 : i32
        %dma_wait3A_243 = tpu.memref_slice %arg9[%dma_wait3A_241, %dma_wait3A_242] : memref<2x128xi32, #tpu.memory_space<vmem>> -> memref<1x128xi32, #tpu.memory_space<vmem>>
        %dma_wait3A_244 = tpu.memref_squeeze %dma_wait3A_243 : memref<1x128xi32, #tpu.memory_space<vmem>> -> memref<128xi32, #tpu.memory_space<vmem>>
        %dma_wait3A_245 = arith.constant 0 : i32
        %dma_wait3A_246 = tpu.memref_slice %arg5[%add3A_240, %dma_wait3A_245] : memref<2512x128xi32, #tpu.memory_space<hbm>> -> memref<1x128xi32, #tpu.memory_space<hbm>>
        %dma_wait3A_247 = tpu.memref_squeeze %dma_wait3A_246 : memref<1x128xi32, #tpu.memory_space<hbm>> -> memref<128xi32, #tpu.memory_space<hbm>>
        %dma_wait3A_248 = arith.constant 0 : i32
        %dma_wait3A_249 = tpu.memref_slice %arg9[%dma_wait3A_241, %dma_wait3A_248] : memref<2x128xi32, #tpu.memory_space<vmem>> -> memref<1x128xi32, #tpu.memory_space<vmem>>
        %dma_wait3A_250 = tpu.memref_squeeze %dma_wait3A_249 : memref<1x128xi32, #tpu.memory_space<vmem>> -> memref<128xi32, #tpu.memory_space<vmem>>
        %dma_wait3A_251 = arith.constant 0 : i32
        %dma_wait3A_252 = tpu.memref_slice %arg5[%add3A_240, %dma_wait3A_251] : memref<2512x128xi32, #tpu.memory_space<hbm>> -> memref<1x128xi32, #tpu.memory_space<hbm>>
        %dma_wait3A_253 = tpu.memref_squeeze %dma_wait3A_252 : memref<1x128xi32, #tpu.memory_space<hbm>> -> memref<128xi32, #tpu.memory_space<hbm>>
        tpu.wait_dma2 semaphore(%arg12 : memref<!tpu.dma_semaphore, #tpu.memory_space<semaphore_mem>>) src(%dma_wait3A_253 : memref<128xi32, #tpu.memory_space<hbm>>) dst(%dma_wait3A_250 : memref<128xi32, #tpu.memory_space<vmem>>)
        %dma_start3A_254 = arith.constant 1 : i32
        %dma_start3A_255 = arith.constant 1 : i32
        %dma_start3A_256 = arith.constant 0 : i32
        %dma_start3A_257 = arith.constant 0 : i32
        %dma_start3A_258 = tpu.memref_slice %arg10[%dma_start3A_255, %dma_start3A_256, %dma_start3A_257] : memref<2x128x128xf32, #tpu.memory_space<vmem>> -> memref<1x128x128xf32, #tpu.memory_space<vmem>>
        %dma_start3A_259 = tpu.memref_squeeze %dma_start3A_258 : memref<1x128x128xf32, #tpu.memory_space<vmem>> -> memref<128x128xf32, #tpu.memory_space<vmem>>
        %dma_start3A_260 = arith.constant 0 : i32
        %dma_start3A_261 = tpu.memref_slice %arg9[%dma_start3A_254, %dma_start3A_260] : memref<2x128xi32, #tpu.memory_space<vmem>> -> memref<1x128xi32, #tpu.memory_space<vmem>>
        %dma_start3A_262 = tpu.memref_squeeze %dma_start3A_261 : memref<1x128xi32, #tpu.memory_space<vmem>> -> memref<128xi32, #tpu.memory_space<vmem>>
        %dma_start3A_263 = arith.constant 0 : i32
        %dma_start3A_264 = arith.constant 0 : i32
        %dma_start3A_265 = tpu.memref_slice %arg8[%dma_start3A_263, %dma_start3A_264] : memref<10240x128xf32, #tpu.memory_space<vmem_shared>> -> memref<10240x128xf32, #tpu.memory_space<vmem_shared>>
        tpu.enqueue_indirect_dma source(%dma_start3A_265 : memref<10240x128xf32, #tpu.memory_space<vmem_shared>>) target(%dma_start3A_259 : memref<128x128xf32, #tpu.memory_space<vmem>>) offsets(%dma_start3A_262 : memref<128xi32, #tpu.memory_space<vmem>>) semaphore(%arg14 : memref<!tpu.dma_semaphore, #tpu.memory_space<semaphore_mem>>)
        %ge3A_266 = arith.constant 1 : i32
        %ge3A_267 = arith.cmpi sge, %add3A_232, %ge3A_266 : i32
        %convert_element_type3A_268 = arith.extui %ge3A_267 : i1 to i32
        %cond3A_269 = arith.constant 0 : i32
        %cond3A_270 = arith.cmpi ne, %convert_element_type3A_268, %cond3A_269 : i32
        scf.if %cond3A_270 {
          %dma_wait3A_271 = arith.constant 0 : i32
          %dma_wait3A_272 = arith.constant 0 : i32
          %dma_wait3A_273 = arith.constant 0 : i32
          %dma_wait3A_274 = arith.constant 0 : i32
          %dma_wait3A_275 = tpu.memref_slice %arg10[%dma_wait3A_272, %dma_wait3A_273, %dma_wait3A_274] : memref<2x128x128xf32, #tpu.memory_space<vmem>> -> memref<1x128x128xf32, #tpu.memory_space<vmem>>
          %dma_wait3A_276 = tpu.memref_squeeze %dma_wait3A_275 : memref<1x128x128xf32, #tpu.memory_space<vmem>> -> memref<128x128xf32, #tpu.memory_space<vmem>>
          %dma_wait3A_277 = arith.constant 0 : i32
          %dma_wait3A_278 = tpu.memref_slice %arg9[%dma_wait3A_271, %dma_wait3A_277] : memref<2x128xi32, #tpu.memory_space<vmem>> -> memref<1x128xi32, #tpu.memory_space<vmem>>
          %dma_wait3A_279 = tpu.memref_squeeze %dma_wait3A_278 : memref<1x128xi32, #tpu.memory_space<vmem>> -> memref<128xi32, #tpu.memory_space<vmem>>
          %dma_wait3A_280 = arith.constant 0 : i32
          %dma_wait3A_281 = arith.constant 0 : i32
          %dma_wait3A_282 = tpu.memref_slice %arg8[%dma_wait3A_280, %dma_wait3A_281] : memref<10240x128xf32, #tpu.memory_space<vmem_shared>> -> memref<10240x128xf32, #tpu.memory_space<vmem_shared>>
          tpu.wait_indirect_dma semaphore(%arg13 : memref<!tpu.dma_semaphore, #tpu.memory_space<semaphore_mem>>) src(%dma_wait3A_282 : memref<10240x128xf32, #tpu.memory_space<vmem_shared>>) dst(%dma_wait3A_276 : memref<128x128xf32, #tpu.memory_space<vmem>>)
          %sub3A = arith.constant 1 : i32
          %sub3A_283 = arith.subi %add3A_232, %sub3A : i32
          %mul3A_284 = arith.constant 16 : i32
          %mul3A_285 = arith.muli %mul3A_284, %sub3A_283 : i32
          %add3A_286 = arith.addi %arg1, %mul3A_285 : i32
          %mul3A_287 = arith.constant 128 : i32
          %mul3A_288 = arith.muli %add3A_286, %mul3A_287 : i32
          %dma_start3A_289 = arith.constant 0 : i32
          %dma_start3A_290 = arith.constant 0 : i32
          %dma_start3A_291 = arith.constant 0 : i32
          %dma_start3A_292 = tpu.memref_slice %arg10[%dma_start3A_289, %dma_start3A_290, %dma_start3A_291] : memref<2x128x128xf32, #tpu.memory_space<vmem>> -> memref<1x128x128xf32, #tpu.memory_space<vmem>>
          %dma_start3A_293 = tpu.memref_squeeze %dma_start3A_292 : memref<1x128x128xf32, #tpu.memory_space<vmem>> -> memref<128x128xf32, #tpu.memory_space<vmem>>
          %dma_start3A_294 = arith.constant 0 : i32
          %dma_start3A_295 = tpu.memref_slice %arg7[%mul3A_288, %dma_start3A_294] : memref<321536x128xf32, #tpu.memory_space<hbm>> -> memref<128x128xf32, #tpu.memory_space<hbm>>
          %dma_start3A_296 = arith.constant 0 : i32
          %dma_start3A_297 = tpu.memref_slice %arg7[%mul3A_288, %dma_start3A_296] : memref<321536x128xf32, #tpu.memory_space<hbm>> -> memref<128x128xf32, #tpu.memory_space<hbm>>
          %dma_start3A_298 = arith.constant 0 : i32
          %dma_start3A_299 = arith.constant 0 : i32
          %dma_start3A_300 = tpu.memref_slice %arg10[%dma_start3A_289, %dma_start3A_298, %dma_start3A_299] : memref<2x128x128xf32, #tpu.memory_space<vmem>> -> memref<1x128x128xf32, #tpu.memory_space<vmem>>
          %dma_start3A_301 = tpu.memref_squeeze %dma_start3A_300 : memref<1x128x128xf32, #tpu.memory_space<vmem>> -> memref<128x128xf32, #tpu.memory_space<vmem>>
          tpu.enqueue_dma source(%dma_start3A_301 : memref<128x128xf32, #tpu.memory_space<vmem>>) target(%dma_start3A_297 : memref<128x128xf32, #tpu.memory_space<hbm>>) target_semaphore(%arg15 : memref<!tpu.dma_semaphore, #tpu.memory_space<semaphore_mem>>)
          %add3A_302 = arith.constant 1 : i32
          %add3A_303 = arith.addi %add3A_232, %add3A_302 : i32
          %lt3A = arith.constant 157 : i32
          %lt3A_304 = arith.cmpi slt, %add3A_303, %lt3A : i32
          %convert_element_type3A_305 = arith.extui %lt3A_304 : i1 to i32
          %cond3A_306 = arith.constant 0 : i32
          %cond3A_307 = arith.cmpi ne, %convert_element_type3A_305, %cond3A_306 : i32
          scf.if %cond3A_307 {
            %add3A_308 = arith.constant 1 : i32
            %add3A_309 = arith.addi %add3A_232, %add3A_308 : i32
            %mul3A_310 = arith.constant 16 : i32
            %mul3A_311 = arith.muli %mul3A_310, %add3A_309 : i32
            %add3A_312 = arith.addi %arg1, %mul3A_311 : i32
            %dma_start3A_313 = arith.constant 0 : i32
            %dma_start3A_314 = arith.constant 0 : i32
            %dma_start3A_315 = tpu.memref_slice %arg9[%dma_start3A_313, %dma_start3A_314] : memref<2x128xi32, #tpu.memory_space<vmem>> -> memref<1x128xi32, #tpu.memory_space<vmem>>
            %dma_start3A_316 = tpu.memref_squeeze %dma_start3A_315 : memref<1x128xi32, #tpu.memory_space<vmem>> -> memref<128xi32, #tpu.memory_space<vmem>>
            %dma_start3A_317 = arith.constant 0 : i32
            %dma_start3A_318 = tpu.memref_slice %arg5[%add3A_312, %dma_start3A_317] : memref<2512x128xi32, #tpu.memory_space<hbm>> -> memref<1x128xi32, #tpu.memory_space<hbm>>
            %dma_start3A_319 = tpu.memref_squeeze %dma_start3A_318 : memref<1x128xi32, #tpu.memory_space<hbm>> -> memref<128xi32, #tpu.memory_space<hbm>>
            %dma_start3A_320 = arith.constant 0 : i32
            %dma_start3A_321 = tpu.memref_slice %arg9[%dma_start3A_313, %dma_start3A_320] : memref<2x128xi32, #tpu.memory_space<vmem>> -> memref<1x128xi32, #tpu.memory_space<vmem>>
            %dma_start3A_322 = tpu.memref_squeeze %dma_start3A_321 : memref<1x128xi32, #tpu.memory_space<vmem>> -> memref<128xi32, #tpu.memory_space<vmem>>
            %dma_start3A_323 = arith.constant 0 : i32
            %dma_start3A_324 = tpu.memref_slice %arg5[%add3A_312, %dma_start3A_323] : memref<2512x128xi32, #tpu.memory_space<hbm>> -> memref<1x128xi32, #tpu.memory_space<hbm>>
            %dma_start3A_325 = tpu.memref_squeeze %dma_start3A_324 : memref<1x128xi32, #tpu.memory_space<hbm>> -> memref<128xi32, #tpu.memory_space<hbm>>
            tpu.enqueue_dma source(%dma_start3A_325 : memref<128xi32, #tpu.memory_space<hbm>>) target(%dma_start3A_322 : memref<128xi32, #tpu.memory_space<vmem>>) target_semaphore(%arg11 : memref<!tpu.dma_semaphore, #tpu.memory_space<semaphore_mem>>)
          } else {
          }
        } else {
        }
      }
      %scan3A_49 = arith.constant 78 : i32
      %add3A_50 = arith.constant 2464 : i32
      %add3A_51 = arith.addi %arg1, %add3A_50 : i32
      %mul3A_52 = arith.constant 128 : i32
      %mul3A_53 = arith.muli %add3A_51, %mul3A_52 : i32
      %dma_wait3A = arith.constant 0 : i32
      %dma_wait3A_54 = arith.constant 0 : i32
      %dma_wait3A_55 = arith.constant 0 : i32
      %dma_wait3A_56 = tpu.memref_slice %arg10[%dma_wait3A, %dma_wait3A_54, %dma_wait3A_55] : memref<2x128x128xf32, #tpu.memory_space<vmem>> -> memref<1x128x128xf32, #tpu.memory_space<vmem>>
      %dma_wait3A_57 = tpu.memref_squeeze %dma_wait3A_56 : memref<1x128x128xf32, #tpu.memory_space<vmem>> -> memref<128x128xf32, #tpu.memory_space<vmem>>
      %dma_wait3A_58 = arith.constant 0 : i32
      %dma_wait3A_59 = tpu.memref_slice %arg7[%mul3A_53, %dma_wait3A_58] : memref<321536x128xf32, #tpu.memory_space<hbm>> -> memref<128x128xf32, #tpu.memory_space<hbm>>
      %dma_wait3A_60 = arith.constant 0 : i32
      %dma_wait3A_61 = tpu.memref_slice %arg7[%mul3A_53, %dma_wait3A_60] : memref<321536x128xf32, #tpu.memory_space<hbm>> -> memref<128x128xf32, #tpu.memory_space<hbm>>
      %dma_wait3A_62 = arith.constant 0 : i32
      %dma_wait3A_63 = arith.constant 0 : i32
      %dma_wait3A_64 = tpu.memref_slice %arg10[%dma_wait3A, %dma_wait3A_62, %dma_wait3A_63] : memref<2x128x128xf32, #tpu.memory_space<vmem>> -> memref<1x128x128xf32, #tpu.memory_space<vmem>>
      %dma_wait3A_65 = tpu.memref_squeeze %dma_wait3A_64 : memref<1x128x128xf32, #tpu.memory_space<vmem>> -> memref<128x128xf32, #tpu.memory_space<vmem>>
      tpu.wait_dma2 semaphore(%arg15 : memref<!tpu.dma_semaphore, #tpu.memory_space<semaphore_mem>>) src(%dma_wait3A_65 : memref<128x128xf32, #tpu.memory_space<vmem>>) dst(%dma_wait3A_61 : memref<128x128xf32, #tpu.memory_space<hbm>>)
      %add3A_66 = arith.constant 2496 : i32
      %add3A_67 = arith.addi %arg1, %add3A_66 : i32
      %dma_wait3A_68 = arith.constant 0 : i32
      %dma_wait3A_69 = arith.constant 0 : i32
      %dma_wait3A_70 = tpu.memref_slice %arg9[%dma_wait3A_68, %dma_wait3A_69] : memref<2x128xi32, #tpu.memory_space<vmem>> -> memref<1x128xi32, #tpu.memory_space<vmem>>
      %dma_wait3A_71 = tpu.memref_squeeze %dma_wait3A_70 : memref<1x128xi32, #tpu.memory_space<vmem>> -> memref<128xi32, #tpu.memory_space<vmem>>
      %dma_wait3A_72 = arith.constant 0 : i32
      %dma_wait3A_73 = tpu.memref_slice %arg5[%add3A_67, %dma_wait3A_72] : memref<2512x128xi32, #tpu.memory_space<hbm>> -> memref<1x128xi32, #tpu.memory_space<hbm>>
      %dma_wait3A_74 = tpu.memref_squeeze %dma_wait3A_73 : memref<1x128xi32, #tpu.memory_space<hbm>> -> memref<128xi32, #tpu.memory_space<hbm>>
      %dma_wait3A_75 = arith.constant 0 : i32
      %dma_wait3A_76 = tpu.memref_slice %arg9[%dma_wait3A_68, %dma_wait3A_75] : memref<2x128xi32, #tpu.memory_space<vmem>> -> memref<1x128xi32, #tpu.memory_space<vmem>>
      %dma_wait3A_77 = tpu.memref_squeeze %dma_wait3A_76 : memref<1x128xi32, #tpu.memory_space<vmem>> -> memref<128xi32, #tpu.memory_space<vmem>>
      %dma_wait3A_78 = arith.constant 0 : i32
      %dma_wait3A_79 = tpu.memref_slice %arg5[%add3A_67, %dma_wait3A_78] : memref<2512x128xi32, #tpu.memory_space<hbm>> -> memref<1x128xi32, #tpu.memory_space<hbm>>
      %dma_wait3A_80 = tpu.memref_squeeze %dma_wait3A_79 : memref<1x128xi32, #tpu.memory_space<hbm>> -> memref<128xi32, #tpu.memory_space<hbm>>
      tpu.wait_dma2 semaphore(%arg11 : memref<!tpu.dma_semaphore, #tpu.memory_space<semaphore_mem>>) src(%dma_wait3A_80 : memref<128xi32, #tpu.memory_space<hbm>>) dst(%dma_wait3A_77 : memref<128xi32, #tpu.memory_space<vmem>>)
      %dma_start3A_81 = arith.constant 0 : i32
      %dma_start3A_82 = arith.constant 0 : i32
      %dma_start3A_83 = arith.constant 0 : i32
      %dma_start3A_84 = arith.constant 0 : i32
      %dma_start3A_85 = tpu.memref_slice %arg10[%dma_start3A_82, %dma_start3A_83, %dma_start3A_84] : memref<2x128x128xf32, #tpu.memory_space<vmem>> -> memref<1x128x128xf32, #tpu.memory_space<vmem>>
      %dma_start3A_86 = tpu.memref_squeeze %dma_start3A_85 : memref<1x128x128xf32, #tpu.memory_space<vmem>> -> memref<128x128xf32, #tpu.memory_space<vmem>>
      %dma_start3A_87 = arith.constant 0 : i32
      %dma_start3A_88 = tpu.memref_slice %arg9[%dma_start3A_81, %dma_start3A_87] : memref<2x128xi32, #tpu.memory_space<vmem>> -> memref<1x128xi32, #tpu.memory_space<vmem>>
      %dma_start3A_89 = tpu.memref_squeeze %dma_start3A_88 : memref<1x128xi32, #tpu.memory_space<vmem>> -> memref<128xi32, #tpu.memory_space<vmem>>
      %dma_start3A_90 = arith.constant 0 : i32
      %dma_start3A_91 = arith.constant 0 : i32
      %dma_start3A_92 = tpu.memref_slice %arg8[%dma_start3A_90, %dma_start3A_91] : memref<10240x128xf32, #tpu.memory_space<vmem_shared>> -> memref<10240x128xf32, #tpu.memory_space<vmem_shared>>
      tpu.enqueue_indirect_dma source(%dma_start3A_92 : memref<10240x128xf32, #tpu.memory_space<vmem_shared>>) target(%dma_start3A_86 : memref<128x128xf32, #tpu.memory_space<vmem>>) offsets(%dma_start3A_89 : memref<128xi32, #tpu.memory_space<vmem>>) semaphore(%arg13 : memref<!tpu.dma_semaphore, #tpu.memory_space<semaphore_mem>>)
      %dma_wait3A_93 = arith.constant 1 : i32
      %dma_wait3A_94 = arith.constant 1 : i32
      %dma_wait3A_95 = arith.constant 0 : i32
      %dma_wait3A_96 = arith.constant 0 : i32
      %dma_wait3A_97 = tpu.memref_slice %arg10[%dma_wait3A_94, %dma_wait3A_95, %dma_wait3A_96] : memref<2x128x128xf32, #tpu.memory_space<vmem>> -> memref<1x128x128xf32, #tpu.memory_space<vmem>>
      %dma_wait3A_98 = tpu.memref_squeeze %dma_wait3A_97 : memref<1x128x128xf32, #tpu.memory_space<vmem>> -> memref<128x128xf32, #tpu.memory_space<vmem>>
      %dma_wait3A_99 = arith.constant 0 : i32
      %dma_wait3A_100 = tpu.memref_slice %arg9[%dma_wait3A_93, %dma_wait3A_99] : memref<2x128xi32, #tpu.memory_space<vmem>> -> memref<1x128xi32, #tpu.memory_space<vmem>>
      %dma_wait3A_101 = tpu.memref_squeeze %dma_wait3A_100 : memref<1x128xi32, #tpu.memory_space<vmem>> -> memref<128xi32, #tpu.memory_space<vmem>>
      %dma_wait3A_102 = arith.constant 0 : i32
      %dma_wait3A_103 = arith.constant 0 : i32
      %dma_wait3A_104 = tpu.memref_slice %arg8[%dma_wait3A_102, %dma_wait3A_103] : memref<10240x128xf32, #tpu.memory_space<vmem_shared>> -> memref<10240x128xf32, #tpu.memory_space<vmem_shared>>
      tpu.wait_indirect_dma semaphore(%arg14 : memref<!tpu.dma_semaphore, #tpu.memory_space<semaphore_mem>>) src(%dma_wait3A_104 : memref<10240x128xf32, #tpu.memory_space<vmem_shared>>) dst(%dma_wait3A_98 : memref<128x128xf32, #tpu.memory_space<vmem>>)
      %add3A_105 = arith.constant 2480 : i32
      %add3A_106 = arith.addi %arg1, %add3A_105 : i32
      %mul3A_107 = arith.constant 128 : i32
      %mul3A_108 = arith.muli %add3A_106, %mul3A_107 : i32
      %dma_start3A_109 = arith.constant 1 : i32
      %dma_start3A_110 = arith.constant 0 : i32
      %dma_start3A_111 = arith.constant 0 : i32
      %dma_start3A_112 = tpu.memref_slice %arg10[%dma_start3A_109, %dma_start3A_110, %dma_start3A_111] : memref<2x128x128xf32, #tpu.memory_space<vmem>> -> memref<1x128x128xf32, #tpu.memory_space<vmem>>
      %dma_start3A_113 = tpu.memref_squeeze %dma_start3A_112 : memref<1x128x128xf32, #tpu.memory_space<vmem>> -> memref<128x128xf32, #tpu.memory_space<vmem>>
      %dma_start3A_114 = arith.constant 0 : i32
      %dma_start3A_115 = tpu.memref_slice %arg7[%mul3A_108, %dma_start3A_114] : memref<321536x128xf32, #tpu.memory_space<hbm>> -> memref<128x128xf32, #tpu.memory_space<hbm>>
      %dma_start3A_116 = arith.constant 0 : i32
      %dma_start3A_117 = tpu.memref_slice %arg7[%mul3A_108, %dma_start3A_116] : memref<321536x128xf32, #tpu.memory_space<hbm>> -> memref<128x128xf32, #tpu.memory_space<hbm>>
      %dma_start3A_118 = arith.constant 0 : i32
      %dma_start3A_119 = arith.constant 0 : i32
      %dma_start3A_120 = tpu.memref_slice %arg10[%dma_start3A_109, %dma_start3A_118, %dma_start3A_119] : memref<2x128x128xf32, #tpu.memory_space<vmem>> -> memref<1x128x128xf32, #tpu.memory_space<vmem>>
      %dma_start3A_121 = tpu.memref_squeeze %dma_start3A_120 : memref<1x128x128xf32, #tpu.memory_space<vmem>> -> memref<128x128xf32, #tpu.memory_space<vmem>>
      tpu.enqueue_dma source(%dma_start3A_121 : memref<128x128xf32, #tpu.memory_space<vmem>>) target(%dma_start3A_117 : memref<128x128xf32, #tpu.memory_space<hbm>>) target_semaphore(%arg16 : memref<!tpu.dma_semaphore, #tpu.memory_space<semaphore_mem>>)
      %dma_wait3A_122 = arith.constant 0 : i32
      %dma_wait3A_123 = arith.constant 0 : i32
      %dma_wait3A_124 = arith.constant 0 : i32
      %dma_wait3A_125 = arith.constant 0 : i32
      %dma_wait3A_126 = tpu.memref_slice %arg10[%dma_wait3A_123, %dma_wait3A_124, %dma_wait3A_125] : memref<2x128x128xf32, #tpu.memory_space<vmem>> -> memref<1x128x128xf32, #tpu.memory_space<vmem>>
      %dma_wait3A_127 = tpu.memref_squeeze %dma_wait3A_126 : memref<1x128x128xf32, #tpu.memory_space<vmem>> -> memref<128x128xf32, #tpu.memory_space<vmem>>
      %dma_wait3A_128 = arith.constant 0 : i32
      %dma_wait3A_129 = tpu.memref_slice %arg9[%dma_wait3A_122, %dma_wait3A_128] : memref<2x128xi32, #tpu.memory_space<vmem>> -> memref<1x128xi32, #tpu.memory_space<vmem>>
      %dma_wait3A_130 = tpu.memref_squeeze %dma_wait3A_129 : memref<1x128xi32, #tpu.memory_space<vmem>> -> memref<128xi32, #tpu.memory_space<vmem>>
      %dma_wait3A_131 = arith.constant 0 : i32
      %dma_wait3A_132 = arith.constant 0 : i32
      %dma_wait3A_133 = tpu.memref_slice %arg8[%dma_wait3A_131, %dma_wait3A_132] : memref<10240x128xf32, #tpu.memory_space<vmem_shared>> -> memref<10240x128xf32, #tpu.memory_space<vmem_shared>>
      tpu.wait_indirect_dma semaphore(%arg13 : memref<!tpu.dma_semaphore, #tpu.memory_space<semaphore_mem>>) src(%dma_wait3A_133 : memref<10240x128xf32, #tpu.memory_space<vmem_shared>>) dst(%dma_wait3A_127 : memref<128x128xf32, #tpu.memory_space<vmem>>)
      %add3A_134 = arith.constant 2496 : i32
      %add3A_135 = arith.addi %arg1, %add3A_134 : i32
      %mul3A_136 = arith.constant 128 : i32
      %mul3A_137 = arith.muli %add3A_135, %mul3A_136 : i32
      %dma_start3A_138 = arith.constant 0 : i32
      %dma_start3A_139 = arith.constant 0 : i32
      %dma_start3A_140 = arith.constant 0 : i32
      %dma_start3A_141 = tpu.memref_slice %arg10[%dma_start3A_138, %dma_start3A_139, %dma_start3A_140] : memref<2x128x128xf32, #tpu.memory_space<vmem>> -> memref<1x128x128xf32, #tpu.memory_space<vmem>>
      %dma_start3A_142 = tpu.memref_squeeze %dma_start3A_141 : memref<1x128x128xf32, #tpu.memory_space<vmem>> -> memref<128x128xf32, #tpu.memory_space<vmem>>
      %dma_start3A_143 = arith.constant 0 : i32
      %dma_start3A_144 = tpu.memref_slice %arg7[%mul3A_137, %dma_start3A_143] : memref<321536x128xf32, #tpu.memory_space<hbm>> -> memref<128x128xf32, #tpu.memory_space<hbm>>
      %dma_start3A_145 = arith.constant 0 : i32
      %dma_start3A_146 = tpu.memref_slice %arg7[%mul3A_137, %dma_start3A_145] : memref<321536x128xf32, #tpu.memory_space<hbm>> -> memref<128x128xf32, #tpu.memory_space<hbm>>
      %dma_start3A_147 = arith.constant 0 : i32
      %dma_start3A_148 = arith.constant 0 : i32
      %dma_start3A_149 = tpu.memref_slice %arg10[%dma_start3A_138, %dma_start3A_147, %dma_start3A_148] : memref<2x128x128xf32, #tpu.memory_space<vmem>> -> memref<1x128x128xf32, #tpu.memory_space<vmem>>
      %dma_start3A_150 = tpu.memref_squeeze %dma_start3A_149 : memref<1x128x128xf32, #tpu.memory_space<vmem>> -> memref<128x128xf32, #tpu.memory_space<vmem>>
      tpu.enqueue_dma source(%dma_start3A_150 : memref<128x128xf32, #tpu.memory_space<vmem>>) target(%dma_start3A_146 : memref<128x128xf32, #tpu.memory_space<hbm>>) target_semaphore(%arg15 : memref<!tpu.dma_semaphore, #tpu.memory_space<semaphore_mem>>)
      %add3A_151 = arith.constant 2480 : i32
      %add3A_152 = arith.addi %arg1, %add3A_151 : i32
      %mul3A_153 = arith.constant 128 : i32
      %mul3A_154 = arith.muli %add3A_152, %mul3A_153 : i32
      %dma_wait3A_155 = arith.constant 1 : i32
      %dma_wait3A_156 = arith.constant 0 : i32
      %dma_wait3A_157 = arith.constant 0 : i32
      %dma_wait3A_158 = tpu.memref_slice %arg10[%dma_wait3A_155, %dma_wait3A_156, %dma_wait3A_157] : memref<2x128x128xf32, #tpu.memory_space<vmem>> -> memref<1x128x128xf32, #tpu.memory_space<vmem>>
      %dma_wait3A_159 = tpu.memref_squeeze %dma_wait3A_158 : memref<1x128x128xf32, #tpu.memory_space<vmem>> -> memref<128x128xf32, #tpu.memory_space<vmem>>
      %dma_wait3A_160 = arith.constant 0 : i32
      %dma_wait3A_161 = tpu.memref_slice %arg7[%mul3A_154, %dma_wait3A_160] : memref<321536x128xf32, #tpu.memory_space<hbm>> -> memref<128x128xf32, #tpu.memory_space<hbm>>
      %dma_wait3A_162 = arith.constant 0 : i32
      %dma_wait3A_163 = tpu.memref_slice %arg7[%mul3A_154, %dma_wait3A_162] : memref<321536x128xf32, #tpu.memory_space<hbm>> -> memref<128x128xf32, #tpu.memory_space<hbm>>
      %dma_wait3A_164 = arith.constant 0 : i32
      %dma_wait3A_165 = arith.constant 0 : i32
      %dma_wait3A_166 = tpu.memref_slice %arg10[%dma_wait3A_155, %dma_wait3A_164, %dma_wait3A_165] : memref<2x128x128xf32, #tpu.memory_space<vmem>> -> memref<1x128x128xf32, #tpu.memory_space<vmem>>
      %dma_wait3A_167 = tpu.memref_squeeze %dma_wait3A_166 : memref<1x128x128xf32, #tpu.memory_space<vmem>> -> memref<128x128xf32, #tpu.memory_space<vmem>>
      tpu.wait_dma2 semaphore(%arg16 : memref<!tpu.dma_semaphore, #tpu.memory_space<semaphore_mem>>) src(%dma_wait3A_167 : memref<128x128xf32, #tpu.memory_space<vmem>>) dst(%dma_wait3A_163 : memref<128x128xf32, #tpu.memory_space<hbm>>)
      %add3A_168 = arith.constant 2496 : i32
      %add3A_169 = arith.addi %arg1, %add3A_168 : i32
      %mul3A_170 = arith.constant 128 : i32
      %mul3A_171 = arith.muli %add3A_169, %mul3A_170 : i32
      %dma_wait3A_172 = arith.constant 0 : i32
      %dma_wait3A_173 = arith.constant 0 : i32
      %dma_wait3A_174 = arith.constant 0 : i32
      %dma_wait3A_175 = tpu.memref_slice %arg10[%dma_wait3A_172, %dma_wait3A_173, %dma_wait3A_174] : memref<2x128x128xf32, #tpu.memory_space<vmem>> -> memref<1x128x128xf32, #tpu.memory_space<vmem>>
      %dma_wait3A_176 = tpu.memref_squeeze %dma_wait3A_175 : memref<1x128x128xf32, #tpu.memory_space<vmem>> -> memref<128x128xf32, #tpu.memory_space<vmem>>
      %dma_wait3A_177 = arith.constant 0 : i32
      %dma_wait3A_178 = tpu.memref_slice %arg7[%mul3A_171, %dma_wait3A_177] : memref<321536x128xf32, #tpu.memory_space<hbm>> -> memref<128x128xf32, #tpu.memory_space<hbm>>
      %dma_wait3A_179 = arith.constant 0 : i32
      %dma_wait3A_180 = tpu.memref_slice %arg7[%mul3A_171, %dma_wait3A_179] : memref<321536x128xf32, #tpu.memory_space<hbm>> -> memref<128x128xf32, #tpu.memory_space<hbm>>
      %dma_wait3A_181 = arith.constant 0 : i32
      %dma_wait3A_182 = arith.constant 0 : i32
      %dma_wait3A_183 = tpu.memref_slice %arg10[%dma_wait3A_172, %dma_wait3A_181, %dma_wait3A_182] : memref<2x128x128xf32, #tpu.memory_space<vmem>> -> memref<1x128x128xf32, #tpu.memory_space<vmem>>
      %dma_wait3A_184 = tpu.memref_squeeze %dma_wait3A_183 : memref<1x128x128xf32, #tpu.memory_space<vmem>> -> memref<128x128xf32, #tpu.memory_space<vmem>>
      tpu.wait_dma2 semaphore(%arg15 : memref<!tpu.dma_semaphore, #tpu.memory_space<semaphore_mem>>) src(%dma_wait3A_184 : memref<128x128xf32, #tpu.memory_space<vmem>>) dst(%dma_wait3A_180 : memref<128x128xf32, #tpu.memory_space<hbm>>)
    } else {
    }
    return
  }
}

#map = affine_map<(d0, d1) -> (0, 0)>
#map1 = affine_map<(d0, d1) -> (0, 0, 0)>
module attributes {stable_mosaic.version = 14 : i64} {
  func.func @k(%arg0: i32, %arg1: i32, %arg2: memref<320000x128xf32, #tpu.memory_space<hbm>>, %arg3: memref<320000x16xf32, #tpu.memory_space<hbm>>, %arg4: memref<4000x80xi32, #tpu.memory_space<hbm>>, %arg5: memref<10240x128xf32, #tpu.memory_space<hbm>>, %arg6: memref<10240x16xf32, #tpu.memory_space<hbm>>, %arg7: memref<2x10240x128xf32, #tpu.memory_space<hbm>>, %arg8: memref<2x10240x16xf32, #tpu.memory_space<hbm>>, %arg9: memref<10240x128xf32, #tpu.memory_space<vmem_shared>>, %arg10: memref<10240x16xf32, #tpu.memory_space<vmem_shared>>, %arg11: memref<2x80xi32, #tpu.memory_space<vmem>>, %arg12: memref<2x80x128xf32, #tpu.memory_space<vmem>>, %arg13: memref<2x80x16xf32, #tpu.memory_space<vmem>>, %arg14: memref<!tpu.dma_semaphore, #tpu.memory_space<semaphore_mem>>, %arg15: memref<!tpu.dma_semaphore, #tpu.memory_space<semaphore_mem>>, %arg16: memref<!tpu.dma_semaphore, #tpu.memory_space<semaphore_mem>>, %arg17: memref<!tpu.dma_semaphore, #tpu.memory_space<semaphore_mem>>, %arg18: memref<!tpu.dma_semaphore, #tpu.memory_space<semaphore_mem>>, %arg19: memref<!tpu.dma_semaphore, #tpu.memory_space<semaphore_mem>>, %arg20: memref<!tpu.dma_semaphore, #tpu.memory_space<semaphore_mem>>, %arg21: memref<!tpu.dma_semaphore, #tpu.memory_space<semaphore_mem>>, %arg22: memref<!tpu.dma_semaphore, #tpu.memory_space<semaphore_mem>>, %arg23: memref<!tpu.dma_semaphore, #tpu.memory_space<semaphore_mem>>) attributes {dimension_semantics = [#tpu.dimension_semantics<core_parallel>, #tpu.dimension_semantics<subcore_parallel>], iteration_bounds = array<i64: 2, 16>, scalar_prefetch = 0 : i64, scratch_operands = 15 : i64, tpu.core_type = #tpu.core_type<sc_vector_subcore>, window_params = [{transform_indices = #map}, {transform_indices = #map}, {transform_indices = #map}, {transform_indices = #map}, {transform_indices = #map}, {transform_indices = #map1}, {transform_indices = #map1}]} {
    %mul3A = arith.constant 640 : i32
    %mul3A_0 = arith.muli %arg1, %mul3A : i32
    "tpu.region"() ({
      %run_scoped3A = tpu.sem_alloc : memref<!tpu.dma_semaphore, #tpu.memory_space<semaphore_mem>>
      %dma_start3A_299 = arith.constant 0 : i32
      %dma_start3A_300 = tpu.memref_slice %arg9[%mul3A_0, %dma_start3A_299] : memref<10240x128xf32, #tpu.memory_space<vmem_shared>> -> memref<640x128xf32, #tpu.memory_space<vmem_shared>>
      %dma_start3A_301 = arith.constant 0 : i32
      %dma_start3A_302 = tpu.memref_slice %arg5[%mul3A_0, %dma_start3A_301] : memref<10240x128xf32, #tpu.memory_space<hbm>> -> memref<640x128xf32, #tpu.memory_space<hbm>>
      tpu.enqueue_dma source(%dma_start3A_302 : memref<640x128xf32, #tpu.memory_space<hbm>>) target(%dma_start3A_300 : memref<640x128xf32, #tpu.memory_space<vmem_shared>>) target_semaphore(%run_scoped3A : memref<!tpu.dma_semaphore, #tpu.memory_space<semaphore_mem>>)
      %dma_wait3A_303 = arith.constant 0 : i32
      %dma_wait3A_304 = tpu.memref_slice %arg9[%mul3A_0, %dma_wait3A_303] : memref<10240x128xf32, #tpu.memory_space<vmem_shared>> -> memref<640x128xf32, #tpu.memory_space<vmem_shared>>
      %dma_wait3A_305 = arith.constant 0 : i32
      %dma_wait3A_306 = tpu.memref_slice %arg5[%mul3A_0, %dma_wait3A_305] : memref<10240x128xf32, #tpu.memory_space<hbm>> -> memref<640x128xf32, #tpu.memory_space<hbm>>
      tpu.wait_dma2 semaphore(%run_scoped3A : memref<!tpu.dma_semaphore, #tpu.memory_space<semaphore_mem>>) src(%dma_wait3A_306 : memref<640x128xf32, #tpu.memory_space<hbm>>) dst(%dma_wait3A_304 : memref<640x128xf32, #tpu.memory_space<vmem_shared>>)
      tpu.yield
    }) : () -> ()
    "tpu.region"() ({
      %run_scoped3A = tpu.sem_alloc : memref<!tpu.dma_semaphore, #tpu.memory_space<semaphore_mem>>
      %dma_start3A_299 = arith.constant 0 : i32
      %dma_start3A_300 = tpu.memref_slice %arg10[%mul3A_0, %dma_start3A_299] : memref<10240x16xf32, #tpu.memory_space<vmem_shared>> -> memref<640x16xf32, #tpu.memory_space<vmem_shared>>
      %dma_start3A_301 = arith.constant 0 : i32
      %dma_start3A_302 = tpu.memref_slice %arg6[%mul3A_0, %dma_start3A_301] : memref<10240x16xf32, #tpu.memory_space<hbm>> -> memref<640x16xf32, #tpu.memory_space<hbm>>
      tpu.enqueue_dma source(%dma_start3A_302 : memref<640x16xf32, #tpu.memory_space<hbm>>) target(%dma_start3A_300 : memref<640x16xf32, #tpu.memory_space<vmem_shared>>) target_semaphore(%run_scoped3A : memref<!tpu.dma_semaphore, #tpu.memory_space<semaphore_mem>>)
      %dma_wait3A_303 = arith.constant 0 : i32
      %dma_wait3A_304 = tpu.memref_slice %arg10[%mul3A_0, %dma_wait3A_303] : memref<10240x16xf32, #tpu.memory_space<vmem_shared>> -> memref<640x16xf32, #tpu.memory_space<vmem_shared>>
      %dma_wait3A_305 = arith.constant 0 : i32
      %dma_wait3A_306 = tpu.memref_slice %arg6[%mul3A_0, %dma_wait3A_305] : memref<10240x16xf32, #tpu.memory_space<hbm>> -> memref<640x16xf32, #tpu.memory_space<hbm>>
      tpu.wait_dma2 semaphore(%run_scoped3A : memref<!tpu.dma_semaphore, #tpu.memory_space<semaphore_mem>>) src(%dma_wait3A_306 : memref<640x16xf32, #tpu.memory_space<hbm>>) dst(%dma_wait3A_304 : memref<640x16xf32, #tpu.memory_space<vmem_shared>>)
      tpu.yield
    }) : () -> ()
    %barrier3A = arith.constant 0 : index
    tpu.barrier barrier_id(%barrier3A)
    %mul3A_1 = arith.constant 16 : i32
    %mul3A_2 = arith.muli %arg0, %mul3A_1 : i32
    %add3A = arith.addi %mul3A_2, %arg1 : i32
    %mul3A_3 = arith.constant 125 : i32
    %mul3A_4 = arith.muli %add3A, %mul3A_3 : i32
    %add3A_5 = arith.constant 0 : i32
    %add3A_6 = arith.addi %mul3A_4, %add3A_5 : i32
    %mul3A_7 = arith.constant 80 : i32
    %mul3A_8 = arith.muli %add3A_6, %mul3A_7 : i32
    %mul3A_9 = arith.constant 80 : i32
    %mul3A_10 = arith.muli %add3A_6, %mul3A_9 : i32
    %dma_start3A = arith.constant 0 : i32
    %dma_start3A_11 = arith.constant 0 : i32
    %dma_start3A_12 = tpu.memref_slice %arg11[%dma_start3A, %dma_start3A_11] : memref<2x80xi32, #tpu.memory_space<vmem>> -> memref<1x80xi32, #tpu.memory_space<vmem>>
    %dma_start3A_13 = tpu.memref_squeeze %dma_start3A_12 : memref<1x80xi32, #tpu.memory_space<vmem>> -> memref<80xi32, #tpu.memory_space<vmem>>
    %dma_start3A_14 = arith.constant 0 : i32
    %dma_start3A_15 = tpu.memref_slice %arg4[%add3A_6, %dma_start3A_14] : memref<4000x80xi32, #tpu.memory_space<hbm>> -> memref<1x80xi32, #tpu.memory_space<hbm>>
    %dma_start3A_16 = tpu.memref_squeeze %dma_start3A_15 : memref<1x80xi32, #tpu.memory_space<hbm>> -> memref<80xi32, #tpu.memory_space<hbm>>
    %dma_start3A_17 = arith.constant 0 : i32
    %dma_start3A_18 = tpu.memref_slice %arg11[%dma_start3A, %dma_start3A_17] : memref<2x80xi32, #tpu.memory_space<vmem>> -> memref<1x80xi32, #tpu.memory_space<vmem>>
    %dma_start3A_19 = tpu.memref_squeeze %dma_start3A_18 : memref<1x80xi32, #tpu.memory_space<vmem>> -> memref<80xi32, #tpu.memory_space<vmem>>
    %dma_start3A_20 = arith.constant 0 : i32
    %dma_start3A_21 = tpu.memref_slice %arg4[%add3A_6, %dma_start3A_20] : memref<4000x80xi32, #tpu.memory_space<hbm>> -> memref<1x80xi32, #tpu.memory_space<hbm>>
    %dma_start3A_22 = tpu.memref_squeeze %dma_start3A_21 : memref<1x80xi32, #tpu.memory_space<hbm>> -> memref<80xi32, #tpu.memory_space<hbm>>
    tpu.enqueue_dma source(%dma_start3A_22 : memref<80xi32, #tpu.memory_space<hbm>>) target(%dma_start3A_19 : memref<80xi32, #tpu.memory_space<vmem>>) target_semaphore(%arg14 : memref<!tpu.dma_semaphore, #tpu.memory_space<semaphore_mem>>)
    %dma_start3A_23 = arith.constant 0 : i32
    %dma_start3A_24 = arith.constant 0 : i32
    %dma_start3A_25 = arith.constant 0 : i32
    %dma_start3A_26 = tpu.memref_slice %arg12[%dma_start3A_23, %dma_start3A_24, %dma_start3A_25] : memref<2x80x128xf32, #tpu.memory_space<vmem>> -> memref<1x80x128xf32, #tpu.memory_space<vmem>>
    %dma_start3A_27 = tpu.memref_squeeze %dma_start3A_26 : memref<1x80x128xf32, #tpu.memory_space<vmem>> -> memref<80x128xf32, #tpu.memory_space<vmem>>
    %dma_start3A_28 = arith.constant 0 : i32
    %dma_start3A_29 = tpu.memref_slice %arg2[%mul3A_8, %dma_start3A_28] : memref<320000x128xf32, #tpu.memory_space<hbm>> -> memref<80x128xf32, #tpu.memory_space<hbm>>
    %dma_start3A_30 = arith.constant 0 : i32
    %dma_start3A_31 = arith.constant 0 : i32
    %dma_start3A_32 = tpu.memref_slice %arg12[%dma_start3A_23, %dma_start3A_30, %dma_start3A_31] : memref<2x80x128xf32, #tpu.memory_space<vmem>> -> memref<1x80x128xf32, #tpu.memory_space<vmem>>
    %dma_start3A_33 = tpu.memref_squeeze %dma_start3A_32 : memref<1x80x128xf32, #tpu.memory_space<vmem>> -> memref<80x128xf32, #tpu.memory_space<vmem>>
    %dma_start3A_34 = arith.constant 0 : i32
    %dma_start3A_35 = tpu.memref_slice %arg2[%mul3A_8, %dma_start3A_34] : memref<320000x128xf32, #tpu.memory_space<hbm>> -> memref<80x128xf32, #tpu.memory_space<hbm>>
    tpu.enqueue_dma source(%dma_start3A_35 : memref<80x128xf32, #tpu.memory_space<hbm>>) target(%dma_start3A_33 : memref<80x128xf32, #tpu.memory_space<vmem>>) target_semaphore(%arg16 : memref<!tpu.dma_semaphore, #tpu.memory_space<semaphore_mem>>)
    %dma_start3A_36 = arith.constant 0 : i32
    %dma_start3A_37 = arith.constant 0 : i32
    %dma_start3A_38 = arith.constant 0 : i32
    %dma_start3A_39 = tpu.memref_slice %arg13[%dma_start3A_36, %dma_start3A_37, %dma_start3A_38] : memref<2x80x16xf32, #tpu.memory_space<vmem>> -> memref<1x80x16xf32, #tpu.memory_space<vmem>>
    %dma_start3A_40 = tpu.memref_squeeze %dma_start3A_39 : memref<1x80x16xf32, #tpu.memory_space<vmem>> -> memref<80x16xf32, #tpu.memory_space<vmem>>
    %dma_start3A_41 = arith.constant 0 : i32
    %dma_start3A_42 = tpu.memref_slice %arg3[%mul3A_10, %dma_start3A_41] : memref<320000x16xf32, #tpu.memory_space<hbm>> -> memref<80x16xf32, #tpu.memory_space<hbm>>
    %dma_start3A_43 = arith.constant 0 : i32
    %dma_start3A_44 = arith.constant 0 : i32
    %dma_start3A_45 = tpu.memref_slice %arg13[%dma_start3A_36, %dma_start3A_43, %dma_start3A_44] : memref<2x80x16xf32, #tpu.memory_space<vmem>> -> memref<1x80x16xf32, #tpu.memory_space<vmem>>
    %dma_start3A_46 = tpu.memref_squeeze %dma_start3A_45 : memref<1x80x16xf32, #tpu.memory_space<vmem>> -> memref<80x16xf32, #tpu.memory_space<vmem>>
    %dma_start3A_47 = arith.constant 0 : i32
    %dma_start3A_48 = tpu.memref_slice %arg3[%mul3A_10, %dma_start3A_47] : memref<320000x16xf32, #tpu.memory_space<hbm>> -> memref<80x16xf32, #tpu.memory_space<hbm>>
    tpu.enqueue_dma source(%dma_start3A_48 : memref<80x16xf32, #tpu.memory_space<hbm>>) target(%dma_start3A_46 : memref<80x16xf32, #tpu.memory_space<vmem>>) target_semaphore(%arg18 : memref<!tpu.dma_semaphore, #tpu.memory_space<semaphore_mem>>)
    %mul3A_49 = arith.constant 16 : i32
    %mul3A_50 = arith.muli %arg0, %mul3A_49 : i32
    %add3A_51 = arith.addi %mul3A_50, %arg1 : i32
    %mul3A_52 = arith.constant 125 : i32
    %mul3A_53 = arith.muli %add3A_51, %mul3A_52 : i32
    %add3A_54 = arith.constant 1 : i32
    %add3A_55 = arith.addi %mul3A_53, %add3A_54 : i32
    %mul3A_56 = arith.constant 80 : i32
    %mul3A_57 = arith.muli %add3A_55, %mul3A_56 : i32
    %mul3A_58 = arith.constant 80 : i32
    %mul3A_59 = arith.muli %add3A_55, %mul3A_58 : i32
    %dma_start3A_60 = arith.constant 1 : i32
    %dma_start3A_61 = arith.constant 0 : i32
    %dma_start3A_62 = tpu.memref_slice %arg11[%dma_start3A_60, %dma_start3A_61] : memref<2x80xi32, #tpu.memory_space<vmem>> -> memref<1x80xi32, #tpu.memory_space<vmem>>
    %dma_start3A_63 = tpu.memref_squeeze %dma_start3A_62 : memref<1x80xi32, #tpu.memory_space<vmem>> -> memref<80xi32, #tpu.memory_space<vmem>>
    %dma_start3A_64 = arith.constant 0 : i32
    %dma_start3A_65 = tpu.memref_slice %arg4[%add3A_55, %dma_start3A_64] : memref<4000x80xi32, #tpu.memory_space<hbm>> -> memref<1x80xi32, #tpu.memory_space<hbm>>
    %dma_start3A_66 = tpu.memref_squeeze %dma_start3A_65 : memref<1x80xi32, #tpu.memory_space<hbm>> -> memref<80xi32, #tpu.memory_space<hbm>>
    %dma_start3A_67 = arith.constant 0 : i32
    %dma_start3A_68 = tpu.memref_slice %arg11[%dma_start3A_60, %dma_start3A_67] : memref<2x80xi32, #tpu.memory_space<vmem>> -> memref<1x80xi32, #tpu.memory_space<vmem>>
    %dma_start3A_69 = tpu.memref_squeeze %dma_start3A_68 : memref<1x80xi32, #tpu.memory_space<vmem>> -> memref<80xi32, #tpu.memory_space<vmem>>
    %dma_start3A_70 = arith.constant 0 : i32
    %dma_start3A_71 = tpu.memref_slice %arg4[%add3A_55, %dma_start3A_70] : memref<4000x80xi32, #tpu.memory_space<hbm>> -> memref<1x80xi32, #tpu.memory_space<hbm>>
    %dma_start3A_72 = tpu.memref_squeeze %dma_start3A_71 : memref<1x80xi32, #tpu.memory_space<hbm>> -> memref<80xi32, #tpu.memory_space<hbm>>
    tpu.enqueue_dma source(%dma_start3A_72 : memref<80xi32, #tpu.memory_space<hbm>>) target(%dma_start3A_69 : memref<80xi32, #tpu.memory_space<vmem>>) target_semaphore(%arg15 : memref<!tpu.dma_semaphore, #tpu.memory_space<semaphore_mem>>)
    %dma_start3A_73 = arith.constant 1 : i32
    %dma_start3A_74 = arith.constant 0 : i32
    %dma_start3A_75 = arith.constant 0 : i32
    %dma_start3A_76 = tpu.memref_slice %arg12[%dma_start3A_73, %dma_start3A_74, %dma_start3A_75] : memref<2x80x128xf32, #tpu.memory_space<vmem>> -> memref<1x80x128xf32, #tpu.memory_space<vmem>>
    %dma_start3A_77 = tpu.memref_squeeze %dma_start3A_76 : memref<1x80x128xf32, #tpu.memory_space<vmem>> -> memref<80x128xf32, #tpu.memory_space<vmem>>
    %dma_start3A_78 = arith.constant 0 : i32
    %dma_start3A_79 = tpu.memref_slice %arg2[%mul3A_57, %dma_start3A_78] : memref<320000x128xf32, #tpu.memory_space<hbm>> -> memref<80x128xf32, #tpu.memory_space<hbm>>
    %dma_start3A_80 = arith.constant 0 : i32
    %dma_start3A_81 = arith.constant 0 : i32
    %dma_start3A_82 = tpu.memref_slice %arg12[%dma_start3A_73, %dma_start3A_80, %dma_start3A_81] : memref<2x80x128xf32, #tpu.memory_space<vmem>> -> memref<1x80x128xf32, #tpu.memory_space<vmem>>
    %dma_start3A_83 = tpu.memref_squeeze %dma_start3A_82 : memref<1x80x128xf32, #tpu.memory_space<vmem>> -> memref<80x128xf32, #tpu.memory_space<vmem>>
    %dma_start3A_84 = arith.constant 0 : i32
    %dma_start3A_85 = tpu.memref_slice %arg2[%mul3A_57, %dma_start3A_84] : memref<320000x128xf32, #tpu.memory_space<hbm>> -> memref<80x128xf32, #tpu.memory_space<hbm>>
    tpu.enqueue_dma source(%dma_start3A_85 : memref<80x128xf32, #tpu.memory_space<hbm>>) target(%dma_start3A_83 : memref<80x128xf32, #tpu.memory_space<vmem>>) target_semaphore(%arg17 : memref<!tpu.dma_semaphore, #tpu.memory_space<semaphore_mem>>)
    %dma_start3A_86 = arith.constant 1 : i32
    %dma_start3A_87 = arith.constant 0 : i32
    %dma_start3A_88 = arith.constant 0 : i32
    %dma_start3A_89 = tpu.memref_slice %arg13[%dma_start3A_86, %dma_start3A_87, %dma_start3A_88] : memref<2x80x16xf32, #tpu.memory_space<vmem>> -> memref<1x80x16xf32, #tpu.memory_space<vmem>>
    %dma_start3A_90 = tpu.memref_squeeze %dma_start3A_89 : memref<1x80x16xf32, #tpu.memory_space<vmem>> -> memref<80x16xf32, #tpu.memory_space<vmem>>
    %dma_start3A_91 = arith.constant 0 : i32
    %dma_start3A_92 = tpu.memref_slice %arg3[%mul3A_59, %dma_start3A_91] : memref<320000x16xf32, #tpu.memory_space<hbm>> -> memref<80x16xf32, #tpu.memory_space<hbm>>
    %dma_start3A_93 = arith.constant 0 : i32
    %dma_start3A_94 = arith.constant 0 : i32
    %dma_start3A_95 = tpu.memref_slice %arg13[%dma_start3A_86, %dma_start3A_93, %dma_start3A_94] : memref<2x80x16xf32, #tpu.memory_space<vmem>> -> memref<1x80x16xf32, #tpu.memory_space<vmem>>
    %dma_start3A_96 = tpu.memref_squeeze %dma_start3A_95 : memref<1x80x16xf32, #tpu.memory_space<vmem>> -> memref<80x16xf32, #tpu.memory_space<vmem>>
    %dma_start3A_97 = arith.constant 0 : i32
    %dma_start3A_98 = tpu.memref_slice %arg3[%mul3A_59, %dma_start3A_97] : memref<320000x16xf32, #tpu.memory_space<hbm>> -> memref<80x16xf32, #tpu.memory_space<hbm>>
    tpu.enqueue_dma source(%dma_start3A_98 : memref<80x16xf32, #tpu.memory_space<hbm>>) target(%dma_start3A_96 : memref<80x16xf32, #tpu.memory_space<vmem>>) target_semaphore(%arg19 : memref<!tpu.dma_semaphore, #tpu.memory_space<semaphore_mem>>)
    %scan3A = arith.constant 0 : i32
    %scan3A_99 = arith.constant 62 : i32
    %scan3A_100 = arith.addi %scan3A, %scan3A_99 : i32
    %scan3A_101 = arith.constant 1 : i32
    scf.for %scan3A_299 = %scan3A to %scan3A_100 step %scan3A_101  : i32 {
      %mul3A_300 = arith.constant 1 : i32
      %mul3A_301 = arith.muli %scan3A_299, %mul3A_300 : i32
      %add3A_302 = arith.constant 0 : i32
      %add3A_303 = arith.addi %add3A_302, %mul3A_301 : i32
      %mul3A_304 = arith.constant 2 : i32
      %mul3A_305 = arith.muli %add3A_303, %mul3A_304 : i32
      %add3A_306 = arith.constant 0 : i32
      %add3A_307 = arith.addi %mul3A_305, %add3A_306 : i32
      %ge3A = arith.constant 2 : i32
      %ge3A_308 = arith.cmpi sge, %add3A_307, %ge3A : i32
      %convert_element_type3A = arith.extui %ge3A_308 : i1 to i32
      %cond3A = arith.constant 0 : i32
      %cond3A_309 = arith.cmpi ne, %convert_element_type3A, %cond3A : i32
      scf.if %cond3A_309 {
        %dma_wait3A_463 = arith.constant 0 : i32
        %dma_wait3A_464 = arith.constant 0 : i32
        %dma_wait3A_465 = arith.constant 0 : i32
        %dma_wait3A_466 = arith.constant 0 : i32
        %dma_wait3A_467 = tpu.memref_slice %arg12[%dma_wait3A_463, %dma_wait3A_465, %dma_wait3A_466] : memref<2x80x128xf32, #tpu.memory_space<vmem>> -> memref<1x80x128xf32, #tpu.memory_space<vmem>>
        %dma_wait3A_468 = tpu.memref_squeeze %dma_wait3A_467 : memref<1x80x128xf32, #tpu.memory_space<vmem>> -> memref<80x128xf32, #tpu.memory_space<vmem>>
        %dma_wait3A_469 = arith.constant 0 : i32
        %dma_wait3A_470 = tpu.memref_slice %arg11[%dma_wait3A_464, %dma_wait3A_469] : memref<2x80xi32, #tpu.memory_space<vmem>> -> memref<1x80xi32, #tpu.memory_space<vmem>>
        %dma_wait3A_471 = tpu.memref_squeeze %dma_wait3A_470 : memref<1x80xi32, #tpu.memory_space<vmem>> -> memref<80xi32, #tpu.memory_space<vmem>>
        %dma_wait3A_472 = arith.constant 0 : i32
        %dma_wait3A_473 = arith.constant 0 : i32
        %dma_wait3A_474 = tpu.memref_slice %arg9[%dma_wait3A_472, %dma_wait3A_473] : memref<10240x128xf32, #tpu.memory_space<vmem_shared>> -> memref<10240x128xf32, #tpu.memory_space<vmem_shared>>
        tpu.wait_indirect_dma semaphore(%arg20 : memref<!tpu.dma_semaphore, #tpu.memory_space<semaphore_mem>>) src(%dma_wait3A_468 : memref<80x128xf32, #tpu.memory_space<vmem>>) dst(%dma_wait3A_474 : memref<10240x128xf32, #tpu.memory_space<vmem_shared>>)
        %dma_wait3A_475 = arith.constant 0 : i32
        %dma_wait3A_476 = arith.constant 0 : i32
        %dma_wait3A_477 = arith.constant 0 : i32
        %dma_wait3A_478 = arith.constant 0 : i32
        %dma_wait3A_479 = tpu.memref_slice %arg13[%dma_wait3A_475, %dma_wait3A_477, %dma_wait3A_478] : memref<2x80x16xf32, #tpu.memory_space<vmem>> -> memref<1x80x16xf32, #tpu.memory_space<vmem>>
        %dma_wait3A_480 = tpu.memref_squeeze %dma_wait3A_479 : memref<1x80x16xf32, #tpu.memory_space<vmem>> -> memref<80x16xf32, #tpu.memory_space<vmem>>
        %dma_wait3A_481 = arith.constant 0 : i32
        %dma_wait3A_482 = tpu.memref_slice %arg11[%dma_wait3A_476, %dma_wait3A_481] : memref<2x80xi32, #tpu.memory_space<vmem>> -> memref<1x80xi32, #tpu.memory_space<vmem>>
        %dma_wait3A_483 = tpu.memref_squeeze %dma_wait3A_482 : memref<1x80xi32, #tpu.memory_space<vmem>> -> memref<80xi32, #tpu.memory_space<vmem>>
        %dma_wait3A_484 = arith.constant 0 : i32
        %dma_wait3A_485 = arith.constant 0 : i32
        %dma_wait3A_486 = tpu.memref_slice %arg10[%dma_wait3A_484, %dma_wait3A_485] : memref<10240x16xf32, #tpu.memory_space<vmem_shared>> -> memref<10240x16xf32, #tpu.memory_space<vmem_shared>>
        tpu.wait_indirect_dma semaphore(%arg22 : memref<!tpu.dma_semaphore, #tpu.memory_space<semaphore_mem>>) src(%dma_wait3A_480 : memref<80x16xf32, #tpu.memory_space<vmem>>) dst(%dma_wait3A_486 : memref<10240x16xf32, #tpu.memory_space<vmem_shared>>)
        %mul3A_487 = arith.constant 16 : i32
        %mul3A_488 = arith.muli %arg0, %mul3A_487 : i32
        %add3A_489 = arith.addi %mul3A_488, %arg1 : i32
        %mul3A_490 = arith.constant 125 : i32
        %mul3A_491 = arith.muli %add3A_489, %mul3A_490 : i32
        %add3A_492 = arith.addi %mul3A_491, %add3A_307 : i32
        %mul3A_493 = arith.constant 80 : i32
        %mul3A_494 = arith.muli %add3A_492, %mul3A_493 : i32
        %mul3A_495 = arith.constant 80 : i32
        %mul3A_496 = arith.muli %add3A_492, %mul3A_495 : i32
        %dma_start3A_497 = arith.constant 0 : i32
        %dma_start3A_498 = arith.constant 0 : i32
        %dma_start3A_499 = tpu.memref_slice %arg11[%dma_start3A_497, %dma_start3A_498] : memref<2x80xi32, #tpu.memory_space<vmem>> -> memref<1x80xi32, #tpu.memory_space<vmem>>
        %dma_start3A_500 = tpu.memref_squeeze %dma_start3A_499 : memref<1x80xi32, #tpu.memory_space<vmem>> -> memref<80xi32, #tpu.memory_space<vmem>>
        %dma_start3A_501 = arith.constant 0 : i32
        %dma_start3A_502 = tpu.memref_slice %arg4[%add3A_492, %dma_start3A_501] : memref<4000x80xi32, #tpu.memory_space<hbm>> -> memref<1x80xi32, #tpu.memory_space<hbm>>
        %dma_start3A_503 = tpu.memref_squeeze %dma_start3A_502 : memref<1x80xi32, #tpu.memory_space<hbm>> -> memref<80xi32, #tpu.memory_space<hbm>>
        %dma_start3A_504 = arith.constant 0 : i32
        %dma_start3A_505 = tpu.memref_slice %arg11[%dma_start3A_497, %dma_start3A_504] : memref<2x80xi32, #tpu.memory_space<vmem>> -> memref<1x80xi32, #tpu.memory_space<vmem>>
        %dma_start3A_506 = tpu.memref_squeeze %dma_start3A_505 : memref<1x80xi32, #tpu.memory_space<vmem>> -> memref<80xi32, #tpu.memory_space<vmem>>
        %dma_start3A_507 = arith.constant 0 : i32
        %dma_start3A_508 = tpu.memref_slice %arg4[%add3A_492, %dma_start3A_507] : memref<4000x80xi32, #tpu.memory_space<hbm>> -> memref<1x80xi32, #tpu.memory_space<hbm>>
        %dma_start3A_509 = tpu.memref_squeeze %dma_start3A_508 : memref<1x80xi32, #tpu.memory_space<hbm>> -> memref<80xi32, #tpu.memory_space<hbm>>
        tpu.enqueue_dma source(%dma_start3A_509 : memref<80xi32, #tpu.memory_space<hbm>>) target(%dma_start3A_506 : memref<80xi32, #tpu.memory_space<vmem>>) target_semaphore(%arg14 : memref<!tpu.dma_semaphore, #tpu.memory_space<semaphore_mem>>)
        %dma_start3A_510 = arith.constant 0 : i32
        %dma_start3A_511 = arith.constant 0 : i32
        %dma_start3A_512 = arith.constant 0 : i32
        %dma_start3A_513 = tpu.memref_slice %arg12[%dma_start3A_510, %dma_start3A_511, %dma_start3A_512] : memref<2x80x128xf32, #tpu.memory_space<vmem>> -> memref<1x80x128xf32, #tpu.memory_space<vmem>>
        %dma_start3A_514 = tpu.memref_squeeze %dma_start3A_513 : memref<1x80x128xf32, #tpu.memory_space<vmem>> -> memref<80x128xf32, #tpu.memory_space<vmem>>
        %dma_start3A_515 = arith.constant 0 : i32
        %dma_start3A_516 = tpu.memref_slice %arg2[%mul3A_494, %dma_start3A_515] : memref<320000x128xf32, #tpu.memory_space<hbm>> -> memref<80x128xf32, #tpu.memory_space<hbm>>
        %dma_start3A_517 = arith.constant 0 : i32
        %dma_start3A_518 = arith.constant 0 : i32
        %dma_start3A_519 = tpu.memref_slice %arg12[%dma_start3A_510, %dma_start3A_517, %dma_start3A_518] : memref<2x80x128xf32, #tpu.memory_space<vmem>> -> memref<1x80x128xf32, #tpu.memory_space<vmem>>
        %dma_start3A_520 = tpu.memref_squeeze %dma_start3A_519 : memref<1x80x128xf32, #tpu.memory_space<vmem>> -> memref<80x128xf32, #tpu.memory_space<vmem>>
        %dma_start3A_521 = arith.constant 0 : i32
        %dma_start3A_522 = tpu.memref_slice %arg2[%mul3A_494, %dma_start3A_521] : memref<320000x128xf32, #tpu.memory_space<hbm>> -> memref<80x128xf32, #tpu.memory_space<hbm>>
        tpu.enqueue_dma source(%dma_start3A_522 : memref<80x128xf32, #tpu.memory_space<hbm>>) target(%dma_start3A_520 : memref<80x128xf32, #tpu.memory_space<vmem>>) target_semaphore(%arg16 : memref<!tpu.dma_semaphore, #tpu.memory_space<semaphore_mem>>)
        %dma_start3A_523 = arith.constant 0 : i32
        %dma_start3A_524 = arith.constant 0 : i32
        %dma_start3A_525 = arith.constant 0 : i32
        %dma_start3A_526 = tpu.memref_slice %arg13[%dma_start3A_523, %dma_start3A_524, %dma_start3A_525] : memref<2x80x16xf32, #tpu.memory_space<vmem>> -> memref<1x80x16xf32, #tpu.memory_space<vmem>>
        %dma_start3A_527 = tpu.memref_squeeze %dma_start3A_526 : memref<1x80x16xf32, #tpu.memory_space<vmem>> -> memref<80x16xf32, #tpu.memory_space<vmem>>
        %dma_start3A_528 = arith.constant 0 : i32
        %dma_start3A_529 = tpu.memref_slice %arg3[%mul3A_496, %dma_start3A_528] : memref<320000x16xf32, #tpu.memory_space<hbm>> -> memref<80x16xf32, #tpu.memory_space<hbm>>
        %dma_start3A_530 = arith.constant 0 : i32
        %dma_start3A_531 = arith.constant 0 : i32
        %dma_start3A_532 = tpu.memref_slice %arg13[%dma_start3A_523, %dma_start3A_530, %dma_start3A_531] : memref<2x80x16xf32, #tpu.memory_space<vmem>> -> memref<1x80x16xf32, #tpu.memory_space<vmem>>
        %dma_start3A_533 = tpu.memref_squeeze %dma_start3A_532 : memref<1x80x16xf32, #tpu.memory_space<vmem>> -> memref<80x16xf32, #tpu.memory_space<vmem>>
        %dma_start3A_534 = arith.constant 0 : i32
        %dma_start3A_535 = tpu.memref_slice %arg3[%mul3A_496, %dma_start3A_534] : memref<320000x16xf32, #tpu.memory_space<hbm>> -> memref<80x16xf32, #tpu.memory_space<hbm>>
        tpu.enqueue_dma source(%dma_start3A_535 : memref<80x16xf32, #tpu.memory_space<hbm>>) target(%dma_start3A_533 : memref<80x16xf32, #tpu.memory_space<vmem>>) target_semaphore(%arg18 : memref<!tpu.dma_semaphore, #tpu.memory_space<semaphore_mem>>)
      } else {
      }
      %mul3A_310 = arith.constant 16 : i32
      %mul3A_311 = arith.muli %arg0, %mul3A_310 : i32
      %add3A_312 = arith.addi %mul3A_311, %arg1 : i32
      %mul3A_313 = arith.constant 125 : i32
      %mul3A_314 = arith.muli %add3A_312, %mul3A_313 : i32
      %add3A_315 = arith.addi %mul3A_314, %add3A_307 : i32
      %mul3A_316 = arith.constant 80 : i32
      %mul3A_317 = arith.muli %add3A_315, %mul3A_316 : i32
      %mul3A_318 = arith.constant 80 : i32
      %mul3A_319 = arith.muli %add3A_315, %mul3A_318 : i32
      %dma_wait3A_320 = arith.constant 0 : i32
      %dma_wait3A_321 = arith.constant 0 : i32
      %dma_wait3A_322 = tpu.memref_slice %arg11[%dma_wait3A_320, %dma_wait3A_321] : memref<2x80xi32, #tpu.memory_space<vmem>> -> memref<1x80xi32, #tpu.memory_space<vmem>>
      %dma_wait3A_323 = tpu.memref_squeeze %dma_wait3A_322 : memref<1x80xi32, #tpu.memory_space<vmem>> -> memref<80xi32, #tpu.memory_space<vmem>>
      %dma_wait3A_324 = arith.constant 0 : i32
      %dma_wait3A_325 = tpu.memref_slice %arg4[%add3A_315, %dma_wait3A_324] : memref<4000x80xi32, #tpu.memory_space<hbm>> -> memref<1x80xi32, #tpu.memory_space<hbm>>
      %dma_wait3A_326 = tpu.memref_squeeze %dma_wait3A_325 : memref<1x80xi32, #tpu.memory_space<hbm>> -> memref<80xi32, #tpu.memory_space<hbm>>
      %dma_wait3A_327 = arith.constant 0 : i32
      %dma_wait3A_328 = tpu.memref_slice %arg11[%dma_wait3A_320, %dma_wait3A_327] : memref<2x80xi32, #tpu.memory_space<vmem>> -> memref<1x80xi32, #tpu.memory_space<vmem>>
      %dma_wait3A_329 = tpu.memref_squeeze %dma_wait3A_328 : memref<1x80xi32, #tpu.memory_space<vmem>> -> memref<80xi32, #tpu.memory_space<vmem>>
      %dma_wait3A_330 = arith.constant 0 : i32
      %dma_wait3A_331 = tpu.memref_slice %arg4[%add3A_315, %dma_wait3A_330] : memref<4000x80xi32, #tpu.memory_space<hbm>> -> memref<1x80xi32, #tpu.memory_space<hbm>>
      %dma_wait3A_332 = tpu.memref_squeeze %dma_wait3A_331 : memref<1x80xi32, #tpu.memory_space<hbm>> -> memref<80xi32, #tpu.memory_space<hbm>>
      tpu.wait_dma2 semaphore(%arg14 : memref<!tpu.dma_semaphore, #tpu.memory_space<semaphore_mem>>) src(%dma_wait3A_332 : memref<80xi32, #tpu.memory_space<hbm>>) dst(%dma_wait3A_329 : memref<80xi32, #tpu.memory_space<vmem>>)
      %dma_wait3A_333 = arith.constant 0 : i32
      %dma_wait3A_334 = arith.constant 0 : i32
      %dma_wait3A_335 = arith.constant 0 : i32
      %dma_wait3A_336 = tpu.memref_slice %arg12[%dma_wait3A_333, %dma_wait3A_334, %dma_wait3A_335] : memref<2x80x128xf32, #tpu.memory_space<vmem>> -> memref<1x80x128xf32, #tpu.memory_space<vmem>>
      %dma_wait3A_337 = tpu.memref_squeeze %dma_wait3A_336 : memref<1x80x128xf32, #tpu.memory_space<vmem>> -> memref<80x128xf32, #tpu.memory_space<vmem>>
      %dma_wait3A_338 = arith.constant 0 : i32
      %dma_wait3A_339 = tpu.memref_slice %arg2[%mul3A_317, %dma_wait3A_338] : memref<320000x128xf32, #tpu.memory_space<hbm>> -> memref<80x128xf32, #tpu.memory_space<hbm>>
      %dma_wait3A_340 = arith.constant 0 : i32
      %dma_wait3A_341 = arith.constant 0 : i32
      %dma_wait3A_342 = tpu.memref_slice %arg12[%dma_wait3A_333, %dma_wait3A_340, %dma_wait3A_341] : memref<2x80x128xf32, #tpu.memory_space<vmem>> -> memref<1x80x128xf32, #tpu.memory_space<vmem>>
      %dma_wait3A_343 = tpu.memref_squeeze %dma_wait3A_342 : memref<1x80x128xf32, #tpu.memory_space<vmem>> -> memref<80x128xf32, #tpu.memory_space<vmem>>
      %dma_wait3A_344 = arith.constant 0 : i32
      %dma_wait3A_345 = tpu.memref_slice %arg2[%mul3A_317, %dma_wait3A_344] : memref<320000x128xf32, #tpu.memory_space<hbm>> -> memref<80x128xf32, #tpu.memory_space<hbm>>
      tpu.wait_dma2 semaphore(%arg16 : memref<!tpu.dma_semaphore, #tpu.memory_space<semaphore_mem>>) src(%dma_wait3A_345 : memref<80x128xf32, #tpu.memory_space<hbm>>) dst(%dma_wait3A_343 : memref<80x128xf32, #tpu.memory_space<vmem>>)
      %dma_wait3A_346 = arith.constant 0 : i32
      %dma_wait3A_347 = arith.constant 0 : i32
      %dma_wait3A_348 = arith.constant 0 : i32
      %dma_wait3A_349 = tpu.memref_slice %arg13[%dma_wait3A_346, %dma_wait3A_347, %dma_wait3A_348] : memref<2x80x16xf32, #tpu.memory_space<vmem>> -> memref<1x80x16xf32, #tpu.memory_space<vmem>>
      %dma_wait3A_350 = tpu.memref_squeeze %dma_wait3A_349 : memref<1x80x16xf32, #tpu.memory_space<vmem>> -> memref<80x16xf32, #tpu.memory_space<vmem>>
      %dma_wait3A_351 = arith.constant 0 : i32
      %dma_wait3A_352 = tpu.memref_slice %arg3[%mul3A_319, %dma_wait3A_351] : memref<320000x16xf32, #tpu.memory_space<hbm>> -> memref<80x16xf32, #tpu.memory_space<hbm>>
      %dma_wait3A_353 = arith.constant 0 : i32
      %dma_wait3A_354 = arith.constant 0 : i32
      %dma_wait3A_355 = tpu.memref_slice %arg13[%dma_wait3A_346, %dma_wait3A_353, %dma_wait3A_354] : memref<2x80x16xf32, #tpu.memory_space<vmem>> -> memref<1x80x16xf32, #tpu.memory_space<vmem>>
      %dma_wait3A_356 = tpu.memref_squeeze %dma_wait3A_355 : memref<1x80x16xf32, #tpu.memory_space<vmem>> -> memref<80x16xf32, #tpu.memory_space<vmem>>
      %dma_wait3A_357 = arith.constant 0 : i32
      %dma_wait3A_358 = tpu.memref_slice %arg3[%mul3A_319, %dma_wait3A_357] : memref<320000x16xf32, #tpu.memory_space<hbm>> -> memref<80x16xf32, #tpu.memory_space<hbm>>
      tpu.wait_dma2 semaphore(%arg18 : memref<!tpu.dma_semaphore, #tpu.memory_space<semaphore_mem>>) src(%dma_wait3A_358 : memref<80x16xf32, #tpu.memory_space<hbm>>) dst(%dma_wait3A_356 : memref<80x16xf32, #tpu.memory_space<vmem>>)
      %dma_start3A_359 = arith.constant 0 : i32
      %dma_start3A_360 = arith.constant 0 : i32
      %dma_start3A_361 = arith.constant 0 : i32
      %dma_start3A_362 = arith.constant 0 : i32
      %dma_start3A_363 = tpu.memref_slice %arg12[%dma_start3A_359, %dma_start3A_361, %dma_start3A_362] : memref<2x80x128xf32, #tpu.memory_space<vmem>> -> memref<1x80x128xf32, #tpu.memory_space<vmem>>
      %dma_start3A_364 = tpu.memref_squeeze %dma_start3A_363 : memref<1x80x128xf32, #tpu.memory_space<vmem>> -> memref<80x128xf32, #tpu.memory_space<vmem>>
      %dma_start3A_365 = arith.constant 0 : i32
      %dma_start3A_366 = tpu.memref_slice %arg11[%dma_start3A_360, %dma_start3A_365] : memref<2x80xi32, #tpu.memory_space<vmem>> -> memref<1x80xi32, #tpu.memory_space<vmem>>
      %dma_start3A_367 = tpu.memref_squeeze %dma_start3A_366 : memref<1x80xi32, #tpu.memory_space<vmem>> -> memref<80xi32, #tpu.memory_space<vmem>>
      %dma_start3A_368 = arith.constant 0 : i32
      %dma_start3A_369 = arith.constant 0 : i32
      %dma_start3A_370 = tpu.memref_slice %arg9[%dma_start3A_368, %dma_start3A_369] : memref<10240x128xf32, #tpu.memory_space<vmem_shared>> -> memref<10240x128xf32, #tpu.memory_space<vmem_shared>>
      tpu.enqueue_indirect_dma source(%dma_start3A_364 : memref<80x128xf32, #tpu.memory_space<vmem>>) target(%dma_start3A_370 : memref<10240x128xf32, #tpu.memory_space<vmem_shared>>) offsets(%dma_start3A_367 : memref<80xi32, #tpu.memory_space<vmem>>) semaphore(%arg20 : memref<!tpu.dma_semaphore, #tpu.memory_space<semaphore_mem>>) {add = true}
      %dma_start3A_371 = arith.constant 0 : i32
      %dma_start3A_372 = arith.constant 0 : i32
      %dma_start3A_373 = arith.constant 0 : i32
      %dma_start3A_374 = arith.constant 0 : i32
      %dma_start3A_375 = tpu.memref_slice %arg13[%dma_start3A_371, %dma_start3A_373, %dma_start3A_374] : memref<2x80x16xf32, #tpu.memory_space<vmem>> -> memref<1x80x16xf32, #tpu.memory_space<vmem>>
      %dma_start3A_376 = tpu.memref_squeeze %dma_start3A_375 : memref<1x80x16xf32, #tpu.memory_space<vmem>> -> memref<80x16xf32, #tpu.memory_space<vmem>>
      %dma_start3A_377 = arith.constant 0 : i32
      %dma_start3A_378 = tpu.memref_slice %arg11[%dma_start3A_372, %dma_start3A_377] : memref<2x80xi32, #tpu.memory_space<vmem>> -> memref<1x80xi32, #tpu.memory_space<vmem>>
      %dma_start3A_379 = tpu.memref_squeeze %dma_start3A_378 : memref<1x80xi32, #tpu.memory_space<vmem>> -> memref<80xi32, #tpu.memory_space<vmem>>
      %dma_start3A_380 = arith.constant 0 : i32
      %dma_start3A_381 = arith.constant 0 : i32
      %dma_start3A_382 = tpu.memref_slice %arg10[%dma_start3A_380, %dma_start3A_381] : memref<10240x16xf32, #tpu.memory_space<vmem_shared>> -> memref<10240x16xf32, #tpu.memory_space<vmem_shared>>
      tpu.enqueue_indirect_dma source(%dma_start3A_376 : memref<80x16xf32, #tpu.memory_space<vmem>>) target(%dma_start3A_382 : memref<10240x16xf32, #tpu.memory_space<vmem_shared>>) offsets(%dma_start3A_379 : memref<80xi32, #tpu.memory_space<vmem>>) semaphore(%arg22 : memref<!tpu.dma_semaphore, #tpu.memory_space<semaphore_mem>>) {add = true}
      %add3A_383 = arith.constant 1 : i32
      %add3A_384 = arith.addi %mul3A_305, %add3A_383 : i32
      %ge3A_385 = arith.constant 2 : i32
      %ge3A_386 = arith.cmpi sge, %add3A_384, %ge3A_385 : i32
      %convert_element_type3A_387 = arith.extui %ge3A_386 : i1 to i32
      %cond3A_388 = arith.constant 0 : i32
      %cond3A_389 = arith.cmpi ne, %convert_element_type3A_387, %cond3A_388 : i32
      scf.if %cond3A_389 {
        %dma_wait3A_463 = arith.constant 1 : i32
        %dma_wait3A_464 = arith.constant 1 : i32
        %dma_wait3A_465 = arith.constant 0 : i32
        %dma_wait3A_466 = arith.constant 0 : i32
        %dma_wait3A_467 = tpu.memref_slice %arg12[%dma_wait3A_463, %dma_wait3A_465, %dma_wait3A_466] : memref<2x80x128xf32, #tpu.memory_space<vmem>> -> memref<1x80x128xf32, #tpu.memory_space<vmem>>
        %dma_wait3A_468 = tpu.memref_squeeze %dma_wait3A_467 : memref<1x80x128xf32, #tpu.memory_space<vmem>> -> memref<80x128xf32, #tpu.memory_space<vmem>>
        %dma_wait3A_469 = arith.constant 0 : i32
        %dma_wait3A_470 = tpu.memref_slice %arg11[%dma_wait3A_464, %dma_wait3A_469] : memref<2x80xi32, #tpu.memory_space<vmem>> -> memref<1x80xi32, #tpu.memory_space<vmem>>
        %dma_wait3A_471 = tpu.memref_squeeze %dma_wait3A_470 : memref<1x80xi32, #tpu.memory_space<vmem>> -> memref<80xi32, #tpu.memory_space<vmem>>
        %dma_wait3A_472 = arith.constant 0 : i32
        %dma_wait3A_473 = arith.constant 0 : i32
        %dma_wait3A_474 = tpu.memref_slice %arg9[%dma_wait3A_472, %dma_wait3A_473] : memref<10240x128xf32, #tpu.memory_space<vmem_shared>> -> memref<10240x128xf32, #tpu.memory_space<vmem_shared>>
        tpu.wait_indirect_dma semaphore(%arg21 : memref<!tpu.dma_semaphore, #tpu.memory_space<semaphore_mem>>) src(%dma_wait3A_468 : memref<80x128xf32, #tpu.memory_space<vmem>>) dst(%dma_wait3A_474 : memref<10240x128xf32, #tpu.memory_space<vmem_shared>>)
        %dma_wait3A_475 = arith.constant 1 : i32
        %dma_wait3A_476 = arith.constant 1 : i32
        %dma_wait3A_477 = arith.constant 0 : i32
        %dma_wait3A_478 = arith.constant 0 : i32
        %dma_wait3A_479 = tpu.memref_slice %arg13[%dma_wait3A_475, %dma_wait3A_477, %dma_wait3A_478] : memref<2x80x16xf32, #tpu.memory_space<vmem>> -> memref<1x80x16xf32, #tpu.memory_space<vmem>>
        %dma_wait3A_480 = tpu.memref_squeeze %dma_wait3A_479 : memref<1x80x16xf32, #tpu.memory_space<vmem>> -> memref<80x16xf32, #tpu.memory_space<vmem>>
        %dma_wait3A_481 = arith.constant 0 : i32
        %dma_wait3A_482 = tpu.memref_slice %arg11[%dma_wait3A_476, %dma_wait3A_481] : memref<2x80xi32, #tpu.memory_space<vmem>> -> memref<1x80xi32, #tpu.memory_space<vmem>>
        %dma_wait3A_483 = tpu.memref_squeeze %dma_wait3A_482 : memref<1x80xi32, #tpu.memory_space<vmem>> -> memref<80xi32, #tpu.memory_space<vmem>>
        %dma_wait3A_484 = arith.constant 0 : i32
        %dma_wait3A_485 = arith.constant 0 : i32
        %dma_wait3A_486 = tpu.memref_slice %arg10[%dma_wait3A_484, %dma_wait3A_485] : memref<10240x16xf32, #tpu.memory_space<vmem_shared>> -> memref<10240x16xf32, #tpu.memory_space<vmem_shared>>
        tpu.wait_indirect_dma semaphore(%arg23 : memref<!tpu.dma_semaphore, #tpu.memory_space<semaphore_mem>>) src(%dma_wait3A_480 : memref<80x16xf32, #tpu.memory_space<vmem>>) dst(%dma_wait3A_486 : memref<10240x16xf32, #tpu.memory_space<vmem_shared>>)
        %mul3A_487 = arith.constant 16 : i32
        %mul3A_488 = arith.muli %arg0, %mul3A_487 : i32
        %add3A_489 = arith.addi %mul3A_488, %arg1 : i32
        %mul3A_490 = arith.constant 125 : i32
        %mul3A_491 = arith.muli %add3A_489, %mul3A_490 : i32
        %add3A_492 = arith.addi %mul3A_491, %add3A_384 : i32
        %mul3A_493 = arith.constant 80 : i32
        %mul3A_494 = arith.muli %add3A_492, %mul3A_493 : i32
        %mul3A_495 = arith.constant 80 : i32
        %mul3A_496 = arith.muli %add3A_492, %mul3A_495 : i32
        %dma_start3A_497 = arith.constant 1 : i32
        %dma_start3A_498 = arith.constant 0 : i32
        %dma_start3A_499 = tpu.memref_slice %arg11[%dma_start3A_497, %dma_start3A_498] : memref<2x80xi32, #tpu.memory_space<vmem>> -> memref<1x80xi32, #tpu.memory_space<vmem>>
        %dma_start3A_500 = tpu.memref_squeeze %dma_start3A_499 : memref<1x80xi32, #tpu.memory_space<vmem>> -> memref<80xi32, #tpu.memory_space<vmem>>
        %dma_start3A_501 = arith.constant 0 : i32
        %dma_start3A_502 = tpu.memref_slice %arg4[%add3A_492, %dma_start3A_501] : memref<4000x80xi32, #tpu.memory_space<hbm>> -> memref<1x80xi32, #tpu.memory_space<hbm>>
        %dma_start3A_503 = tpu.memref_squeeze %dma_start3A_502 : memref<1x80xi32, #tpu.memory_space<hbm>> -> memref<80xi32, #tpu.memory_space<hbm>>
        %dma_start3A_504 = arith.constant 0 : i32
        %dma_start3A_505 = tpu.memref_slice %arg11[%dma_start3A_497, %dma_start3A_504] : memref<2x80xi32, #tpu.memory_space<vmem>> -> memref<1x80xi32, #tpu.memory_space<vmem>>
        %dma_start3A_506 = tpu.memref_squeeze %dma_start3A_505 : memref<1x80xi32, #tpu.memory_space<vmem>> -> memref<80xi32, #tpu.memory_space<vmem>>
        %dma_start3A_507 = arith.constant 0 : i32
        %dma_start3A_508 = tpu.memref_slice %arg4[%add3A_492, %dma_start3A_507] : memref<4000x80xi32, #tpu.memory_space<hbm>> -> memref<1x80xi32, #tpu.memory_space<hbm>>
        %dma_start3A_509 = tpu.memref_squeeze %dma_start3A_508 : memref<1x80xi32, #tpu.memory_space<hbm>> -> memref<80xi32, #tpu.memory_space<hbm>>
        tpu.enqueue_dma source(%dma_start3A_509 : memref<80xi32, #tpu.memory_space<hbm>>) target(%dma_start3A_506 : memref<80xi32, #tpu.memory_space<vmem>>) target_semaphore(%arg15 : memref<!tpu.dma_semaphore, #tpu.memory_space<semaphore_mem>>)
        %dma_start3A_510 = arith.constant 1 : i32
        %dma_start3A_511 = arith.constant 0 : i32
        %dma_start3A_512 = arith.constant 0 : i32
        %dma_start3A_513 = tpu.memref_slice %arg12[%dma_start3A_510, %dma_start3A_511, %dma_start3A_512] : memref<2x80x128xf32, #tpu.memory_space<vmem>> -> memref<1x80x128xf32, #tpu.memory_space<vmem>>
        %dma_start3A_514 = tpu.memref_squeeze %dma_start3A_513 : memref<1x80x128xf32, #tpu.memory_space<vmem>> -> memref<80x128xf32, #tpu.memory_space<vmem>>
        %dma_start3A_515 = arith.constant 0 : i32
        %dma_start3A_516 = tpu.memref_slice %arg2[%mul3A_494, %dma_start3A_515] : memref<320000x128xf32, #tpu.memory_space<hbm>> -> memref<80x128xf32, #tpu.memory_space<hbm>>
        %dma_start3A_517 = arith.constant 0 : i32
        %dma_start3A_518 = arith.constant 0 : i32
        %dma_start3A_519 = tpu.memref_slice %arg12[%dma_start3A_510, %dma_start3A_517, %dma_start3A_518] : memref<2x80x128xf32, #tpu.memory_space<vmem>> -> memref<1x80x128xf32, #tpu.memory_space<vmem>>
        %dma_start3A_520 = tpu.memref_squeeze %dma_start3A_519 : memref<1x80x128xf32, #tpu.memory_space<vmem>> -> memref<80x128xf32, #tpu.memory_space<vmem>>
        %dma_start3A_521 = arith.constant 0 : i32
        %dma_start3A_522 = tpu.memref_slice %arg2[%mul3A_494, %dma_start3A_521] : memref<320000x128xf32, #tpu.memory_space<hbm>> -> memref<80x128xf32, #tpu.memory_space<hbm>>
        tpu.enqueue_dma source(%dma_start3A_522 : memref<80x128xf32, #tpu.memory_space<hbm>>) target(%dma_start3A_520 : memref<80x128xf32, #tpu.memory_space<vmem>>) target_semaphore(%arg17 : memref<!tpu.dma_semaphore, #tpu.memory_space<semaphore_mem>>)
        %dma_start3A_523 = arith.constant 1 : i32
        %dma_start3A_524 = arith.constant 0 : i32
        %dma_start3A_525 = arith.constant 0 : i32
        %dma_start3A_526 = tpu.memref_slice %arg13[%dma_start3A_523, %dma_start3A_524, %dma_start3A_525] : memref<2x80x16xf32, #tpu.memory_space<vmem>> -> memref<1x80x16xf32, #tpu.memory_space<vmem>>
        %dma_start3A_527 = tpu.memref_squeeze %dma_start3A_526 : memref<1x80x16xf32, #tpu.memory_space<vmem>> -> memref<80x16xf32, #tpu.memory_space<vmem>>
        %dma_start3A_528 = arith.constant 0 : i32
        %dma_start3A_529 = tpu.memref_slice %arg3[%mul3A_496, %dma_start3A_528] : memref<320000x16xf32, #tpu.memory_space<hbm>> -> memref<80x16xf32, #tpu.memory_space<hbm>>
        %dma_start3A_530 = arith.constant 0 : i32
        %dma_start3A_531 = arith.constant 0 : i32
        %dma_start3A_532 = tpu.memref_slice %arg13[%dma_start3A_523, %dma_start3A_530, %dma_start3A_531] : memref<2x80x16xf32, #tpu.memory_space<vmem>> -> memref<1x80x16xf32, #tpu.memory_space<vmem>>
        %dma_start3A_533 = tpu.memref_squeeze %dma_start3A_532 : memref<1x80x16xf32, #tpu.memory_space<vmem>> -> memref<80x16xf32, #tpu.memory_space<vmem>>
        %dma_start3A_534 = arith.constant 0 : i32
        %dma_start3A_535 = tpu.memref_slice %arg3[%mul3A_496, %dma_start3A_534] : memref<320000x16xf32, #tpu.memory_space<hbm>> -> memref<80x16xf32, #tpu.memory_space<hbm>>
        tpu.enqueue_dma source(%dma_start3A_535 : memref<80x16xf32, #tpu.memory_space<hbm>>) target(%dma_start3A_533 : memref<80x16xf32, #tpu.memory_space<vmem>>) target_semaphore(%arg19 : memref<!tpu.dma_semaphore, #tpu.memory_space<semaphore_mem>>)
      } else {
      }
      %mul3A_390 = arith.constant 16 : i32
      %mul3A_391 = arith.muli %arg0, %mul3A_390 : i32
      %add3A_392 = arith.addi %mul3A_391, %arg1 : i32
      %mul3A_393 = arith.constant 125 : i32
      %mul3A_394 = arith.muli %add3A_392, %mul3A_393 : i32
      %add3A_395 = arith.addi %mul3A_394, %add3A_384 : i32
      %mul3A_396 = arith.constant 80 : i32
      %mul3A_397 = arith.muli %add3A_395, %mul3A_396 : i32
      %mul3A_398 = arith.constant 80 : i32
      %mul3A_399 = arith.muli %add3A_395, %mul3A_398 : i32
      %dma_wait3A_400 = arith.constant 1 : i32
      %dma_wait3A_401 = arith.constant 0 : i32
      %dma_wait3A_402 = tpu.memref_slice %arg11[%dma_wait3A_400, %dma_wait3A_401] : memref<2x80xi32, #tpu.memory_space<vmem>> -> memref<1x80xi32, #tpu.memory_space<vmem>>
      %dma_wait3A_403 = tpu.memref_squeeze %dma_wait3A_402 : memref<1x80xi32, #tpu.memory_space<vmem>> -> memref<80xi32, #tpu.memory_space<vmem>>
      %dma_wait3A_404 = arith.constant 0 : i32
      %dma_wait3A_405 = tpu.memref_slice %arg4[%add3A_395, %dma_wait3A_404] : memref<4000x80xi32, #tpu.memory_space<hbm>> -> memref<1x80xi32, #tpu.memory_space<hbm>>
      %dma_wait3A_406 = tpu.memref_squeeze %dma_wait3A_405 : memref<1x80xi32, #tpu.memory_space<hbm>> -> memref<80xi32, #tpu.memory_space<hbm>>
      %dma_wait3A_407 = arith.constant 0 : i32
      %dma_wait3A_408 = tpu.memref_slice %arg11[%dma_wait3A_400, %dma_wait3A_407] : memref<2x80xi32, #tpu.memory_space<vmem>> -> memref<1x80xi32, #tpu.memory_space<vmem>>
      %dma_wait3A_409 = tpu.memref_squeeze %dma_wait3A_408 : memref<1x80xi32, #tpu.memory_space<vmem>> -> memref<80xi32, #tpu.memory_space<vmem>>
      %dma_wait3A_410 = arith.constant 0 : i32
      %dma_wait3A_411 = tpu.memref_slice %arg4[%add3A_395, %dma_wait3A_410] : memref<4000x80xi32, #tpu.memory_space<hbm>> -> memref<1x80xi32, #tpu.memory_space<hbm>>
      %dma_wait3A_412 = tpu.memref_squeeze %dma_wait3A_411 : memref<1x80xi32, #tpu.memory_space<hbm>> -> memref<80xi32, #tpu.memory_space<hbm>>
      tpu.wait_dma2 semaphore(%arg15 : memref<!tpu.dma_semaphore, #tpu.memory_space<semaphore_mem>>) src(%dma_wait3A_412 : memref<80xi32, #tpu.memory_space<hbm>>) dst(%dma_wait3A_409 : memref<80xi32, #tpu.memory_space<vmem>>)
      %dma_wait3A_413 = arith.constant 1 : i32
      %dma_wait3A_414 = arith.constant 0 : i32
      %dma_wait3A_415 = arith.constant 0 : i32
      %dma_wait3A_416 = tpu.memref_slice %arg12[%dma_wait3A_413, %dma_wait3A_414, %dma_wait3A_415] : memref<2x80x128xf32, #tpu.memory_space<vmem>> -> memref<1x80x128xf32, #tpu.memory_space<vmem>>
      %dma_wait3A_417 = tpu.memref_squeeze %dma_wait3A_416 : memref<1x80x128xf32, #tpu.memory_space<vmem>> -> memref<80x128xf32, #tpu.memory_space<vmem>>
      %dma_wait3A_418 = arith.constant 0 : i32
      %dma_wait3A_419 = tpu.memref_slice %arg2[%mul3A_397, %dma_wait3A_418] : memref<320000x128xf32, #tpu.memory_space<hbm>> -> memref<80x128xf32, #tpu.memory_space<hbm>>
      %dma_wait3A_420 = arith.constant 0 : i32
      %dma_wait3A_421 = arith.constant 0 : i32
      %dma_wait3A_422 = tpu.memref_slice %arg12[%dma_wait3A_413, %dma_wait3A_420, %dma_wait3A_421] : memref<2x80x128xf32, #tpu.memory_space<vmem>> -> memref<1x80x128xf32, #tpu.memory_space<vmem>>
      %dma_wait3A_423 = tpu.memref_squeeze %dma_wait3A_422 : memref<1x80x128xf32, #tpu.memory_space<vmem>> -> memref<80x128xf32, #tpu.memory_space<vmem>>
      %dma_wait3A_424 = arith.constant 0 : i32
      %dma_wait3A_425 = tpu.memref_slice %arg2[%mul3A_397, %dma_wait3A_424] : memref<320000x128xf32, #tpu.memory_space<hbm>> -> memref<80x128xf32, #tpu.memory_space<hbm>>
      tpu.wait_dma2 semaphore(%arg17 : memref<!tpu.dma_semaphore, #tpu.memory_space<semaphore_mem>>) src(%dma_wait3A_425 : memref<80x128xf32, #tpu.memory_space<hbm>>) dst(%dma_wait3A_423 : memref<80x128xf32, #tpu.memory_space<vmem>>)
      %dma_wait3A_426 = arith.constant 1 : i32
      %dma_wait3A_427 = arith.constant 0 : i32
      %dma_wait3A_428 = arith.constant 0 : i32
      %dma_wait3A_429 = tpu.memref_slice %arg13[%dma_wait3A_426, %dma_wait3A_427, %dma_wait3A_428] : memref<2x80x16xf32, #tpu.memory_space<vmem>> -> memref<1x80x16xf32, #tpu.memory_space<vmem>>
      %dma_wait3A_430 = tpu.memref_squeeze %dma_wait3A_429 : memref<1x80x16xf32, #tpu.memory_space<vmem>> -> memref<80x16xf32, #tpu.memory_space<vmem>>
      %dma_wait3A_431 = arith.constant 0 : i32
      %dma_wait3A_432 = tpu.memref_slice %arg3[%mul3A_399, %dma_wait3A_431] : memref<320000x16xf32, #tpu.memory_space<hbm>> -> memref<80x16xf32, #tpu.memory_space<hbm>>
      %dma_wait3A_433 = arith.constant 0 : i32
      %dma_wait3A_434 = arith.constant 0 : i32
      %dma_wait3A_435 = tpu.memref_slice %arg13[%dma_wait3A_426, %dma_wait3A_433, %dma_wait3A_434] : memref<2x80x16xf32, #tpu.memory_space<vmem>> -> memref<1x80x16xf32, #tpu.memory_space<vmem>>
      %dma_wait3A_436 = tpu.memref_squeeze %dma_wait3A_435 : memref<1x80x16xf32, #tpu.memory_space<vmem>> -> memref<80x16xf32, #tpu.memory_space<vmem>>
      %dma_wait3A_437 = arith.constant 0 : i32
      %dma_wait3A_438 = tpu.memref_slice %arg3[%mul3A_399, %dma_wait3A_437] : memref<320000x16xf32, #tpu.memory_space<hbm>> -> memref<80x16xf32, #tpu.memory_space<hbm>>
      tpu.wait_dma2 semaphore(%arg19 : memref<!tpu.dma_semaphore, #tpu.memory_space<semaphore_mem>>) src(%dma_wait3A_438 : memref<80x16xf32, #tpu.memory_space<hbm>>) dst(%dma_wait3A_436 : memref<80x16xf32, #tpu.memory_space<vmem>>)
      %dma_start3A_439 = arith.constant 1 : i32
      %dma_start3A_440 = arith.constant 1 : i32
      %dma_start3A_441 = arith.constant 0 : i32
      %dma_start3A_442 = arith.constant 0 : i32
      %dma_start3A_443 = tpu.memref_slice %arg12[%dma_start3A_439, %dma_start3A_441, %dma_start3A_442] : memref<2x80x128xf32, #tpu.memory_space<vmem>> -> memref<1x80x128xf32, #tpu.memory_space<vmem>>
      %dma_start3A_444 = tpu.memref_squeeze %dma_start3A_443 : memref<1x80x128xf32, #tpu.memory_space<vmem>> -> memref<80x128xf32, #tpu.memory_space<vmem>>
      %dma_start3A_445 = arith.constant 0 : i32
      %dma_start3A_446 = tpu.memref_slice %arg11[%dma_start3A_440, %dma_start3A_445] : memref<2x80xi32, #tpu.memory_space<vmem>> -> memref<1x80xi32, #tpu.memory_space<vmem>>
      %dma_start3A_447 = tpu.memref_squeeze %dma_start3A_446 : memref<1x80xi32, #tpu.memory_space<vmem>> -> memref<80xi32, #tpu.memory_space<vmem>>
      %dma_start3A_448 = arith.constant 0 : i32
      %dma_start3A_449 = arith.constant 0 : i32
      %dma_start3A_450 = tpu.memref_slice %arg9[%dma_start3A_448, %dma_start3A_449] : memref<10240x128xf32, #tpu.memory_space<vmem_shared>> -> memref<10240x128xf32, #tpu.memory_space<vmem_shared>>
      tpu.enqueue_indirect_dma source(%dma_start3A_444 : memref<80x128xf32, #tpu.memory_space<vmem>>) target(%dma_start3A_450 : memref<10240x128xf32, #tpu.memory_space<vmem_shared>>) offsets(%dma_start3A_447 : memref<80xi32, #tpu.memory_space<vmem>>) semaphore(%arg21 : memref<!tpu.dma_semaphore, #tpu.memory_space<semaphore_mem>>) {add = true}
      %dma_start3A_451 = arith.constant 1 : i32
      %dma_start3A_452 = arith.constant 1 : i32
      %dma_start3A_453 = arith.constant 0 : i32
      %dma_start3A_454 = arith.constant 0 : i32
      %dma_start3A_455 = tpu.memref_slice %arg13[%dma_start3A_451, %dma_start3A_453, %dma_start3A_454] : memref<2x80x16xf32, #tpu.memory_space<vmem>> -> memref<1x80x16xf32, #tpu.memory_space<vmem>>
      %dma_start3A_456 = tpu.memref_squeeze %dma_start3A_455 : memref<1x80x16xf32, #tpu.memory_space<vmem>> -> memref<80x16xf32, #tpu.memory_space<vmem>>
      %dma_start3A_457 = arith.constant 0 : i32
      %dma_start3A_458 = tpu.memref_slice %arg11[%dma_start3A_452, %dma_start3A_457] : memref<2x80xi32, #tpu.memory_space<vmem>> -> memref<1x80xi32, #tpu.memory_space<vmem>>
      %dma_start3A_459 = tpu.memref_squeeze %dma_start3A_458 : memref<1x80xi32, #tpu.memory_space<vmem>> -> memref<80xi32, #tpu.memory_space<vmem>>
      %dma_start3A_460 = arith.constant 0 : i32
      %dma_start3A_461 = arith.constant 0 : i32
      %dma_start3A_462 = tpu.memref_slice %arg10[%dma_start3A_460, %dma_start3A_461] : memref<10240x16xf32, #tpu.memory_space<vmem_shared>> -> memref<10240x16xf32, #tpu.memory_space<vmem_shared>>
      tpu.enqueue_indirect_dma source(%dma_start3A_456 : memref<80x16xf32, #tpu.memory_space<vmem>>) target(%dma_start3A_462 : memref<10240x16xf32, #tpu.memory_space<vmem_shared>>) offsets(%dma_start3A_459 : memref<80xi32, #tpu.memory_space<vmem>>) semaphore(%arg23 : memref<!tpu.dma_semaphore, #tpu.memory_space<semaphore_mem>>) {add = true}
    }
    %scan3A_102 = arith.constant 62 : i32
    %dma_wait3A = arith.constant 0 : i32
    %dma_wait3A_103 = arith.constant 0 : i32
    %dma_wait3A_104 = arith.constant 0 : i32
    %dma_wait3A_105 = arith.constant 0 : i32
    %dma_wait3A_106 = tpu.memref_slice %arg12[%dma_wait3A, %dma_wait3A_104, %dma_wait3A_105] : memref<2x80x128xf32, #tpu.memory_space<vmem>> -> memref<1x80x128xf32, #tpu.memory_space<vmem>>
    %dma_wait3A_107 = tpu.memref_squeeze %dma_wait3A_106 : memref<1x80x128xf32, #tpu.memory_space<vmem>> -> memref<80x128xf32, #tpu.memory_space<vmem>>
    %dma_wait3A_108 = arith.constant 0 : i32
    %dma_wait3A_109 = tpu.memref_slice %arg11[%dma_wait3A_103, %dma_wait3A_108] : memref<2x80xi32, #tpu.memory_space<vmem>> -> memref<1x80xi32, #tpu.memory_space<vmem>>
    %dma_wait3A_110 = tpu.memref_squeeze %dma_wait3A_109 : memref<1x80xi32, #tpu.memory_space<vmem>> -> memref<80xi32, #tpu.memory_space<vmem>>
    %dma_wait3A_111 = arith.constant 0 : i32
    %dma_wait3A_112 = arith.constant 0 : i32
    %dma_wait3A_113 = tpu.memref_slice %arg9[%dma_wait3A_111, %dma_wait3A_112] : memref<10240x128xf32, #tpu.memory_space<vmem_shared>> -> memref<10240x128xf32, #tpu.memory_space<vmem_shared>>
    tpu.wait_indirect_dma semaphore(%arg20 : memref<!tpu.dma_semaphore, #tpu.memory_space<semaphore_mem>>) src(%dma_wait3A_107 : memref<80x128xf32, #tpu.memory_space<vmem>>) dst(%dma_wait3A_113 : memref<10240x128xf32, #tpu.memory_space<vmem_shared>>)
    %dma_wait3A_114 = arith.constant 0 : i32
    %dma_wait3A_115 = arith.constant 0 : i32
    %dma_wait3A_116 = arith.constant 0 : i32
    %dma_wait3A_117 = arith.constant 0 : i32
    %dma_wait3A_118 = tpu.memref_slice %arg13[%dma_wait3A_114, %dma_wait3A_116, %dma_wait3A_117] : memref<2x80x16xf32, #tpu.memory_space<vmem>> -> memref<1x80x16xf32, #tpu.memory_space<vmem>>
    %dma_wait3A_119 = tpu.memref_squeeze %dma_wait3A_118 : memref<1x80x16xf32, #tpu.memory_space<vmem>> -> memref<80x16xf32, #tpu.memory_space<vmem>>
    %dma_wait3A_120 = arith.constant 0 : i32
    %dma_wait3A_121 = tpu.memref_slice %arg11[%dma_wait3A_115, %dma_wait3A_120] : memref<2x80xi32, #tpu.memory_space<vmem>> -> memref<1x80xi32, #tpu.memory_space<vmem>>
    %dma_wait3A_122 = tpu.memref_squeeze %dma_wait3A_121 : memref<1x80xi32, #tpu.memory_space<vmem>> -> memref<80xi32, #tpu.memory_space<vmem>>
    %dma_wait3A_123 = arith.constant 0 : i32
    %dma_wait3A_124 = arith.constant 0 : i32
    %dma_wait3A_125 = tpu.memref_slice %arg10[%dma_wait3A_123, %dma_wait3A_124] : memref<10240x16xf32, #tpu.memory_space<vmem_shared>> -> memref<10240x16xf32, #tpu.memory_space<vmem_shared>>
    tpu.wait_indirect_dma semaphore(%arg22 : memref<!tpu.dma_semaphore, #tpu.memory_space<semaphore_mem>>) src(%dma_wait3A_119 : memref<80x16xf32, #tpu.memory_space<vmem>>) dst(%dma_wait3A_125 : memref<10240x16xf32, #tpu.memory_space<vmem_shared>>)
    %mul3A_126 = arith.constant 16 : i32
    %mul3A_127 = arith.muli %arg0, %mul3A_126 : i32
    %add3A_128 = arith.addi %mul3A_127, %arg1 : i32
    %mul3A_129 = arith.constant 125 : i32
    %mul3A_130 = arith.muli %add3A_128, %mul3A_129 : i32
    %add3A_131 = arith.constant 124 : i32
    %add3A_132 = arith.addi %mul3A_130, %add3A_131 : i32
    %mul3A_133 = arith.constant 80 : i32
    %mul3A_134 = arith.muli %add3A_132, %mul3A_133 : i32
    %mul3A_135 = arith.constant 80 : i32
    %mul3A_136 = arith.muli %add3A_132, %mul3A_135 : i32
    %dma_start3A_137 = arith.constant 0 : i32
    %dma_start3A_138 = arith.constant 0 : i32
    %dma_start3A_139 = tpu.memref_slice %arg11[%dma_start3A_137, %dma_start3A_138] : memref<2x80xi32, #tpu.memory_space<vmem>> -> memref<1x80xi32, #tpu.memory_space<vmem>>
    %dma_start3A_140 = tpu.memref_squeeze %dma_start3A_139 : memref<1x80xi32, #tpu.memory_space<vmem>> -> memref<80xi32, #tpu.memory_space<vmem>>
    %dma_start3A_141 = arith.constant 0 : i32
    %dma_start3A_142 = tpu.memref_slice %arg4[%add3A_132, %dma_start3A_141] : memref<4000x80xi32, #tpu.memory_space<hbm>> -> memref<1x80xi32, #tpu.memory_space<hbm>>
    %dma_start3A_143 = tpu.memref_squeeze %dma_start3A_142 : memref<1x80xi32, #tpu.memory_space<hbm>> -> memref<80xi32, #tpu.memory_space<hbm>>
    %dma_start3A_144 = arith.constant 0 : i32
    %dma_start3A_145 = tpu.memref_slice %arg11[%dma_start3A_137, %dma_start3A_144] : memref<2x80xi32, #tpu.memory_space<vmem>> -> memref<1x80xi32, #tpu.memory_space<vmem>>
    %dma_start3A_146 = tpu.memref_squeeze %dma_start3A_145 : memref<1x80xi32, #tpu.memory_space<vmem>> -> memref<80xi32, #tpu.memory_space<vmem>>
    %dma_start3A_147 = arith.constant 0 : i32
    %dma_start3A_148 = tpu.memref_slice %arg4[%add3A_132, %dma_start3A_147] : memref<4000x80xi32, #tpu.memory_space<hbm>> -> memref<1x80xi32, #tpu.memory_space<hbm>>
    %dma_start3A_149 = tpu.memref_squeeze %dma_start3A_148 : memref<1x80xi32, #tpu.memory_space<hbm>> -> memref<80xi32, #tpu.memory_space<hbm>>
    tpu.enqueue_dma source(%dma_start3A_149 : memref<80xi32, #tpu.memory_space<hbm>>) target(%dma_start3A_146 : memref<80xi32, #tpu.memory_space<vmem>>) target_semaphore(%arg14 : memref<!tpu.dma_semaphore, #tpu.memory_space<semaphore_mem>>)
    %dma_start3A_150 = arith.constant 0 : i32
    %dma_start3A_151 = arith.constant 0 : i32
    %dma_start3A_152 = arith.constant 0 : i32
    %dma_start3A_153 = tpu.memref_slice %arg12[%dma_start3A_150, %dma_start3A_151, %dma_start3A_152] : memref<2x80x128xf32, #tpu.memory_space<vmem>> -> memref<1x80x128xf32, #tpu.memory_space<vmem>>
    %dma_start3A_154 = tpu.memref_squeeze %dma_start3A_153 : memref<1x80x128xf32, #tpu.memory_space<vmem>> -> memref<80x128xf32, #tpu.memory_space<vmem>>
    %dma_start3A_155 = arith.constant 0 : i32
    %dma_start3A_156 = tpu.memref_slice %arg2[%mul3A_134, %dma_start3A_155] : memref<320000x128xf32, #tpu.memory_space<hbm>> -> memref<80x128xf32, #tpu.memory_space<hbm>>
    %dma_start3A_157 = arith.constant 0 : i32
    %dma_start3A_158 = arith.constant 0 : i32
    %dma_start3A_159 = tpu.memref_slice %arg12[%dma_start3A_150, %dma_start3A_157, %dma_start3A_158] : memref<2x80x128xf32, #tpu.memory_space<vmem>> -> memref<1x80x128xf32, #tpu.memory_space<vmem>>
    %dma_start3A_160 = tpu.memref_squeeze %dma_start3A_159 : memref<1x80x128xf32, #tpu.memory_space<vmem>> -> memref<80x128xf32, #tpu.memory_space<vmem>>
    %dma_start3A_161 = arith.constant 0 : i32
    %dma_start3A_162 = tpu.memref_slice %arg2[%mul3A_134, %dma_start3A_161] : memref<320000x128xf32, #tpu.memory_space<hbm>> -> memref<80x128xf32, #tpu.memory_space<hbm>>
    tpu.enqueue_dma source(%dma_start3A_162 : memref<80x128xf32, #tpu.memory_space<hbm>>) target(%dma_start3A_160 : memref<80x128xf32, #tpu.memory_space<vmem>>) target_semaphore(%arg16 : memref<!tpu.dma_semaphore, #tpu.memory_space<semaphore_mem>>)
    %dma_start3A_163 = arith.constant 0 : i32
    %dma_start3A_164 = arith.constant 0 : i32
    %dma_start3A_165 = arith.constant 0 : i32
    %dma_start3A_166 = tpu.memref_slice %arg13[%dma_start3A_163, %dma_start3A_164, %dma_start3A_165] : memref<2x80x16xf32, #tpu.memory_space<vmem>> -> memref<1x80x16xf32, #tpu.memory_space<vmem>>
    %dma_start3A_167 = tpu.memref_squeeze %dma_start3A_166 : memref<1x80x16xf32, #tpu.memory_space<vmem>> -> memref<80x16xf32, #tpu.memory_space<vmem>>
    %dma_start3A_168 = arith.constant 0 : i32
    %dma_start3A_169 = tpu.memref_slice %arg3[%mul3A_136, %dma_start3A_168] : memref<320000x16xf32, #tpu.memory_space<hbm>> -> memref<80x16xf32, #tpu.memory_space<hbm>>
    %dma_start3A_170 = arith.constant 0 : i32
    %dma_start3A_171 = arith.constant 0 : i32
    %dma_start3A_172 = tpu.memref_slice %arg13[%dma_start3A_163, %dma_start3A_170, %dma_start3A_171] : memref<2x80x16xf32, #tpu.memory_space<vmem>> -> memref<1x80x16xf32, #tpu.memory_space<vmem>>
    %dma_start3A_173 = tpu.memref_squeeze %dma_start3A_172 : memref<1x80x16xf32, #tpu.memory_space<vmem>> -> memref<80x16xf32, #tpu.memory_space<vmem>>
    %dma_start3A_174 = arith.constant 0 : i32
    %dma_start3A_175 = tpu.memref_slice %arg3[%mul3A_136, %dma_start3A_174] : memref<320000x16xf32, #tpu.memory_space<hbm>> -> memref<80x16xf32, #tpu.memory_space<hbm>>
    tpu.enqueue_dma source(%dma_start3A_175 : memref<80x16xf32, #tpu.memory_space<hbm>>) target(%dma_start3A_173 : memref<80x16xf32, #tpu.memory_space<vmem>>) target_semaphore(%arg18 : memref<!tpu.dma_semaphore, #tpu.memory_space<semaphore_mem>>)
    %mul3A_176 = arith.constant 16 : i32
    %mul3A_177 = arith.muli %arg0, %mul3A_176 : i32
    %add3A_178 = arith.addi %mul3A_177, %arg1 : i32
    %mul3A_179 = arith.constant 125 : i32
    %mul3A_180 = arith.muli %add3A_178, %mul3A_179 : i32
    %add3A_181 = arith.constant 124 : i32
    %add3A_182 = arith.addi %mul3A_180, %add3A_181 : i32
    %mul3A_183 = arith.constant 80 : i32
    %mul3A_184 = arith.muli %add3A_182, %mul3A_183 : i32
    %mul3A_185 = arith.constant 80 : i32
    %mul3A_186 = arith.muli %add3A_182, %mul3A_185 : i32
    %dma_wait3A_187 = arith.constant 0 : i32
    %dma_wait3A_188 = arith.constant 0 : i32
    %dma_wait3A_189 = tpu.memref_slice %arg11[%dma_wait3A_187, %dma_wait3A_188] : memref<2x80xi32, #tpu.memory_space<vmem>> -> memref<1x80xi32, #tpu.memory_space<vmem>>
    %dma_wait3A_190 = tpu.memref_squeeze %dma_wait3A_189 : memref<1x80xi32, #tpu.memory_space<vmem>> -> memref<80xi32, #tpu.memory_space<vmem>>
    %dma_wait3A_191 = arith.constant 0 : i32
    %dma_wait3A_192 = tpu.memref_slice %arg4[%add3A_182, %dma_wait3A_191] : memref<4000x80xi32, #tpu.memory_space<hbm>> -> memref<1x80xi32, #tpu.memory_space<hbm>>
    %dma_wait3A_193 = tpu.memref_squeeze %dma_wait3A_192 : memref<1x80xi32, #tpu.memory_space<hbm>> -> memref<80xi32, #tpu.memory_space<hbm>>
    %dma_wait3A_194 = arith.constant 0 : i32
    %dma_wait3A_195 = tpu.memref_slice %arg11[%dma_wait3A_187, %dma_wait3A_194] : memref<2x80xi32, #tpu.memory_space<vmem>> -> memref<1x80xi32, #tpu.memory_space<vmem>>
    %dma_wait3A_196 = tpu.memref_squeeze %dma_wait3A_195 : memref<1x80xi32, #tpu.memory_space<vmem>> -> memref<80xi32, #tpu.memory_space<vmem>>
    %dma_wait3A_197 = arith.constant 0 : i32
    %dma_wait3A_198 = tpu.memref_slice %arg4[%add3A_182, %dma_wait3A_197] : memref<4000x80xi32, #tpu.memory_space<hbm>> -> memref<1x80xi32, #tpu.memory_space<hbm>>
    %dma_wait3A_199 = tpu.memref_squeeze %dma_wait3A_198 : memref<1x80xi32, #tpu.memory_space<hbm>> -> memref<80xi32, #tpu.memory_space<hbm>>
    tpu.wait_dma2 semaphore(%arg14 : memref<!tpu.dma_semaphore, #tpu.memory_space<semaphore_mem>>) src(%dma_wait3A_199 : memref<80xi32, #tpu.memory_space<hbm>>) dst(%dma_wait3A_196 : memref<80xi32, #tpu.memory_space<vmem>>)
    %dma_wait3A_200 = arith.constant 0 : i32
    %dma_wait3A_201 = arith.constant 0 : i32
    %dma_wait3A_202 = arith.constant 0 : i32
    %dma_wait3A_203 = tpu.memref_slice %arg12[%dma_wait3A_200, %dma_wait3A_201, %dma_wait3A_202] : memref<2x80x128xf32, #tpu.memory_space<vmem>> -> memref<1x80x128xf32, #tpu.memory_space<vmem>>
    %dma_wait3A_204 = tpu.memref_squeeze %dma_wait3A_203 : memref<1x80x128xf32, #tpu.memory_space<vmem>> -> memref<80x128xf32, #tpu.memory_space<vmem>>
    %dma_wait3A_205 = arith.constant 0 : i32
    %dma_wait3A_206 = tpu.memref_slice %arg2[%mul3A_184, %dma_wait3A_205] : memref<320000x128xf32, #tpu.memory_space<hbm>> -> memref<80x128xf32, #tpu.memory_space<hbm>>
    %dma_wait3A_207 = arith.constant 0 : i32
    %dma_wait3A_208 = arith.constant 0 : i32
    %dma_wait3A_209 = tpu.memref_slice %arg12[%dma_wait3A_200, %dma_wait3A_207, %dma_wait3A_208] : memref<2x80x128xf32, #tpu.memory_space<vmem>> -> memref<1x80x128xf32, #tpu.memory_space<vmem>>
    %dma_wait3A_210 = tpu.memref_squeeze %dma_wait3A_209 : memref<1x80x128xf32, #tpu.memory_space<vmem>> -> memref<80x128xf32, #tpu.memory_space<vmem>>
    %dma_wait3A_211 = arith.constant 0 : i32
    %dma_wait3A_212 = tpu.memref_slice %arg2[%mul3A_184, %dma_wait3A_211] : memref<320000x128xf32, #tpu.memory_space<hbm>> -> memref<80x128xf32, #tpu.memory_space<hbm>>
    tpu.wait_dma2 semaphore(%arg16 : memref<!tpu.dma_semaphore, #tpu.memory_space<semaphore_mem>>) src(%dma_wait3A_212 : memref<80x128xf32, #tpu.memory_space<hbm>>) dst(%dma_wait3A_210 : memref<80x128xf32, #tpu.memory_space<vmem>>)
    %dma_wait3A_213 = arith.constant 0 : i32
    %dma_wait3A_214 = arith.constant 0 : i32
    %dma_wait3A_215 = arith.constant 0 : i32
    %dma_wait3A_216 = tpu.memref_slice %arg13[%dma_wait3A_213, %dma_wait3A_214, %dma_wait3A_215] : memref<2x80x16xf32, #tpu.memory_space<vmem>> -> memref<1x80x16xf32, #tpu.memory_space<vmem>>
    %dma_wait3A_217 = tpu.memref_squeeze %dma_wait3A_216 : memref<1x80x16xf32, #tpu.memory_space<vmem>> -> memref<80x16xf32, #tpu.memory_space<vmem>>
    %dma_wait3A_218 = arith.constant 0 : i32
    %dma_wait3A_219 = tpu.memref_slice %arg3[%mul3A_186, %dma_wait3A_218] : memref<320000x16xf32, #tpu.memory_space<hbm>> -> memref<80x16xf32, #tpu.memory_space<hbm>>
    %dma_wait3A_220 = arith.constant 0 : i32
    %dma_wait3A_221 = arith.constant 0 : i32
    %dma_wait3A_222 = tpu.memref_slice %arg13[%dma_wait3A_213, %dma_wait3A_220, %dma_wait3A_221] : memref<2x80x16xf32, #tpu.memory_space<vmem>> -> memref<1x80x16xf32, #tpu.memory_space<vmem>>
    %dma_wait3A_223 = tpu.memref_squeeze %dma_wait3A_222 : memref<1x80x16xf32, #tpu.memory_space<vmem>> -> memref<80x16xf32, #tpu.memory_space<vmem>>
    %dma_wait3A_224 = arith.constant 0 : i32
    %dma_wait3A_225 = tpu.memref_slice %arg3[%mul3A_186, %dma_wait3A_224] : memref<320000x16xf32, #tpu.memory_space<hbm>> -> memref<80x16xf32, #tpu.memory_space<hbm>>
    tpu.wait_dma2 semaphore(%arg18 : memref<!tpu.dma_semaphore, #tpu.memory_space<semaphore_mem>>) src(%dma_wait3A_225 : memref<80x16xf32, #tpu.memory_space<hbm>>) dst(%dma_wait3A_223 : memref<80x16xf32, #tpu.memory_space<vmem>>)
    %dma_start3A_226 = arith.constant 0 : i32
    %dma_start3A_227 = arith.constant 0 : i32
    %dma_start3A_228 = arith.constant 0 : i32
    %dma_start3A_229 = arith.constant 0 : i32
    %dma_start3A_230 = tpu.memref_slice %arg12[%dma_start3A_226, %dma_start3A_228, %dma_start3A_229] : memref<2x80x128xf32, #tpu.memory_space<vmem>> -> memref<1x80x128xf32, #tpu.memory_space<vmem>>
    %dma_start3A_231 = tpu.memref_squeeze %dma_start3A_230 : memref<1x80x128xf32, #tpu.memory_space<vmem>> -> memref<80x128xf32, #tpu.memory_space<vmem>>
    %dma_start3A_232 = arith.constant 0 : i32
    %dma_start3A_233 = tpu.memref_slice %arg11[%dma_start3A_227, %dma_start3A_232] : memref<2x80xi32, #tpu.memory_space<vmem>> -> memref<1x80xi32, #tpu.memory_space<vmem>>
    %dma_start3A_234 = tpu.memref_squeeze %dma_start3A_233 : memref<1x80xi32, #tpu.memory_space<vmem>> -> memref<80xi32, #tpu.memory_space<vmem>>
    %dma_start3A_235 = arith.constant 0 : i32
    %dma_start3A_236 = arith.constant 0 : i32
    %dma_start3A_237 = tpu.memref_slice %arg9[%dma_start3A_235, %dma_start3A_236] : memref<10240x128xf32, #tpu.memory_space<vmem_shared>> -> memref<10240x128xf32, #tpu.memory_space<vmem_shared>>
    tpu.enqueue_indirect_dma source(%dma_start3A_231 : memref<80x128xf32, #tpu.memory_space<vmem>>) target(%dma_start3A_237 : memref<10240x128xf32, #tpu.memory_space<vmem_shared>>) offsets(%dma_start3A_234 : memref<80xi32, #tpu.memory_space<vmem>>) semaphore(%arg20 : memref<!tpu.dma_semaphore, #tpu.memory_space<semaphore_mem>>) {add = true}
    %dma_start3A_238 = arith.constant 0 : i32
    %dma_start3A_239 = arith.constant 0 : i32
    %dma_start3A_240 = arith.constant 0 : i32
    %dma_start3A_241 = arith.constant 0 : i32
    %dma_start3A_242 = tpu.memref_slice %arg13[%dma_start3A_238, %dma_start3A_240, %dma_start3A_241] : memref<2x80x16xf32, #tpu.memory_space<vmem>> -> memref<1x80x16xf32, #tpu.memory_space<vmem>>
    %dma_start3A_243 = tpu.memref_squeeze %dma_start3A_242 : memref<1x80x16xf32, #tpu.memory_space<vmem>> -> memref<80x16xf32, #tpu.memory_space<vmem>>
    %dma_start3A_244 = arith.constant 0 : i32
    %dma_start3A_245 = tpu.memref_slice %arg11[%dma_start3A_239, %dma_start3A_244] : memref<2x80xi32, #tpu.memory_space<vmem>> -> memref<1x80xi32, #tpu.memory_space<vmem>>
    %dma_start3A_246 = tpu.memref_squeeze %dma_start3A_245 : memref<1x80xi32, #tpu.memory_space<vmem>> -> memref<80xi32, #tpu.memory_space<vmem>>
    %dma_start3A_247 = arith.constant 0 : i32
    %dma_start3A_248 = arith.constant 0 : i32
    %dma_start3A_249 = tpu.memref_slice %arg10[%dma_start3A_247, %dma_start3A_248] : memref<10240x16xf32, #tpu.memory_space<vmem_shared>> -> memref<10240x16xf32, #tpu.memory_space<vmem_shared>>
    tpu.enqueue_indirect_dma source(%dma_start3A_243 : memref<80x16xf32, #tpu.memory_space<vmem>>) target(%dma_start3A_249 : memref<10240x16xf32, #tpu.memory_space<vmem_shared>>) offsets(%dma_start3A_246 : memref<80xi32, #tpu.memory_space<vmem>>) semaphore(%arg22 : memref<!tpu.dma_semaphore, #tpu.memory_space<semaphore_mem>>) {add = true}
    %dma_wait3A_250 = arith.constant 0 : i32
    %dma_wait3A_251 = arith.constant 0 : i32
    %dma_wait3A_252 = arith.constant 0 : i32
    %dma_wait3A_253 = arith.constant 0 : i32
    %dma_wait3A_254 = tpu.memref_slice %arg12[%dma_wait3A_250, %dma_wait3A_252, %dma_wait3A_253] : memref<2x80x128xf32, #tpu.memory_space<vmem>> -> memref<1x80x128xf32, #tpu.memory_space<vmem>>
    %dma_wait3A_255 = tpu.memref_squeeze %dma_wait3A_254 : memref<1x80x128xf32, #tpu.memory_space<vmem>> -> memref<80x128xf32, #tpu.memory_space<vmem>>
    %dma_wait3A_256 = arith.constant 0 : i32
    %dma_wait3A_257 = tpu.memref_slice %arg11[%dma_wait3A_251, %dma_wait3A_256] : memref<2x80xi32, #tpu.memory_space<vmem>> -> memref<1x80xi32, #tpu.memory_space<vmem>>
    %dma_wait3A_258 = tpu.memref_squeeze %dma_wait3A_257 : memref<1x80xi32, #tpu.memory_space<vmem>> -> memref<80xi32, #tpu.memory_space<vmem>>
    %dma_wait3A_259 = arith.constant 0 : i32
    %dma_wait3A_260 = arith.constant 0 : i32
    %dma_wait3A_261 = tpu.memref_slice %arg9[%dma_wait3A_259, %dma_wait3A_260] : memref<10240x128xf32, #tpu.memory_space<vmem_shared>> -> memref<10240x128xf32, #tpu.memory_space<vmem_shared>>
    tpu.wait_indirect_dma semaphore(%arg20 : memref<!tpu.dma_semaphore, #tpu.memory_space<semaphore_mem>>) src(%dma_wait3A_255 : memref<80x128xf32, #tpu.memory_space<vmem>>) dst(%dma_wait3A_261 : memref<10240x128xf32, #tpu.memory_space<vmem_shared>>)
    %dma_wait3A_262 = arith.constant 0 : i32
    %dma_wait3A_263 = arith.constant 0 : i32
    %dma_wait3A_264 = arith.constant 0 : i32
    %dma_wait3A_265 = arith.constant 0 : i32
    %dma_wait3A_266 = tpu.memref_slice %arg13[%dma_wait3A_262, %dma_wait3A_264, %dma_wait3A_265] : memref<2x80x16xf32, #tpu.memory_space<vmem>> -> memref<1x80x16xf32, #tpu.memory_space<vmem>>
    %dma_wait3A_267 = tpu.memref_squeeze %dma_wait3A_266 : memref<1x80x16xf32, #tpu.memory_space<vmem>> -> memref<80x16xf32, #tpu.memory_space<vmem>>
    %dma_wait3A_268 = arith.constant 0 : i32
    %dma_wait3A_269 = tpu.memref_slice %arg11[%dma_wait3A_263, %dma_wait3A_268] : memref<2x80xi32, #tpu.memory_space<vmem>> -> memref<1x80xi32, #tpu.memory_space<vmem>>
    %dma_wait3A_270 = tpu.memref_squeeze %dma_wait3A_269 : memref<1x80xi32, #tpu.memory_space<vmem>> -> memref<80xi32, #tpu.memory_space<vmem>>
    %dma_wait3A_271 = arith.constant 0 : i32
    %dma_wait3A_272 = arith.constant 0 : i32
    %dma_wait3A_273 = tpu.memref_slice %arg10[%dma_wait3A_271, %dma_wait3A_272] : memref<10240x16xf32, #tpu.memory_space<vmem_shared>> -> memref<10240x16xf32, #tpu.memory_space<vmem_shared>>
    tpu.wait_indirect_dma semaphore(%arg22 : memref<!tpu.dma_semaphore, #tpu.memory_space<semaphore_mem>>) src(%dma_wait3A_267 : memref<80x16xf32, #tpu.memory_space<vmem>>) dst(%dma_wait3A_273 : memref<10240x16xf32, #tpu.memory_space<vmem_shared>>)
    %dma_wait3A_274 = arith.constant 1 : i32
    %dma_wait3A_275 = arith.constant 1 : i32
    %dma_wait3A_276 = arith.constant 0 : i32
    %dma_wait3A_277 = arith.constant 0 : i32
    %dma_wait3A_278 = tpu.memref_slice %arg12[%dma_wait3A_274, %dma_wait3A_276, %dma_wait3A_277] : memref<2x80x128xf32, #tpu.memory_space<vmem>> -> memref<1x80x128xf32, #tpu.memory_space<vmem>>
    %dma_wait3A_279 = tpu.memref_squeeze %dma_wait3A_278 : memref<1x80x128xf32, #tpu.memory_space<vmem>> -> memref<80x128xf32, #tpu.memory_space<vmem>>
    %dma_wait3A_280 = arith.constant 0 : i32
    %dma_wait3A_281 = tpu.memref_slice %arg11[%dma_wait3A_275, %dma_wait3A_280] : memref<2x80xi32, #tpu.memory_space<vmem>> -> memref<1x80xi32, #tpu.memory_space<vmem>>
    %dma_wait3A_282 = tpu.memref_squeeze %dma_wait3A_281 : memref<1x80xi32, #tpu.memory_space<vmem>> -> memref<80xi32, #tpu.memory_space<vmem>>
    %dma_wait3A_283 = arith.constant 0 : i32
    %dma_wait3A_284 = arith.constant 0 : i32
    %dma_wait3A_285 = tpu.memref_slice %arg9[%dma_wait3A_283, %dma_wait3A_284] : memref<10240x128xf32, #tpu.memory_space<vmem_shared>> -> memref<10240x128xf32, #tpu.memory_space<vmem_shared>>
    tpu.wait_indirect_dma semaphore(%arg21 : memref<!tpu.dma_semaphore, #tpu.memory_space<semaphore_mem>>) src(%dma_wait3A_279 : memref<80x128xf32, #tpu.memory_space<vmem>>) dst(%dma_wait3A_285 : memref<10240x128xf32, #tpu.memory_space<vmem_shared>>)
    %dma_wait3A_286 = arith.constant 1 : i32
    %dma_wait3A_287 = arith.constant 1 : i32
    %dma_wait3A_288 = arith.constant 0 : i32
    %dma_wait3A_289 = arith.constant 0 : i32
    %dma_wait3A_290 = tpu.memref_slice %arg13[%dma_wait3A_286, %dma_wait3A_288, %dma_wait3A_289] : memref<2x80x16xf32, #tpu.memory_space<vmem>> -> memref<1x80x16xf32, #tpu.memory_space<vmem>>
    %dma_wait3A_291 = tpu.memref_squeeze %dma_wait3A_290 : memref<1x80x16xf32, #tpu.memory_space<vmem>> -> memref<80x16xf32, #tpu.memory_space<vmem>>
    %dma_wait3A_292 = arith.constant 0 : i32
    %dma_wait3A_293 = tpu.memref_slice %arg11[%dma_wait3A_287, %dma_wait3A_292] : memref<2x80xi32, #tpu.memory_space<vmem>> -> memref<1x80xi32, #tpu.memory_space<vmem>>
    %dma_wait3A_294 = tpu.memref_squeeze %dma_wait3A_293 : memref<1x80xi32, #tpu.memory_space<vmem>> -> memref<80xi32, #tpu.memory_space<vmem>>
    %dma_wait3A_295 = arith.constant 0 : i32
    %dma_wait3A_296 = arith.constant 0 : i32
    %dma_wait3A_297 = tpu.memref_slice %arg10[%dma_wait3A_295, %dma_wait3A_296] : memref<10240x16xf32, #tpu.memory_space<vmem_shared>> -> memref<10240x16xf32, #tpu.memory_space<vmem_shared>>
    tpu.wait_indirect_dma semaphore(%arg23 : memref<!tpu.dma_semaphore, #tpu.memory_space<semaphore_mem>>) src(%dma_wait3A_291 : memref<80x16xf32, #tpu.memory_space<vmem>>) dst(%dma_wait3A_297 : memref<10240x16xf32, #tpu.memory_space<vmem_shared>>)
    %barrier3A_298 = arith.constant 0 : index
    tpu.barrier barrier_id(%barrier3A_298)
    "tpu.region"() ({
      %run_scoped3A = tpu.sem_alloc : memref<!tpu.dma_semaphore, #tpu.memory_space<semaphore_mem>>
      %dma_start3A_299 = arith.constant 0 : i32
      %dma_start3A_300 = tpu.memref_slice %arg7[%arg0, %mul3A_0, %dma_start3A_299] : memref<2x10240x128xf32, #tpu.memory_space<hbm>> -> memref<1x640x128xf32, #tpu.memory_space<hbm>>
      %dma_start3A_301 = tpu.memref_squeeze %dma_start3A_300 : memref<1x640x128xf32, #tpu.memory_space<hbm>> -> memref<640x128xf32, #tpu.memory_space<hbm>>
      %dma_start3A_302 = arith.constant 0 : i32
      %dma_start3A_303 = tpu.memref_slice %arg9[%mul3A_0, %dma_start3A_302] : memref<10240x128xf32, #tpu.memory_space<vmem_shared>> -> memref<640x128xf32, #tpu.memory_space<vmem_shared>>
      tpu.enqueue_dma source(%dma_start3A_303 : memref<640x128xf32, #tpu.memory_space<vmem_shared>>) target(%dma_start3A_301 : memref<640x128xf32, #tpu.memory_space<hbm>>) target_semaphore(%run_scoped3A : memref<!tpu.dma_semaphore, #tpu.memory_space<semaphore_mem>>)
      %dma_wait3A_304 = arith.constant 0 : i32
      %dma_wait3A_305 = tpu.memref_slice %arg7[%arg0, %mul3A_0, %dma_wait3A_304] : memref<2x10240x128xf32, #tpu.memory_space<hbm>> -> memref<1x640x128xf32, #tpu.memory_space<hbm>>
      %dma_wait3A_306 = tpu.memref_squeeze %dma_wait3A_305 : memref<1x640x128xf32, #tpu.memory_space<hbm>> -> memref<640x128xf32, #tpu.memory_space<hbm>>
      %dma_wait3A_307 = arith.constant 0 : i32
      %dma_wait3A_308 = tpu.memref_slice %arg9[%mul3A_0, %dma_wait3A_307] : memref<10240x128xf32, #tpu.memory_space<vmem_shared>> -> memref<640x128xf32, #tpu.memory_space<vmem_shared>>
      tpu.wait_dma2 semaphore(%run_scoped3A : memref<!tpu.dma_semaphore, #tpu.memory_space<semaphore_mem>>) src(%dma_wait3A_308 : memref<640x128xf32, #tpu.memory_space<vmem_shared>>) dst(%dma_wait3A_306 : memref<640x128xf32, #tpu.memory_space<hbm>>)
      tpu.yield
    }) : () -> ()
    "tpu.region"() ({
      %run_scoped3A = tpu.sem_alloc : memref<!tpu.dma_semaphore, #tpu.memory_space<semaphore_mem>>
      %dma_start3A_299 = arith.constant 0 : i32
      %dma_start3A_300 = tpu.memref_slice %arg8[%arg0, %mul3A_0, %dma_start3A_299] : memref<2x10240x16xf32, #tpu.memory_space<hbm>> -> memref<1x640x16xf32, #tpu.memory_space<hbm>>
      %dma_start3A_301 = tpu.memref_squeeze %dma_start3A_300 : memref<1x640x16xf32, #tpu.memory_space<hbm>> -> memref<640x16xf32, #tpu.memory_space<hbm>>
      %dma_start3A_302 = arith.constant 0 : i32
      %dma_start3A_303 = tpu.memref_slice %arg10[%mul3A_0, %dma_start3A_302] : memref<10240x16xf32, #tpu.memory_space<vmem_shared>> -> memref<640x16xf32, #tpu.memory_space<vmem_shared>>
      tpu.enqueue_dma source(%dma_start3A_303 : memref<640x16xf32, #tpu.memory_space<vmem_shared>>) target(%dma_start3A_301 : memref<640x16xf32, #tpu.memory_space<hbm>>) target_semaphore(%run_scoped3A : memref<!tpu.dma_semaphore, #tpu.memory_space<semaphore_mem>>)
      %dma_wait3A_304 = arith.constant 0 : i32
      %dma_wait3A_305 = tpu.memref_slice %arg8[%arg0, %mul3A_0, %dma_wait3A_304] : memref<2x10240x16xf32, #tpu.memory_space<hbm>> -> memref<1x640x16xf32, #tpu.memory_space<hbm>>
      %dma_wait3A_306 = tpu.memref_squeeze %dma_wait3A_305 : memref<1x640x16xf32, #tpu.memory_space<hbm>> -> memref<640x16xf32, #tpu.memory_space<hbm>>
      %dma_wait3A_307 = arith.constant 0 : i32
      %dma_wait3A_308 = tpu.memref_slice %arg10[%mul3A_0, %dma_wait3A_307] : memref<10240x16xf32, #tpu.memory_space<vmem_shared>> -> memref<640x16xf32, #tpu.memory_space<vmem_shared>>
      tpu.wait_dma2 semaphore(%run_scoped3A : memref<!tpu.dma_semaphore, #tpu.memory_space<semaphore_mem>>) src(%dma_wait3A_308 : memref<640x16xf32, #tpu.memory_space<vmem_shared>>) dst(%dma_wait3A_306 : memref<640x16xf32, #tpu.memory_space<hbm>>)
      tpu.yield
    }) : () -> ()
    return
  }
}

module attributes {stable_mosaic.version = 14 : i64} {
  func.func @_tables_body(%arg0: i32, %arg1: memref<1024x128xf32, #tpu.memory_space<vmem>>, %arg2: memref<1024x16xf32, #tpu.memory_space<vmem>>, %arg3: memref<128x128xf32, #tpu.memory_space<vmem>>, %arg4: memref<128x128xf32, #tpu.memory_space<vmem>>, %arg5: memref<1x128xf32, #tpu.memory_space<vmem>>, %arg6: memref<1024x128xf32, #tpu.memory_space<vmem>>, %arg7: memref<1024x128xf32, #tpu.memory_space<vmem>>) attributes {dimension_semantics = [#tpu.dimension_semantics<arbitrary>], iteration_bounds = array<i64: 10>, scalar_prefetch = 0 : i64, scratch_operands = 0 : i64, tpu.core_type = #tpu.core_type<tc>, window_params = [{transform_indices = @transform_0, window_bounds = array<i64: 1024, 128>}, {transform_indices = @transform_1, window_bounds = array<i64: 1024, 16>}, {pipeline_mode = #tpu.pipeline_mode<synchronous>, transform_indices = @transform_2, window_bounds = array<i64: 128, 128>}, {pipeline_mode = #tpu.pipeline_mode<synchronous>, transform_indices = @transform_3, window_bounds = array<i64: 128, 128>}, {pipeline_mode = #tpu.pipeline_mode<synchronous>, transform_indices = @transform_4, window_bounds = array<i64: 1, 128>}, {transform_indices = @transform_5, window_bounds = array<i64: 1024, 128>}, {transform_indices = @transform_6, window_bounds = array<i64: 1024, 128>}]} {
    %get3A = arith.constant 0 : index
    %get3A_0 = arith.constant 0 : index
    %get3A_1 = vector.load %arg1[%get3A, %get3A_0] : memref<1024x128xf32, #tpu.memory_space<vmem>>, vector<1024x128xf32>
    %get3A_2 = arith.constant 0 : index
    %get3A_3 = arith.constant 0 : index
    %get3A_4 = vector.load %arg3[%get3A_2, %get3A_3] : memref<128x128xf32, #tpu.memory_space<vmem>>, vector<128x128xf32>
    %dot_general3A = arith.constant dense<0.000000e+00> : vector<1024x128xf32>
    %dot_general3A_5 = tpu.matmul %get3A_1, %get3A_4, %dot_general3A {dimension_numbers = #tpu.dot_dimension_numbers<[1], [0], [0], [1], [0, 0, 1, 1], [], []>, transpose_lhs_hint = false} : vector<1024x128xf32>, vector<128x128xf32>, vector<1024x128xf32> -> vector<1024x128xf32>
    %get3A_6 = arith.constant 0 : index
    %get3A_7 = arith.constant 0 : index
    %get3A_8 = vector.load %arg5[%get3A_6, %get3A_7] : memref<1x128xf32, #tpu.memory_space<vmem>>, vector<1x128xf32>
    %add3A = vector.broadcast %get3A_8 : vector<1x128xf32> to vector<1024x128xf32>
    %add3A_9 = arith.addf %dot_general3A_5, %add3A : vector<1024x128xf32>
    %get3A_10 = arith.constant 0 : index
    %get3A_11 = arith.constant 0 : index
    %get3A_12 = vector.load %arg4[%get3A_10, %get3A_11] : memref<128x128xf32, #tpu.memory_space<vmem>>, vector<128x128xf32>
    %dot_general3A_13 = arith.constant dense<0.000000e+00> : vector<1024x128xf32>
    %dot_general3A_14 = tpu.matmul %get3A_1, %get3A_12, %dot_general3A_13 {dimension_numbers = #tpu.dot_dimension_numbers<[1], [0], [0], [1], [0, 0, 1, 1], [], []>, transpose_lhs_hint = false} : vector<1024x128xf32>, vector<128x128xf32>, vector<1024x128xf32> -> vector<1024x128xf32>
    %get3A_15 = arith.constant 0 : index
    %get3A_16 = arith.constant 0 : index
    %get3A_17 = vector.load %arg2[%get3A_15, %get3A_16] : memref<1024x16xf32, #tpu.memory_space<vmem>>, vector<1024x16xf32>
    %jit3A = arith.constant -8.000000e+00 : f32
    %jit3A_18 = arith.constant 7.984000e+00 : f32
    %max3A = vector.broadcast %jit3A : f32 to vector<1024x16xf32>
    %max3A_19 = arith.maximumf %max3A, %get3A_17 : vector<1024x16xf32>
    %min3A = vector.broadcast %jit3A_18 : f32 to vector<1024x16xf32>
    %min3A_20 = arith.minimumf %min3A, %max3A_19 : vector<1024x16xf32>
    %add3A_21 = arith.constant 8.000000e+00 : f32
    %add3A_22 = vector.broadcast %add3A_21 : f32 to vector<1024x16xf32>
    %add3A_23 = arith.addf %min3A_20, %add3A_22 : vector<1024x16xf32>
    %mul3A = arith.constant 6.400000e+01 : f32
    %mul3A_24 = vector.broadcast %mul3A : f32 to vector<1024x16xf32>
    %mul3A_25 = arith.mulf %add3A_23, %mul3A_24 : vector<1024x16xf32>
    %round3A = math.roundeven %mul3A_25 : vector<1024x16xf32>
    %convert_element_type3A = arith.fptosi %round3A : vector<1024x16xf32> to vector<1024x16xi32>
    %jit3A_26 = arith.constant 0 : i32
    %pad3A = vector.broadcast %jit3A_26 : i32 to vector<1024x112xi32>
    %pad3A_27 = tpu.concatenate %convert_element_type3A, %pad3A in 1 : vector<1024x16xi32>, vector<1024x112xi32> -> vector<1024x128xi32>
    %iota3A = tpu.iota {dimensions = array<i32: 1>} : vector<1024x128xi32>
    %lt3A = arith.constant 3 : i32
    %lt3A_28 = vector.broadcast %lt3A : i32 to vector<1024x128xi32>
    %lt3A_29 = arith.cmpi slt, %iota3A, %lt3A_28 : vector<1024x128xi32>
    %bitcast_convert_type3A = tpu.bitcast %add3A_9 : vector<1024x128xf32> -> vector<1024x128xi32>
    %and3A = arith.constant -1024 : i32
    %and3A_30 = vector.broadcast %and3A : i32 to vector<1024x128xi32>
    %and3A_31 = arith.andi %bitcast_convert_type3A, %and3A_30 : vector<1024x128xi32>
    %or3A = arith.ori %and3A_31, %pad3A_27 : vector<1024x128xi32>
    %select_n3A = arith.select %lt3A_29, %or3A, %bitcast_convert_type3A : vector<1024x128xi1>, vector<1024x128xi32>
    %bitcast_convert_type3A_32 = tpu.bitcast %select_n3A : vector<1024x128xi32> -> vector<1024x128xf32>
    %swap3A = arith.constant 0 : index
    %swap3A_33 = arith.constant 0 : index
    %swap3A_34 = vector.load %arg6[%swap3A, %swap3A_33] : memref<1024x128xf32, #tpu.memory_space<vmem>>, vector<1024x128xf32>
    tpu.vector_store %arg6[%swap3A, %swap3A_33], %bitcast_convert_type3A_32 {strides = array<i32>} : memref<1024x128xf32, #tpu.memory_space<vmem>>, vector<1024x128xf32>,
    %bitcast_convert_type3A_35 = tpu.bitcast %dot_general3A_14 : vector<1024x128xf32> -> vector<1024x128xi32>
    %and3A_36 = arith.constant -1024 : i32
    %and3A_37 = vector.broadcast %and3A_36 : i32 to vector<1024x128xi32>
    %and3A_38 = arith.andi %bitcast_convert_type3A_35, %and3A_37 : vector<1024x128xi32>
    %or3A_39 = arith.ori %and3A_38, %pad3A_27 : vector<1024x128xi32>
    %select_n3A_40 = arith.select %lt3A_29, %or3A_39, %bitcast_convert_type3A_35 : vector<1024x128xi1>, vector<1024x128xi32>
    %bitcast_convert_type3A_41 = tpu.bitcast %select_n3A_40 : vector<1024x128xi32> -> vector<1024x128xf32>
    %swap3A_42 = arith.constant 0 : index
    %swap3A_43 = arith.constant 0 : index
    %swap3A_44 = vector.load %arg7[%swap3A_42, %swap3A_43] : memref<1024x128xf32, #tpu.memory_space<vmem>>, vector<1024x128xf32>
    tpu.vector_store %arg7[%swap3A_42, %swap3A_43], %bitcast_convert_type3A_41 {strides = array<i32>} : memref<1024x128xf32, #tpu.memory_space<vmem>>, vector<1024x128xf32>,
    return
  }
  func.func @transform_0(%arg0: i32) -> (i32, i32) {
    %c0_i32 = arith.constant 0 : i32
    %c0_i32_0 = arith.constant 0 : i32
    return %arg0, %c0_i32 : i32, i32
  }
  func.func @transform_1(%arg0: i32) -> (i32, i32) {
    %c0_i32 = arith.constant 0 : i32
    %c0_i32_0 = arith.constant 0 : i32
    return %arg0, %c0_i32 : i32, i32
  }
  func.func @transform_2(%arg0: i32) -> (i32, i32) {
    %c0_i32 = arith.constant 0 : i32
    %c0_i32_0 = arith.constant 0 : i32
    %c0_i32_1 = arith.constant 0 : i32
    return %c0_i32, %c0_i32_0 : i32, i32
  }
  func.func @transform_3(%arg0: i32) -> (i32, i32) {
    %c0_i32 = arith.constant 0 : i32
    %c0_i32_0 = arith.constant 0 : i32
    %c0_i32_1 = arith.constant 0 : i32
    return %c0_i32, %c0_i32_0 : i32, i32
  }
  func.func @transform_4(%arg0: i32) -> (i32, i32) {
    %c0_i32 = arith.constant 0 : i32
    %c0_i32_0 = arith.constant 0 : i32
    %c0_i32_1 = arith.constant 0 : i32
    return %c0_i32, %c0_i32_0 : i32, i32
  }
  func.func @transform_5(%arg0: i32) -> (i32, i32) {
    %c0_i32 = arith.constant 0 : i32
    %c0_i32_0 = arith.constant 0 : i32
    return %arg0, %c0_i32 : i32, i32
  }
  func.func @transform_6(%arg0: i32) -> (i32, i32) {
    %c0_i32 = arith.constant 0 : i32
    %c0_i32_0 = arith.constant 0 : i32
    return %arg0, %c0_i32 : i32, i32
  }
}

module attributes {stable_mosaic.version = 14 : i64} {
  func.func @_edge_body(%arg0: i32, %arg1: memref<1280x128xf32, #tpu.memory_space<vmem>>, %arg2: memref<1280x128xf32, #tpu.memory_space<vmem>>, %arg3: memref<160x128xf32, #tpu.memory_space<vmem>>, %arg4: memref<128x128xbf16, #tpu.memory_space<vmem>>, %arg5: memref<1x128xf32, #tpu.memory_space<vmem>>, %arg6: memref<128x128xbf16, #tpu.memory_space<vmem>>, %arg7: memref<1x128xf32, #tpu.memory_space<vmem>>, %arg8: memref<128x16xbf16, #tpu.memory_space<vmem>>, %arg9: memref<128x1024xbf16, #tpu.memory_space<vmem>>, %arg10: memref<1x128xf32, #tpu.memory_space<vmem>>, %arg11: memref<1280x128xf32, #tpu.memory_space<vmem>>, %arg12: memref<1280x16xf32, #tpu.memory_space<vmem>>) attributes {dimension_semantics = [#tpu.dimension_semantics<arbitrary>], iteration_bounds = array<i64: 250>, scalar_prefetch = 0 : i64, scratch_operands = 0 : i64, tpu.core_type = #tpu.core_type<tc>, window_params = [{transform_indices = @transform_0, window_bounds = array<i64: 1280, 128>}, {transform_indices = @transform_1, window_bounds = array<i64: 1280, 128>}, {transform_indices = @transform_2, window_bounds = array<i64: 160, 128>}, {pipeline_mode = #tpu.pipeline_mode<synchronous>, transform_indices = @transform_3, window_bounds = array<i64: 128, 128>}, {pipeline_mode = #tpu.pipeline_mode<synchronous>, transform_indices = @transform_4, window_bounds = array<i64: 1, 128>}, {pipeline_mode = #tpu.pipeline_mode<synchronous>, transform_indices = @transform_5, window_bounds = array<i64: 128, 128>}, {pipeline_mode = #tpu.pipeline_mode<synchronous>, transform_indices = @transform_6, window_bounds = array<i64: 1, 128>}, {pipeline_mode = #tpu.pipeline_mode<synchronous>, transform_indices = @transform_7, window_bounds = array<i64: 128, 16>}, {pipeline_mode = #tpu.pipeline_mode<synchronous>, transform_indices = @transform_8, window_bounds = array<i64: 128, 1024>}, {pipeline_mode = #tpu.pipeline_mode<synchronous>, transform_indices = @transform_9, window_bounds = array<i64: 1, 128>}, {transform_indices = @transform_10, window_bounds = array<i64: 1280, 128>}, {transform_indices = @transform_11, window_bounds = array<i64: 1280, 16>}]} {
    %get3A = arith.constant 0 : index
    %get3A_0 = arith.constant 0 : index
    %get3A_1 = vector.load %arg1[%get3A, %get3A_0] : memref<1280x128xf32, #tpu.memory_space<vmem>>, vector<1280x128xf32>
    %get3A_2 = arith.constant 0 : index
    %get3A_3 = arith.constant 0 : index
    %get3A_4 = vector.load %arg2[%get3A_2, %get3A_3] : memref<1280x128xf32, #tpu.memory_space<vmem>>, vector<1280x128xf32>
    %slice3A = vector.extract_strided_slice %get3A_1 {offsets = [0, 0], sizes = [1280, 3], strides = [1, 1]} : vector<1280x128xf32> to vector<1280x3xf32>
    %bitcast_convert_type3A = tpu.bitcast %slice3A : vector<1280x3xf32> -> vector<1280x3xi32>
    %and3A = arith.constant 1023 : i32
    %and3A_5 = vector.broadcast %and3A : i32 to vector<1280x3xi32>
    %and3A_6 = arith.andi %bitcast_convert_type3A, %and3A_5 : vector<1280x3xi32>
    %slice3A_7 = vector.extract_strided_slice %get3A_4 {offsets = [0, 0], sizes = [1280, 3], strides = [1, 1]} : vector<1280x128xf32> to vector<1280x3xf32>
    %bitcast_convert_type3A_8 = tpu.bitcast %slice3A_7 : vector<1280x3xf32> -> vector<1280x3xi32>
    %and3A_9 = arith.constant 1023 : i32
    %and3A_10 = vector.broadcast %and3A_9 : i32 to vector<1280x3xi32>
    %and3A_11 = arith.andi %bitcast_convert_type3A_8, %and3A_10 : vector<1280x3xi32>
    %sub3A = arith.subi %and3A_6, %and3A_11 : vector<1280x3xi32>
    %convert_element_type3A = arith.sitofp %sub3A : vector<1280x3xi32> to vector<1280x3xf32>
    %mul3A = arith.constant 1.562500e-02 : f32
    %mul3A_12 = vector.broadcast %mul3A : f32 to vector<1280x3xf32>
    %mul3A_13 = arith.mulf %convert_element_type3A, %mul3A_12 : vector<1280x3xf32>
    %mul3A_14 = arith.mulf %mul3A_13, %mul3A_13 : vector<1280x3xf32>
    %reduce_sum3A = arith.constant dense<0.000000e+00> : vector<1280xf32>
    %reduce_sum3A_15 = vector.multi_reduction <add>, %mul3A_14, %reduce_sum3A [1] : vector<1280x3xf32> to vector<1280xf32>
    %broadcast_in_dim3A = vector.shape_cast %reduce_sum3A_15 : vector<1280xf32> to vector<1280x1xf32>
    %add3A = arith.constant 9.99999993E-9 : f32
    %add3A_16 = vector.broadcast %add3A : f32 to vector<1280x1xf32>
    %add3A_17 = arith.addf %broadcast_in_dim3A, %add3A_16 : vector<1280x1xf32>
    %rsqrt3A = math.rsqrt %add3A_17 : vector<1280x1xf32>
    %get3A_18 = arith.constant 0 : index
    %get3A_19 = arith.constant 0 : index
    %get3A_20 = vector.load %arg3[%get3A_18, %get3A_19] : memref<160x128xf32, #tpu.memory_space<vmem>>, vector<160x128xf32>
    %convert_element_type3A_21 = arith.truncf %get3A_20 : vector<160x128xf32> to vector<160x128xbf16>
    %get3A_22 = arith.constant 0 : index
    %get3A_23 = arith.constant 0 : index
    %get3A_24 = vector.load %arg9[%get3A_22, %get3A_23] : memref<128x1024xbf16, #tpu.memory_space<vmem>>, vector<128x1024xbf16>
    %dot_general3A = arith.constant dense<0.000000e+00> : vector<160x1024xf32>
    %dot_general3A_25 = tpu.matmul %convert_element_type3A_21, %get3A_24, %dot_general3A {dimension_numbers = #tpu.dot_dimension_numbers<[1], [0], [0], [1], [0, 0, 1, 1], [], []>, transpose_lhs_hint = false} : vector<160x128xbf16>, vector<128x1024xbf16>, vector<160x1024xf32> -> vector<160x1024xf32>
    %slice3A_26 = vector.extract_strided_slice %dot_general3A_25 {offsets = [0, 0], sizes = [160, 128], strides = [1, 1]} : vector<160x1024xf32> to vector<160x128xf32>
    %slice3A_27 = vector.extract_strided_slice %dot_general3A_25 {offsets = [0, 128], sizes = [160, 128], strides = [1, 1]} : vector<160x1024xf32> to vector<160x128xf32>
    %slice3A_28 = vector.extract_strided_slice %dot_general3A_25 {offsets = [0, 256], sizes = [160, 128], strides = [1, 1]} : vector<160x1024xf32> to vector<160x128xf32>
    %slice3A_29 = vector.extract_strided_slice %dot_general3A_25 {offsets = [0, 384], sizes = [160, 128], strides = [1, 1]} : vector<160x1024xf32> to vector<160x128xf32>
    %slice3A_30 = vector.extract_strided_slice %dot_general3A_25 {offsets = [0, 512], sizes = [160, 128], strides = [1, 1]} : vector<160x1024xf32> to vector<160x128xf32>
    %slice3A_31 = vector.extract_strided_slice %dot_general3A_25 {offsets = [0, 640], sizes = [160, 128], strides = [1, 1]} : vector<160x1024xf32> to vector<160x128xf32>
    %slice3A_32 = vector.extract_strided_slice %dot_general3A_25 {offsets = [0, 768], sizes = [160, 128], strides = [1, 1]} : vector<160x1024xf32> to vector<160x128xf32>
    %slice3A_33 = vector.extract_strided_slice %dot_general3A_25 {offsets = [0, 896], sizes = [160, 128], strides = [1, 1]} : vector<160x1024xf32> to vector<160x128xf32>
    %stack3A = vector.shape_cast %slice3A_26 : vector<160x128xf32> to vector<160x1x128xf32>
    %stack3A_34 = vector.shape_cast %slice3A_27 : vector<160x128xf32> to vector<160x1x128xf32>
    %stack3A_35 = vector.shape_cast %slice3A_28 : vector<160x128xf32> to vector<160x1x128xf32>
    %stack3A_36 = vector.shape_cast %slice3A_29 : vector<160x128xf32> to vector<160x1x128xf32>
    %stack3A_37 = vector.shape_cast %slice3A_30 : vector<160x128xf32> to vector<160x1x128xf32>
    %stack3A_38 = vector.shape_cast %slice3A_31 : vector<160x128xf32> to vector<160x1x128xf32>
    %stack3A_39 = vector.shape_cast %slice3A_32 : vector<160x128xf32> to vector<160x1x128xf32>
    %stack3A_40 = vector.shape_cast %slice3A_33 : vector<160x128xf32> to vector<160x1x128xf32>
    %stack3A_41 = tpu.concatenate %stack3A, %stack3A_34, %stack3A_35, %stack3A_36, %stack3A_37, %stack3A_38, %stack3A_39, %stack3A_40 in 1 : vector<160x1x128xf32>, vector<160x1x128xf32>, vector<160x1x128xf32>, vector<160x1x128xf32>, vector<160x1x128xf32>, vector<160x1x128xf32>, vector<160x1x128xf32>, vector<160x1x128xf32> -> vector<160x8x128xf32>
    %reshape3A = vector.shape_cast %stack3A_41 : vector<160x8x128xf32> to vector<1280x128xf32>
    %add3A_42 = arith.addf %get3A_1, %get3A_4 : vector<1280x128xf32>
    %add3A_43 = arith.addf %add3A_42, %reshape3A : vector<1280x128xf32>
    %log1p3A = math.log1p %broadcast_in_dim3A : vector<1280x1xf32>
    %get3A_44 = arith.constant 0 : index
    %get3A_45 = arith.constant 0 : index
    %get3A_46 = vector.load %arg10[%get3A_44, %get3A_45] : memref<1x128xf32, #tpu.memory_space<vmem>>, vector<1x128xf32>
    %mul3A_47 = vector.broadcast %log1p3A : vector<1280x1xf32> to vector<1280x128xf32>
    %mul3A_48 = vector.broadcast %get3A_46 : vector<1x128xf32> to vector<1280x128xf32>
    %mul3A_49 = arith.mulf %mul3A_47, %mul3A_48 : vector<1280x128xf32>
    %add3A_50 = arith.addf %add3A_43, %mul3A_49 : vector<1280x128xf32>
    %mul3A_51 = arith.constant 5.000000e-01 : f32
    %mul3A_52 = vector.broadcast %mul3A_51 : f32 to vector<1280x128xf32>
    %mul3A_53 = arith.mulf %mul3A_52, %add3A_50 : vector<1280x128xf32>
    %tanh3A = math.tanh %mul3A_53 : vector<1280x128xf32>
    %mul3A_54 = arith.constant 5.000000e-01 : f32
    %mul3A_55 = vector.broadcast %mul3A_54 : f32 to vector<1280x128xf32>
    %mul3A_56 = arith.mulf %mul3A_55, %tanh3A : vector<1280x128xf32>
    %add3A_57 = arith.constant 5.000000e-01 : f32
    %add3A_58 = vector.broadcast %add3A_57 : f32 to vector<1280x128xf32>
    %add3A_59 = arith.addf %mul3A_56, %add3A_58 : vector<1280x128xf32>
    %mul3A_60 = arith.mulf %add3A_50, %add3A_59 : vector<1280x128xf32>
    %convert_element_type3A_61 = arith.truncf %mul3A_60 : vector<1280x128xf32> to vector<1280x128xbf16>
    %get3A_62 = arith.constant 0 : index
    %get3A_63 = arith.constant 0 : index
    %get3A_64 = vector.load %arg4[%get3A_62, %get3A_63] : memref<128x128xbf16, #tpu.memory_space<vmem>>, vector<128x128xbf16>
    %dot_general3A_65 = arith.constant dense<0.000000e+00> : vector<1280x128xf32>
    %dot_general3A_66 = tpu.matmul %convert_element_type3A_61, %get3A_64, %dot_general3A_65 {dimension_numbers = #tpu.dot_dimension_numbers<[1], [0], [0], [1], [0, 0, 1, 1], [], []>, transpose_lhs_hint = false} : vector<1280x128xbf16>, vector<128x128xbf16>, vector<1280x128xf32> -> vector<1280x128xf32>
    %get3A_67 = arith.constant 0 : index
    %get3A_68 = arith.constant 0 : index
    %get3A_69 = vector.load %arg5[%get3A_67, %get3A_68] : memref<1x128xf32, #tpu.memory_space<vmem>>, vector<1x128xf32>
    %add3A_70 = vector.broadcast %get3A_69 : vector<1x128xf32> to vector<1280x128xf32>
    %add3A_71 = arith.addf %dot_general3A_66, %add3A_70 : vector<1280x128xf32>
    %mul3A_72 = arith.constant 5.000000e-01 : f32
    %mul3A_73 = vector.broadcast %mul3A_72 : f32 to vector<1280x128xf32>
    %mul3A_74 = arith.mulf %mul3A_73, %add3A_71 : vector<1280x128xf32>
    %tanh3A_75 = math.tanh %mul3A_74 : vector<1280x128xf32>
    %mul3A_76 = arith.constant 5.000000e-01 : f32
    %mul3A_77 = vector.broadcast %mul3A_76 : f32 to vector<1280x128xf32>
    %mul3A_78 = arith.mulf %mul3A_77, %tanh3A_75 : vector<1280x128xf32>
    %add3A_79 = arith.constant 5.000000e-01 : f32
    %add3A_80 = vector.broadcast %add3A_79 : f32 to vector<1280x128xf32>
    %add3A_81 = arith.addf %mul3A_78, %add3A_80 : vector<1280x128xf32>
    %mul3A_82 = arith.mulf %add3A_71, %add3A_81 : vector<1280x128xf32>
    %convert_element_type3A_83 = arith.truncf %mul3A_82 : vector<1280x128xf32> to vector<1280x128xbf16>
    %get3A_84 = arith.constant 0 : index
    %get3A_85 = arith.constant 0 : index
    %get3A_86 = vector.load %arg6[%get3A_84, %get3A_85] : memref<128x128xbf16, #tpu.memory_space<vmem>>, vector<128x128xbf16>
    %dot_general3A_87 = arith.constant dense<0.000000e+00> : vector<1280x128xf32>
    %dot_general3A_88 = tpu.matmul %convert_element_type3A_83, %get3A_86, %dot_general3A_87 {dimension_numbers = #tpu.dot_dimension_numbers<[1], [0], [0], [1], [0, 0, 1, 1], [], []>, transpose_lhs_hint = false} : vector<1280x128xbf16>, vector<128x128xbf16>, vector<1280x128xf32> -> vector<1280x128xf32>
    %get3A_89 = arith.constant 0 : index
    %get3A_90 = arith.constant 0 : index
    %get3A_91 = vector.load %arg7[%get3A_89, %get3A_90] : memref<1x128xf32, #tpu.memory_space<vmem>>, vector<1x128xf32>
    %add3A_92 = vector.broadcast %get3A_91 : vector<1x128xf32> to vector<1280x128xf32>
    %add3A_93 = arith.addf %dot_general3A_88, %add3A_92 : vector<1280x128xf32>
    %mul3A_94 = arith.constant 5.000000e-01 : f32
    %mul3A_95 = vector.broadcast %mul3A_94 : f32 to vector<1280x128xf32>
    %mul3A_96 = arith.mulf %mul3A_95, %add3A_93 : vector<1280x128xf32>
    %tanh3A_97 = math.tanh %mul3A_96 : vector<1280x128xf32>
    %mul3A_98 = arith.constant 5.000000e-01 : f32
    %mul3A_99 = vector.broadcast %mul3A_98 : f32 to vector<1280x128xf32>
    %mul3A_100 = arith.mulf %mul3A_99, %tanh3A_97 : vector<1280x128xf32>
    %add3A_101 = arith.constant 5.000000e-01 : f32
    %add3A_102 = vector.broadcast %add3A_101 : f32 to vector<1280x128xf32>
    %add3A_103 = arith.addf %mul3A_100, %add3A_102 : vector<1280x128xf32>
    %mul3A_104 = arith.mulf %add3A_93, %add3A_103 : vector<1280x128xf32>
    %convert_element_type3A_105 = arith.truncf %mul3A_104 : vector<1280x128xf32> to vector<1280x128xbf16>
    %get3A_106 = arith.constant 0 : index
    %get3A_107 = arith.constant 0 : index
    %get3A_108 = vector.load %arg8[%get3A_106, %get3A_107] : memref<128x16xbf16, #tpu.memory_space<vmem>>, vector<128x16xbf16>
    %dot_general3A_109 = arith.constant dense<0.000000e+00> : vector<1280x16xf32>
    %dot_general3A_110 = tpu.matmul %convert_element_type3A_105, %get3A_108, %dot_general3A_109 {dimension_numbers = #tpu.dot_dimension_numbers<[1], [0], [0], [1], [0, 0, 1, 1], [], []>, transpose_lhs_hint = false} : vector<1280x128xbf16>, vector<128x16xbf16>, vector<1280x16xf32> -> vector<1280x16xf32>
    %tanh3A_111 = math.tanh %dot_general3A_110 : vector<1280x16xf32>
    %slice3A_112 = vector.extract_strided_slice %tanh3A_111 {offsets = [0, 0], sizes = [1280, 1], strides = [1, 1]} : vector<1280x16xf32> to vector<1280x1xf32>
    %mul3A_113 = arith.constant 1.000000e-01 : f32
    %mul3A_114 = vector.broadcast %mul3A_113 : f32 to vector<1280x1xf32>
    %mul3A_115 = arith.mulf %mul3A_114, %rsqrt3A : vector<1280x1xf32>
    %mul3A_116 = arith.mulf %slice3A_112, %mul3A_115 : vector<1280x1xf32>
    %mul3A_117 = vector.broadcast %mul3A_116 : vector<1280x1xf32> to vector<1280x3xf32>
    %mul3A_118 = arith.mulf %mul3A_13, %mul3A_117 : vector<1280x3xf32>
    %jit3A = arith.constant 0 : i32
    %convert_element_type3A_119 = arith.sitofp %jit3A : i32 to f32
    %pad3A = vector.broadcast %convert_element_type3A_119 : f32 to vector<1280x13xf32>
    %pad3A_120 = tpu.concatenate %mul3A_118, %pad3A in 1 : vector<1280x3xf32>, vector<1280x13xf32> -> vector<1280x16xf32>
    %iota3A = tpu.iota {dimensions = array<i32: 1>} : vector<1280x16xi32>
    %eq3A = arith.constant 3 : i32
    %eq3A_121 = vector.broadcast %eq3A : i32 to vector<1280x16xi32>
    %eq3A_122 = arith.cmpi eq, %iota3A, %eq3A_121 : vector<1280x16xi32>
    %convert_element_type3A_123 = arith.extui %eq3A_122 : vector<1280x16xi1> to vector<1280x16xi32>
    %convert_element_type3A_124 = arith.sitofp %convert_element_type3A_123 : vector<1280x16xi32> to vector<1280x16xf32>
    %swap3A = arith.constant 0 : index
    %swap3A_125 = arith.constant 0 : index
    %swap3A_126 = vector.load %arg11[%swap3A, %swap3A_125] : memref<1280x128xf32, #tpu.memory_space<vmem>>, vector<1280x128xf32>
    tpu.vector_store %arg11[%swap3A, %swap3A_125], %mul3A_82 {strides = array<i32>} : memref<1280x128xf32, #tpu.memory_space<vmem>>, vector<1280x128xf32>,
    %add3A_127 = arith.addf %pad3A_120, %convert_element_type3A_124 : vector<1280x16xf32>
    %swap3A_128 = arith.constant 0 : index
    %swap3A_129 = arith.constant 0 : index
    %swap3A_130 = vector.load %arg12[%swap3A_128, %swap3A_129] : memref<1280x16xf32, #tpu.memory_space<vmem>>, vector<1280x16xf32>
    tpu.vector_store %arg12[%swap3A_128, %swap3A_129], %add3A_127 {strides = array<i32>} : memref<1280x16xf32, #tpu.memory_space<vmem>>, vector<1280x16xf32>,
    return
  }
  func.func @transform_0(%arg0: i32) -> (i32, i32) {
    %c0_i32 = arith.constant 0 : i32
    %c0_i32_0 = arith.constant 0 : i32
    return %arg0, %c0_i32 : i32, i32
  }
  func.func @transform_1(%arg0: i32) -> (i32, i32) {
    %c0_i32 = arith.constant 0 : i32
    %c0_i32_0 = arith.constant 0 : i32
    return %arg0, %c0_i32 : i32, i32
  }
  func.func @transform_2(%arg0: i32) -> (i32, i32) {
    %c0_i32 = arith.constant 0 : i32
    %c0_i32_0 = arith.constant 0 : i32
    return %arg0, %c0_i32 : i32, i32
  }
  func.func @transform_3(%arg0: i32) -> (i32, i32) {
    %c0_i32 = arith.constant 0 : i32
    %c0_i32_0 = arith.constant 0 : i32
    %c0_i32_1 = arith.constant 0 : i32
    return %c0_i32, %c0_i32_0 : i32, i32
  }
  func.func @transform_4(%arg0: i32) -> (i32, i32) {
    %c0_i32 = arith.constant 0 : i32
    %c0_i32_0 = arith.constant 0 : i32
    %c0_i32_1 = arith.constant 0 : i32
    return %c0_i32, %c0_i32_0 : i32, i32
  }
  func.func @transform_5(%arg0: i32) -> (i32, i32) {
    %c0_i32 = arith.constant 0 : i32
    %c0_i32_0 = arith.constant 0 : i32
    %c0_i32_1 = arith.constant 0 : i32
    return %c0_i32, %c0_i32_0 : i32, i32
  }
  func.func @transform_6(%arg0: i32) -> (i32, i32) {
    %c0_i32 = arith.constant 0 : i32
    %c0_i32_0 = arith.constant 0 : i32
    %c0_i32_1 = arith.constant 0 : i32
    return %c0_i32, %c0_i32_0 : i32, i32
  }
  func.func @transform_7(%arg0: i32) -> (i32, i32) {
    %c0_i32 = arith.constant 0 : i32
    %c0_i32_0 = arith.constant 0 : i32
    %c0_i32_1 = arith.constant 0 : i32
    return %c0_i32, %c0_i32_0 : i32, i32
  }
  func.func @transform_8(%arg0: i32) -> (i32, i32) {
    %c0_i32 = arith.constant 0 : i32
    %c0_i32_0 = arith.constant 0 : i32
    %c0_i32_1 = arith.constant 0 : i32
    return %c0_i32, %c0_i32_0 : i32, i32
  }
  func.func @transform_9(%arg0: i32) -> (i32, i32) {
    %c0_i32 = arith.constant 0 : i32
    %c0_i32_0 = arith.constant 0 : i32
    %c0_i32_1 = arith.constant 0 : i32
    return %c0_i32, %c0_i32_0 : i32, i32
  }
  func.func @transform_10(%arg0: i32) -> (i32, i32) {
    %c0_i32 = arith.constant 0 : i32
    %c0_i32_0 = arith.constant 0 : i32
    return %arg0, %c0_i32 : i32, i32
  }
  func.func @transform_11(%arg0: i32) -> (i32, i32) {
    %c0_i32 = arith.constant 0 : i32
    %c0_i32_0 = arith.constant 0 : i32
    return %arg0, %c0_i32 : i32, i32
  }
}

module attributes {stable_mosaic.version = 14 : i64} {
  func.func @_node_body(%arg0: i32, %arg1: memref<1024x128xf32, #tpu.memory_space<vmem>>, %arg2: memref<1024x16xf32, #tpu.memory_space<vmem>>, %arg3: memref<1x1024x128xf32, #tpu.memory_space<vmem>>, %arg4: memref<1x1024x128xf32, #tpu.memory_space<vmem>>, %arg5: memref<1x1024x16xf32, #tpu.memory_space<vmem>>, %arg6: memref<1x1024x16xf32, #tpu.memory_space<vmem>>, %arg7: memref<128x128xf32, #tpu.memory_space<vmem>>, %arg8: memref<128x128xf32, #tpu.memory_space<vmem>>, %arg9: memref<1x128xf32, #tpu.memory_space<vmem>>, %arg10: memref<128x128xf32, #tpu.memory_space<vmem>>, %arg11: memref<1x128xf32, #tpu.memory_space<vmem>>, %arg12: memref<1x128xf32, #tpu.memory_space<vmem>>, %arg13: memref<1x128xf32, #tpu.memory_space<vmem>>, %arg14: memref<1024x128xf32, #tpu.memory_space<vmem>>, %arg15: memref<1024x16xf32, #tpu.memory_space<vmem>>) attributes {dimension_semantics = [#tpu.dimension_semantics<arbitrary>], iteration_bounds = array<i64: 10>, scalar_prefetch = 0 : i64, scratch_operands = 0 : i64, tpu.core_type = #tpu.core_type<tc>, window_params = [{transform_indices = @transform_0, window_bounds = array<i64: 1024, 128>}, {transform_indices = @transform_1, window_bounds = array<i64: 1024, 16>}, {transform_indices = @transform_2, window_bounds = array<i64: 1, 1024, 128>}, {transform_indices = @transform_3, window_bounds = array<i64: 1, 1024, 128>}, {transform_indices = @transform_4, window_bounds = array<i64: 1, 1024, 16>}, {transform_indices = @transform_5, window_bounds = array<i64: 1, 1024, 16>}, {pipeline_mode = #tpu.pipeline_mode<synchronous>, transform_indices = @transform_6, window_bounds = array<i64: 128, 128>}, {pipeline_mode = #tpu.pipeline_mode<synchronous>, transform_indices = @transform_7, window_bounds = array<i64: 128, 128>}, {pipeline_mode = #tpu.pipeline_mode<synchronous>, transform_indices = @transform_8, window_bounds = array<i64: 1, 128>}, {pipeline_mode = #tpu.pipeline_mode<synchronous>, transform_indices = @transform_9, window_bounds = array<i64: 128, 128>}, {pipeline_mode = #tpu.pipeline_mode<synchronous>, transform_indices = @transform_10, window_bounds = array<i64: 1, 128>}, {pipeline_mode = #tpu.pipeline_mode<synchronous>, transform_indices = @transform_11, window_bounds = array<i64: 1, 128>}, {pipeline_mode = #tpu.pipeline_mode<synchronous>, transform_indices = @transform_12, window_bounds = array<i64: 1, 128>}, {transform_indices = @transform_13, window_bounds = array<i64: 1024, 128>}, {transform_indices = @transform_14, window_bounds = array<i64: 1024, 16>}]} {
    %get3A = arith.constant 0 : index
    %get3A_0 = arith.constant 0 : index
    %get3A_1 = vector.load %arg1[%get3A, %get3A_0] : memref<1024x128xf32, #tpu.memory_space<vmem>>, vector<1024x128xf32>
    %get3A_2 = arith.constant 0 : index
    %get3A_3 = arith.constant 0 : index
    %get3A_4 = arith.constant 0 : index
    %get3A_5 = vector.load %arg3[%get3A_2, %get3A_3, %get3A_4] : memref<1x1024x128xf32, #tpu.memory_space<vmem>>, vector<1x1024x128xf32>
    %get3A_6 = vector.shape_cast %get3A_5 : vector<1x1024x128xf32> to vector<1024x128xf32>
    %get3A_7 = arith.constant 0 : index
    %get3A_8 = arith.constant 0 : index
    %get3A_9 = arith.constant 0 : index
    %get3A_10 = vector.load %arg4[%get3A_7, %get3A_8, %get3A_9] : memref<1x1024x128xf32, #tpu.memory_space<vmem>>, vector<1x1024x128xf32>
    %get3A_11 = vector.shape_cast %get3A_10 : vector<1x1024x128xf32> to vector<1024x128xf32>
    %add3A = arith.addf %get3A_6, %get3A_11 : vector<1024x128xf32>
    %get3A_12 = arith.constant 0 : index
    %get3A_13 = arith.constant 0 : index
    %get3A_14 = arith.constant 0 : index
    %get3A_15 = vector.load %arg5[%get3A_12, %get3A_13, %get3A_14] : memref<1x1024x16xf32, #tpu.memory_space<vmem>>, vector<1x1024x16xf32>
    %get3A_16 = vector.shape_cast %get3A_15 : vector<1x1024x16xf32> to vector<1024x16xf32>
    %get3A_17 = arith.constant 0 : index
    %get3A_18 = arith.constant 0 : index
    %get3A_19 = arith.constant 0 : index
    %get3A_20 = vector.load %arg6[%get3A_17, %get3A_18, %get3A_19] : memref<1x1024x16xf32, #tpu.memory_space<vmem>>, vector<1x1024x16xf32>
    %get3A_21 = vector.shape_cast %get3A_20 : vector<1x1024x16xf32> to vector<1024x16xf32>
    %add3A_22 = arith.addf %get3A_16, %get3A_21 : vector<1024x16xf32>
    %slice3A = vector.extract_strided_slice %add3A_22 {offsets = [0, 3], sizes = [1024, 1], strides = [1, 1]} : vector<1024x16xf32> to vector<1024x1xf32>
    %add3A_23 = arith.constant 9.99999993E-9 : f32
    %add3A_24 = vector.broadcast %add3A_23 : f32 to vector<1024x1xf32>
    %add3A_25 = arith.addf %slice3A, %add3A_24 : vector<1024x1xf32>
    %div3A = arith.constant 1.000000e+00 : f32
    %div3A_26 = vector.broadcast %div3A : f32 to vector<1024x1xf32>
    %div3A_27 = arith.divf %div3A_26, %add3A_25 : vector<1024x1xf32>
    %mul3A = vector.broadcast %div3A_27 : vector<1024x1xf32> to vector<1024x128xf32>
    %mul3A_28 = arith.mulf %add3A, %mul3A : vector<1024x128xf32>
    %get3A_29 = arith.constant 0 : index
    %get3A_30 = arith.constant 0 : index
    %get3A_31 = vector.load %arg2[%get3A_29, %get3A_30] : memref<1024x16xf32, #tpu.memory_space<vmem>>, vector<1024x16xf32>
    %mul3A_32 = vector.broadcast %div3A_27 : vector<1024x1xf32> to vector<1024x16xf32>
    %mul3A_33 = arith.mulf %add3A_22, %mul3A_32 : vector<1024x16xf32>
    %add3A_34 = arith.addf %get3A_31, %mul3A_33 : vector<1024x16xf32>
    %swap3A = arith.constant 0 : index
    %swap3A_35 = arith.constant 0 : index
    %swap3A_36 = vector.load %arg15[%swap3A, %swap3A_35] : memref<1024x16xf32, #tpu.memory_space<vmem>>, vector<1024x16xf32>
    tpu.vector_store %arg15[%swap3A, %swap3A_35], %add3A_34 {strides = array<i32>} : memref<1024x16xf32, #tpu.memory_space<vmem>>, vector<1024x16xf32>,
    %get3A_37 = arith.constant 0 : index
    %get3A_38 = arith.constant 0 : index
    %get3A_39 = vector.load %arg7[%get3A_37, %get3A_38] : memref<128x128xf32, #tpu.memory_space<vmem>>, vector<128x128xf32>
    %dot_general3A = arith.constant dense<0.000000e+00> : vector<1024x128xf32>
    %dot_general3A_40 = tpu.matmul %get3A_1, %get3A_39, %dot_general3A {dimension_numbers = #tpu.dot_dimension_numbers<[1], [0], [0], [1], [0, 0, 1, 1], [], []>, transpose_lhs_hint = false} : vector<1024x128xf32>, vector<128x128xf32>, vector<1024x128xf32> -> vector<1024x128xf32>
    %get3A_41 = arith.constant 0 : index
    %get3A_42 = arith.constant 0 : index
    %get3A_43 = vector.load %arg8[%get3A_41, %get3A_42] : memref<128x128xf32, #tpu.memory_space<vmem>>, vector<128x128xf32>
    %dot_general3A_44 = arith.constant dense<0.000000e+00> : vector<1024x128xf32>
    %dot_general3A_45 = tpu.matmul %mul3A_28, %get3A_43, %dot_general3A_44 {dimension_numbers = #tpu.dot_dimension_numbers<[1], [0], [0], [1], [0, 0, 1, 1], [], []>, transpose_lhs_hint = false} : vector<1024x128xf32>, vector<128x128xf32>, vector<1024x128xf32> -> vector<1024x128xf32>
    %add3A_46 = arith.addf %dot_general3A_40, %dot_general3A_45 : vector<1024x128xf32>
    %get3A_47 = arith.constant 0 : index
    %get3A_48 = arith.constant 0 : index
    %get3A_49 = vector.load %arg9[%get3A_47, %get3A_48] : memref<1x128xf32, #tpu.memory_space<vmem>>, vector<1x128xf32>
    %add3A_50 = vector.broadcast %get3A_49 : vector<1x128xf32> to vector<1024x128xf32>
    %add3A_51 = arith.addf %add3A_46, %add3A_50 : vector<1024x128xf32>
    %logistic3A = arith.negf %add3A_51 : vector<1024x128xf32>
    %logistic3A_52 = math.exp %logistic3A : vector<1024x128xf32>
    %logistic3A_53 = arith.constant 1.000000e+00 : f32
    %logistic3A_54 = vector.broadcast %logistic3A_53 : f32 to vector<1024x128xf32>
    %logistic3A_55 = arith.addf %logistic3A_54, %logistic3A_52 : vector<1024x128xf32>
    %logistic3A_56 = arith.divf %logistic3A_54, %logistic3A_55 : vector<1024x128xf32>
    %mul3A_57 = arith.mulf %add3A_51, %logistic3A_56 : vector<1024x128xf32>
    %get3A_58 = arith.constant 0 : index
    %get3A_59 = arith.constant 0 : index
    %get3A_60 = vector.load %arg10[%get3A_58, %get3A_59] : memref<128x128xf32, #tpu.memory_space<vmem>>, vector<128x128xf32>
    %dot_general3A_61 = arith.constant dense<0.000000e+00> : vector<1024x128xf32>
    %dot_general3A_62 = tpu.matmul %mul3A_57, %get3A_60, %dot_general3A_61 {dimension_numbers = #tpu.dot_dimension_numbers<[1], [0], [0], [1], [0, 0, 1, 1], [], []>, transpose_lhs_hint = false} : vector<1024x128xf32>, vector<128x128xf32>, vector<1024x128xf32> -> vector<1024x128xf32>
    %add3A_63 = arith.addf %get3A_1, %dot_general3A_62 : vector<1024x128xf32>
    %get3A_64 = arith.constant 0 : index
    %get3A_65 = arith.constant 0 : index
    %get3A_66 = vector.load %arg11[%get3A_64, %get3A_65] : memref<1x128xf32, #tpu.memory_space<vmem>>, vector<1x128xf32>
    %add3A_67 = vector.broadcast %get3A_66 : vector<1x128xf32> to vector<1024x128xf32>
    %add3A_68 = arith.addf %add3A_63, %add3A_67 : vector<1024x128xf32>
    %reduce_sum3A = arith.constant dense<0.000000e+00> : vector<1024xf32>
    %reduce_sum3A_69 = vector.multi_reduction <add>, %add3A_68, %reduce_sum3A [1] : vector<1024x128xf32> to vector<1024xf32>
    %broadcast_in_dim3A = vector.shape_cast %reduce_sum3A_69 : vector<1024xf32> to vector<1024x1xf32>
    %div3A_70 = arith.constant 1.280000e+02 : f32
    %div3A_71 = vector.broadcast %div3A_70 : f32 to vector<1024x1xf32>
    %div3A_72 = arith.divf %broadcast_in_dim3A, %div3A_71 : vector<1024x1xf32>
    %sub3A = vector.broadcast %div3A_72 : vector<1024x1xf32> to vector<1024x128xf32>
    %sub3A_73 = arith.subf %add3A_68, %sub3A : vector<1024x128xf32>
    %mul3A_74 = arith.mulf %sub3A_73, %sub3A_73 : vector<1024x128xf32>
    %reduce_sum3A_75 = arith.constant dense<0.000000e+00> : vector<1024xf32>
    %reduce_sum3A_76 = vector.multi_reduction <add>, %mul3A_74, %reduce_sum3A_75 [1] : vector<1024x128xf32> to vector<1024xf32>
    %broadcast_in_dim3A_77 = vector.shape_cast %reduce_sum3A_76 : vector<1024xf32> to vector<1024x1xf32>
    %div3A_78 = arith.constant 1.280000e+02 : f32
    %div3A_79 = vector.broadcast %div3A_78 : f32 to vector<1024x1xf32>
    %div3A_80 = arith.divf %broadcast_in_dim3A_77, %div3A_79 : vector<1024x1xf32>
    %add3A_81 = arith.constant 9.99999974E-6 : f32
    %add3A_82 = vector.broadcast %add3A_81 : f32 to vector<1024x1xf32>
    %add3A_83 = arith.addf %div3A_80, %add3A_82 : vector<1024x1xf32>
    %rsqrt3A = math.rsqrt %add3A_83 : vector<1024x1xf32>
    %mul3A_84 = vector.broadcast %rsqrt3A : vector<1024x1xf32> to vector<1024x128xf32>
    %mul3A_85 = arith.mulf %sub3A_73, %mul3A_84 : vector<1024x128xf32>
    %get3A_86 = arith.constant 0 : index
    %get3A_87 = arith.constant 0 : index
    %get3A_88 = vector.load %arg12[%get3A_86, %get3A_87] : memref<1x128xf32, #tpu.memory_space<vmem>>, vector<1x128xf32>
    %mul3A_89 = vector.broadcast %get3A_88 : vector<1x128xf32> to vector<1024x128xf32>
    %mul3A_90 = arith.mulf %mul3A_85, %mul3A_89 : vector<1024x128xf32>
    %get3A_91 = arith.constant 0 : index
    %get3A_92 = arith.constant 0 : index
    %get3A_93 = vector.load %arg13[%get3A_91, %get3A_92] : memref<1x128xf32, #tpu.memory_space<vmem>>, vector<1x128xf32>
    %add3A_94 = vector.broadcast %get3A_93 : vector<1x128xf32> to vector<1024x128xf32>
    %add3A_95 = arith.addf %mul3A_90, %add3A_94 : vector<1024x128xf32>
    %swap3A_96 = arith.constant 0 : index
    %swap3A_97 = arith.constant 0 : index
    %swap3A_98 = vector.load %arg14[%swap3A_96, %swap3A_97] : memref<1024x128xf32, #tpu.memory_space<vmem>>, vector<1024x128xf32>
    tpu.vector_store %arg14[%swap3A_96, %swap3A_97], %add3A_95 {strides = array<i32>} : memref<1024x128xf32, #tpu.memory_space<vmem>>, vector<1024x128xf32>,
    return
  }
  func.func @transform_0(%arg0: i32) -> (i32, i32) {
    %c0_i32 = arith.constant 0 : i32
    %c0_i32_0 = arith.constant 0 : i32
    return %arg0, %c0_i32 : i32, i32
  }
  func.func @transform_1(%arg0: i32) -> (i32, i32) {
    %c0_i32 = arith.constant 0 : i32
    %c0_i32_0 = arith.constant 0 : i32
    return %arg0, %c0_i32 : i32, i32
  }
  func.func @transform_2(%arg0: i32) -> (i32, i32, i32) {
    %c0_i32 = arith.constant 0 : i32
    %c0_i32_0 = arith.constant 0 : i32
    %c0_i32_1 = arith.constant 0 : i32
    return %c0_i32, %arg0, %c0_i32_0 : i32, i32, i32
  }
  func.func @transform_3(%arg0: i32) -> (i32, i32, i32) {
    %c1_i32 = arith.constant 1 : i32
    %c0_i32 = arith.constant 0 : i32
    %c0_i32_0 = arith.constant 0 : i32
    return %c1_i32, %arg0, %c0_i32 : i32, i32, i32
  }
  func.func @transform_4(%arg0: i32) -> (i32, i32, i32) {
    %c0_i32 = arith.constant 0 : i32
    %c0_i32_0 = arith.constant 0 : i32
    %c0_i32_1 = arith.constant 0 : i32
    return %c0_i32, %arg0, %c0_i32_0 : i32, i32, i32
  }
  func.func @transform_5(%arg0: i32) -> (i32, i32, i32) {
    %c1_i32 = arith.constant 1 : i32
    %c0_i32 = arith.constant 0 : i32
    %c0_i32_0 = arith.constant 0 : i32
    return %c1_i32, %arg0, %c0_i32 : i32, i32, i32
  }
  func.func @transform_6(%arg0: i32) -> (i32, i32) {
    %c0_i32 = arith.constant 0 : i32
    %c0_i32_0 = arith.constant 0 : i32
    %c0_i32_1 = arith.constant 0 : i32
    return %c0_i32, %c0_i32_0 : i32, i32
  }
  func.func @transform_7(%arg0: i32) -> (i32, i32) {
    %c0_i32 = arith.constant 0 : i32
    %c0_i32_0 = arith.constant 0 : i32
    %c0_i32_1 = arith.constant 0 : i32
    return %c0_i32, %c0_i32_0 : i32, i32
  }
  func.func @transform_8(%arg0: i32) -> (i32, i32) {
    %c0_i32 = arith.constant 0 : i32
    %c0_i32_0 = arith.constant 0 : i32
    %c0_i32_1 = arith.constant 0 : i32
    return %c0_i32, %c0_i32_0 : i32, i32
  }
  func.func @transform_9(%arg0: i32) -> (i32, i32) {
    %c0_i32 = arith.constant 0 : i32
    %c0_i32_0 = arith.constant 0 : i32
    %c0_i32_1 = arith.constant 0 : i32
    return %c0_i32, %c0_i32_0 : i32, i32
  }
  func.func @transform_10(%arg0: i32) -> (i32, i32) {
    %c0_i32 = arith.constant 0 : i32
    %c0_i32_0 = arith.constant 0 : i32
    %c0_i32_1 = arith.constant 0 : i32
    return %c0_i32, %c0_i32_0 : i32, i32
  }
  func.func @transform_11(%arg0: i32) -> (i32, i32) {
    %c0_i32 = arith.constant 0 : i32
    %c0_i32_0 = arith.constant 0 : i32
    %c0_i32_1 = arith.constant 0 : i32
    return %c0_i32, %c0_i32_0 : i32, i32
  }
  func.func @transform_12(%arg0: i32) -> (i32, i32) {
    %c0_i32 = arith.constant 0 : i32
    %c0_i32_0 = arith.constant 0 : i32
    %c0_i32_1 = arith.constant 0 : i32
    return %c0_i32, %c0_i32_0 : i32, i32
  }
  func.func @transform_13(%arg0: i32) -> (i32, i32) {
    %c0_i32 = arith.constant 0 : i32
    %c0_i32_0 = arith.constant 0 : i32
    return %arg0, %c0_i32 : i32, i32
  }
  func.func @transform_14(%arg0: i32) -> (i32, i32) {
    %c0_i32 = arith.constant 0 : i32
    %c0_i32_0 = arith.constant 0 : i32
    return %arg0, %c0_i32 : i32, i32
  }
}

</mosaic_0001>

<sc_bundles>
// kernel: kernel.10.cloned.1.call-start
scs
__scs_entry_jumppad:
0x0: {  	(pc) =	sbr.rel $0x88, $3  }
0x1: {  	(tag) =	ssettag $0x0;
	lr =	simm.s32 $0x1  }
0x2: {  	[smem:$0x3F90] =	sst lr;
	_ =	strace $0xD0000000  }
0x3: {  	_ = 	snop  }
0x4: {  	_ = 	snop  }
0x5: {  	_ = 	snop  }
0x6: {  	_ = 	snop  }
0x7: {  	_ = 	snop  }
__scs_overlays_trampoline_lowered:
0x8: {  	[smem:$0x3F9F] =	sst s0  }
0x9: {  	[smem:$0x3FA0] =	sst s1  }
0xa: {  	[smem:$0x3FA1] =	sst s2  }
0xb: {  	[smem:$0x3FA2] =	sst s3  }
0xc: {  	[smem:$0x3FA3] =	sst s4  }
0xd: {  	[smem:$0x3FA4] =	sst s5  }
0xe: {  	[smem:$0x3FA5] =	sst s6  }
0xf: {  	[smem:$0x3FA6] =	sst s7  }
0x10: {  	[smem:$0x3FA7] =	sst s8  }
0x11: {  	[smem:$0x3FA8] =	sst s9;
	s0 =	simm.s32 @!p0 $0x0  }
0x12: {  	s1 =	sld [smem:$0x3F8E];
	s0 =	simm.s32 @p0 $0x1  }
0x13: {  	[smem:$0x3FA9] =	sst s0;
	s0 =	simm.s32 @!p1 $0x0  }
0x14: {  	s2 =	sld [smem:$0x3F8D];
	s0 =	simm.s32 @p1 $0x1  }
0x15: {  	[smem:$0x3FAA] =	sst s0;
	s0 =	simm.s32 @!p2 $0x0  }
0x16: {  	s3 =	sld [smem:$0x3FDB];
	s0 =	simm.s32 @p2 $0x1  }
0x17: {  	s4 =	simm.s32 $0x1BF5;
	[smem:$0x3FAC] =	sst s0  }
0x18: {  	s0 =	sld [smem:$0x3F8F];
	_ =	swait.ge [sflag:s4], $0x0  }
0x19: {  	s7 =	sld [smem:$0x3F90]  }
0x1a: {  	s8 =	sadd.s32 $0xFFFFE003, lr  }
0x1b: {  	s9 =	sadd.s32 $0xFFFFFEF7, lr;
	s5 =	simm.s32 $0xFFFFFFFF;
	p2 =	slt.u32 s8, $0xFFFFF086  }
0x1c: {  	p1 =	slt.u32 s9, $0xF7A;
	s5 =	simm.s32 @!p2 $0x0  }
0x1d: {  	s5 =	simm.s32 @p1 $0x1;
	p0 =	seq.s32 s7, s2  }
0x1e: {  	s7 =	smul.u32 @!p0 $0xF7A, s2;
	p2 =	seq.s32 @!p0 s5, $0x0  }
0x1f: {  	s9 =	smul.u32 $0xF7A, s1;
	s8 =	simm.s32 @!p0 $0x1BF5;
	p2 =	por !p2, p0  }
0x20: {  	[sflag:s8] =	ssyncset.s32 @!p0 $0xFFFFF086;
	s6 =	sadd.s32 @!p0 s3, s7;
	s7 =	simm.s32 @!p0 $0x108  }
0x21: {  	s3 =	sadd.s32 s3, s9;
	s6 =	sadd.s32 @!p0 $0x88, s6;
	s7 =	simm.s32 @p2 $0x1082  }
0x22: {  	[simem:s7], [sflag:s8] =	dma.local @!p0 [hbm:s6], $0xF7A  }
0x23: {  	s9 =	sor.u32 $0xD0000000, s2;
	s6 =	simm.s32 $0x108;
	_ =	swait.ge @!p0 [sflag:s8], $0x0  }
0x24: {  	s3 =	sadd.s32 $0x88, s3;
	s6 =	simm.s32 @!p1 $0x1082;
	[sflag:s4] =	ssyncset.s32 $0xFFFFF086  }
0x25: {  	[simem:s6], [sflag:s4] =	dma.local [hbm:s3], $0xF7A  }
0x26: {  	[smem:$0x3F90] =	sst s1;
	(tag) =	ssettag s2;
	_ =	strace s9  }
0x27: {  	s1 =	sld [smem:$0x3FA0]  }
0x28: {  	s2 =	sld [smem:$0x3FA1]  }
0x29: {  	s4 =	sld [smem:$0x3FA3]  }
0x2a: {  	p0 =	seq.s32 s5, $0x0;
	s5 =	sld [smem:$0x3FA4]  }
0x2b: {  	s6 =	sld [smem:$0x3FA5]  }
0x2c: {  	s7 =	sld [smem:$0x3FA6]  }
0x2d: {  	s3 =	simm.s32 $0x108;
	s8 =	sld [smem:$0x3FA7]  }
0x2e: {  	s3 =	simm.s32 @!p0 $0x1082;
	s9 =	sld [smem:$0x3FA8]  }
0x2f: {  	lr =	sadd.s32 s0, s3;
	s0 =	sld [smem:$0x3F9F]  }
0x30: {  	s3 =	sld [smem:$0x3FA2]  }
0x31: {  	[smem:$0x3FAB] =	sst s10  }
0x32: {  	s10 =	sld [smem:$0x3FA9];
	_ =	sdelay $0x3  }
0x33: {  	p0 =	seq.s32 s10, $0x1;
	s10 =	sld [smem:$0x3FAB];
	_ =	sdelay $0x3  }
0x34: {  	[smem:$0x3FAB] =	sst s10  }
0x35: {  	s10 =	sld [smem:$0x3FAA];
	_ =	sdelay $0x3  }
0x36: {  	p1 =	seq.s32 s10, $0x1;
	s10 =	sld [smem:$0x3FAB];
	_ =	sdelay $0x3  }
0x37: {  	[smem:$0x3FAB] =	sst s10  }
0x38: {  	s10 =	sld [smem:$0x3FAC]  }
0x39: {  	_ = 	snop;
	(pc) =	sbr.ind lr, $3  }
0x3a: {  	_ = 	snop  }
0x3b: {  	_ = 	snop  }
0x3c: {  	p2 =	seq.s32 s10, $0x1;
	s10 =	sld [smem:$0x3FAB]  }
0x3d: {  	_ =	shalt  }
0x3e: {  	_ =	shalt  }
0x3f: {  	_ =	shalt  }
0x40: {  	_ =	shalt  }
0x41: {  	_ =	shalt  }
0x42: {  	_ =	shalt  }
0x43: {  	_ =	shalt  }
0x44: {  	_ =	shalt  }
0x45: {  	_ =	shalt  }
0x46: {  	_ =	shalt  }
0x47: {  	_ =	shalt  }
0x48: {  	_ =	shalt  }
0x49: {  	_ =	shalt  }
0x4a: {  	_ =	shalt  }
0x4b: {  	_ =	shalt  }
0x4c: {  	_ =	shalt  }
0x4d: {  	_ =	shalt  }
0x4e: {  	_ =	shalt  }
0x4f: {  	_ =	shalt  }
0x50: {  	_ =	shalt  }
0x51: {  	_ =	shalt  }
0x52: {  	_ =	shalt  }
0x53: {  	_ =	shalt  }
0x54: {  	_ =	shalt  }
0x55: {  	_ =	shalt  }
0x56: {  	_ =	shalt  }
0x57: {  	_ =	shalt  }
0x58: {  	_ =	shalt  }
0x59: {  	_ =	shalt  }
0x5a: {  	_ =	shalt  }
0x5b: {  	_ =	shalt  }
0x5c: {  	_ =	shalt  }
0x5d: {  	_ =	shalt  }
0x5e: {  	_ =	shalt  }
0x5f: {  	_ =	shalt  }
0x60: {  	_ =	shalt  }
0x61: {  	_ =	shalt  }
0x62: {  	_ =	shalt  }
0x63: {  	_ =	shalt  }
0x64: {  	_ =	shalt  }
0x65: {  	_ =	shalt  }
0x66: {  	_ =	shalt  }
0x67: {  	_ =	shalt  }
0x68: {  	_ =	shalt  }
0x69: {  	_ =	shalt  }
0x6a: {  	_ =	shalt  }
0x6b: {  	_ =	shalt  }
0x6c: {  	_ =	shalt  }
0x6d: {  	_ =	shalt  }
0x6e: {  	_ =	shalt  }
0x6f: {  	_ =	shalt  }
0x70: {  	_ =	shalt  }
0x71: {  	_ =	shalt  }
0x72: {  	_ =	shalt  }
0x73: {  	_ =	shalt  }
0x74: {  	_ =	shalt  }
0x75: {  	_ =	shalt  }
0x76: {  	_ =	shalt  }
0x77: {  	_ =	shalt  }
0x78: {  	_ =	shalt  }
0x79: {  	_ =	shalt  }
0x7a: {  	_ =	shalt  }
0x7b: {  	_ =	shalt  }
0x7c: {  	_ =	shalt  }
0x7d: {  	_ =	shalt  }
0x7e: {  	_ =	shalt  }
0x7f: {  	_ =	shalt  }
0x80: {  	_ =	shalt  }
0x81: {  	_ =	shalt  }
0x82: {  	_ =	shalt  }
0x83: {  	_ =	shalt  }
0x84: {  	_ =	shalt  }
0x85: {  	_ =	shalt  }
0x86: {  	_ =	shalt  }
0x87: {  	_ =	shalt  }
.Lfunc_end0:
.L_simem_size_0:
called_computation.1_lowered:
.L_overlay_start_0:
0x88: {  	s2 =	sld [smem:$0x3FD9]  }
0x89: {  	s3 =	sld [smem:$0x3FFE];
	_ =	sdelay $0x1  }
0x8a: {  	s1 =	srdreg.scid  }
0x8b: {  	s0 =	sand.u32 $0x1, s1  }
0x8c: {  	s14 =	sshll.u32 s0, $0xA;
	s2 =	sadd.s32 s3, s2  }
0x8d: {  	s2 =	sadd.s32 s2, s14  }
0x8e: {  	[smem:$0x3FB7] =	sst s2  }
0x8f: {  	_ = 	snop  }
0x90: {  	s2 =	sld [smem:$0x3FD0];
	_ =	sdelay $0x2  }
0x91: {  	s15 =	simm.s32 $0xA;
	s4 =	simm.s32 $0x10  }
0x92: {  	[smem:s4], [sflag:s15] =	dma.local [hbm:s2], $0x1  }
0x93: {  	_ =	swait.eq [sflag:s15], $0x1  }
0x94: {  	[sflag:s15] =	ssyncset.done $0x0  }
0x95: {  	[sflag:s15] =	ssyncadd.s32 $0xFFFFFFFF  }
0x96: {  	s16 =	sld [smem:$0x10];
	(tm) =	ssettm $0x1  }
0x97: {  	s17 =	sld [smem:$0x3FFB];
	_ =	sdelay $0x3  }
0x98: {  	_ =	strace s17  }
0x99: {  	s3 =	sld [smem:$0x3FFC];
	_ =	sdelay $0x3  }
0x9a: {  	_ =	strace s3  }
0x9b: {  	s3 =	sld [smem:$0x3FFD];
	_ =	sdelay $0x3  }
0x9c: {  	_ =	strace s3  }
0x9d: {  	_ =	strace $0x8FFFFFFF  }
0x9e: {  	s18 =	sld [smem:$0x3FDB];
	_ =	sdelay $0x1  }
0x9f: {  	s19 =	simm.s32 $_scs_section_size  }
0xa0: {  	s5 =	simm.s32 $_size__tile_overlayer_lowered;
	s6 =	simm.s32 $_tile_overlayer_lowered  }
0xa1: {  	s22 =	simm.s32 $0x1BFF;
	s21 =	sshll.u32 s6, $0x1;
	s3 =	sadd.s32 s19, s18  }
0xa2: {  	s7 =	simm.s32 $0x0;
	s20 =	sshll.u32 s5, $0x1;
	s5 =	sadd.s32 s21, s3  }
0xa3: {  	[timem:s7], [sflag:s22] =	dma.local [hbm:s5], s20  }
0xa4: {  	_ =	swait.ge [sflag:s22], s20  }
0xa5: {  	s4 =	ssub.s32 $0x0, s20;
	[sflag:s22] =	ssyncset.done $0x0  }
0xa6: {  	[sflag:s22] =	ssyncadd.s32 s4;
	_ =	sdelay $0x1  }
0xa7: {  	s23 =	simm.s32 $0x1B8B  }
0xa8: {  	_ =	swait.ge [sflag:s23], $0x1  }
0xa9: {  	[sflag:s23] =	ssyncset.done $0x0  }
0xaa: {  	s25 =	simm.s32 $0x1B8E;
	s24 =	sld [smem:$0x3FFE];
	[sflag:s23] =	ssyncadd.s32 $0xFFFFFFFF  }
0xab: {  	s26 =	simm.s32 $execute0_lowered;
	[smem:$0x3FD2] =	sst s25  }
0xac: {  	s5 =	sshll.u32 s26, $0x1;
	_ =	strace $0x80000049;
	[dreg:$0x1] =	wrdreg $0xFFFFFFFF  }
0xad: {  	s28 =	simm.s32 $_size_execute0_lowered;
	s3 =	sadd.s32 s3, s5;
	[dreg:$0x0] =	wrdreg $0x0  }
0xae: {  	s5 =	sshll.u32 s28, $0x1;
	[dreg:$0x2] =	wrdreg s3  }
0xaf: {  	[dreg:$0x3] =	wrdreg s5  }
0xb0: {  	[dreg:$0x4] =	wrdreg $0xC0  }
0xb1: {  	_ =	task [dreg:s7], $0x5FFFF  }
0xb2: {  	[dreg:$0x1] =	wrdreg $0xFFFFFFFF  }
0xb3: {  	[dreg:$0x0] =	wrdreg $0x60  }
0xb4: {  	[dreg:$0x2] =	wrdreg s24  }
0xb5: {  	[dreg:$0x3] =	wrdreg s16  }
0xb6: {  	[dreg:$0x4] =	wrdreg $0x0  }
0xb7: {  	[dreg:$0x5] =	wrdreg $0x140000  }
0xb8: {  	[dreg:$0x6] =	wrdreg $0x9  }
0xb9: {  	_ =	task.clear_ibuf [dreg:s7], $0x7FFFF;
	_ =	strace $0x90000049  }
0xba: {  	s29 =	simm.s32 $0x9;
	_ =	strace $0x8000004B  }
0xbb: {  	_ =	swait.ge [sflag:s29], $0x1  }
0xbc: {  	[sflag:s29] =	ssyncadd.s32 $0xFFFFFFFF  }
0xbd: {  	_ =	strace $0x9000004B  }
0xbe: {  	_ =	sfence  }
0xbf: {  	s30 =	sld [smem:$0x0];
	_ =	sdelay $0x2  }
0xc0: {  	s31 =	sshll.u32 s1, $0xD;
	s1 =	sshrl.u32 s1, $0x2  }
0xc1: {  	s3 =	sand.u32 $0x4000, s31;
	s1 =	sadd.s32 s1, s30  }
0xc2: {  	s0 =	sor.u32 s3, s0;
	s1 =	sshll.u32 s1, $0x11  }
0xc3: {  	s0 =	sor.u32 s1, s0  }
0xc4: {  	s0 =	sadd.s32 $0x8F2B, s0  }
0xc5: {  	[sflag:s0] =	ssyncadd.remote.s32 $0x1  }
0xc6: {  	_ =	sfence.sel $0xFFFF  }
0xc7: {  	[dreg:$0x0] =	wrdreg $0xFFFFFFFF;
	(pc) =	sbr.abs _section_cstart, $3  }
0xc8: {  	[dreg:$0x1] =	wrdreg $0xFFFFFFFF  }
0xc9: {  	_ =	task.clear_ibuf [dreg:s7], $0x2FFFF;
	_ =	strace $0x9FFFFFFF  }
0xca: {  	(tm) =	ssettm $0x7FFFFFFF  }
0xcb: {  	_ =	shalt  }
tec
execute0_lowered:
.L_overlay_start_1:
0x0: {  	(tag) =	ssettag $0x1  }
0x1: {  	s0 =	rddreg [dreg:$0x0]  }
0x2: {  	s1 =	rddreg [dreg:$0x1]  }
0x3: {  	s2 =	rddreg [dreg:$0x2]  }
0x4: {  	s3 =	rddreg [dreg:$0x3];
	s4 =	simm.s32 $0x0  }
0x5: {  	s20 =	stileid.u32;
	s7 =	srdreg.scid;
	s28 =	simm.s32 $0x1B8A0  }
0x6: {  	s29 =	simm.s32 $0x16850;
	s30 =	simm.s32 $0x190A0;
	s5 =	smul.u32 $0x14000, s20  }
0x7: {  	s31 =	simm.s32 $0x1BDA0;
	[smem:$0x7FF] =	sst s4;
	s6 =	smul.u32 $0x2800, s20  }
0x8: {  	s8 =	sadd.s32 $0xF6BA00, s0;
	s9 =	sadd.s32 $0x5FC00, s0;
	s10 =	sand.u32 $0x1, s7  }
0x9: {  	s13 =	sadd.s32 $0x55E00, s0;
	s12 =	smul.u32 $0x140000, s10;
	s15 =	sshll.u32 s10, $0x4  }
0xa: {  	s22 =	sshll.u32 s20, $0x6;
	s18 =	smul.u32 $0x4E200, s10;
	s15 =	sor.u32 s20, s15  }
0xb: {  	_ =	strace $0x8000004A;
	s14 =	ssub.s32 $0x2, s10;
	s21 =	smul.u32 $0x4E20, s15  }
0xc: {  	s19 =	sshrl.u32 s5, $0x3;
	s11 =	sshrl.u32 s6, $0x3;
	s23 =	smul.u32 $0x2710, s15  }
0xd: {  	s16 =	sshrl.u32 s14, $0x1;
	s7 =	sadd.s32 s19, s0;
	s24 =	smul.u32 $0x4E2, s15  }
0xe: {  	s11 =	sadd.s32 s11, s0;
	s12 =	sadd.s32 s5, s12;
	s15 =	smul.u32 $0x27100, s15  }
0xf: {  	s5 =	sadd.s32 s5, s2;
	s19 =	smul.u32 $0x4E20, s20;
	s12 =	sshrl.u32 s12, $0x3  }
0x10: {  	[dreg:$0x6] =	wrdreg s5;
	s7 =	sadd.s32 $0xFC000, s7;
	s0 =	sadd.s32 s12, s0  }
0x11: {  	s12 =	ssub.s32 s14, s16;
	[dreg:$0x7] =	wrdreg s7;
	s7 =	sor.u32 $0x1C0B, s22  }
0x12: {  	s14 =	sadd.s32 s9, s21;
	s25 =	sadd.s32 $0x50, s23;
	s16 =	sadd.s32 $0x26C0, s23  }
0x13: {  	s5 =	sadd.s32 s13, s24;
	s21 =	sadd.s32 s8, s15;
	[dreg:$0x8] =	wrdreg s14  }
0x14: {  	s17 =	sshll.u32 s25, $0x1;
	s26 =	sshll.u32 s16, $0x1;
	[dreg:$0xb] =	wrdreg s5  }
0x15: {  	[dreg:$0xc] =	wrdreg s21;
	s23 =	sshrl.u32 s25, $0x3;
	s14 =	sshll.u32 s25, $0x4  }
0x16: {  	s15 =	sshrl.u32 s16, $0x3;
	s21 =	smul.u32 $0x4E2, s20;
	s0 =	sadd.s32 $0x129000, s0  }
0x17: {  	s17 =	sadd.s32 s9, s17;
	s25 =	sadd.s32 s8, s14;
	[dreg:$0x14] =	wrdreg s0  }
0x18: {  	s14 =	smul.u32 $0x271000, s10;
	s5 =	sadd.s32 s13, s15;
	[dreg:$0x9] =	wrdreg s17  }
0x19: {  	s15 =	simm.s32 $0x0;
	s17 =	sadd.s32 s9, s26;
	[dreg:$0xe] =	wrdreg s25  }
0x1a: {  	s9 =	sadd.s32 s18, s9;
	s18 =	smul.u32 $0x28000, s10;
	[dreg:$0x11] =	wrdreg s5  }
0x1b: {  	s10 =	smul.u32 $0x4E20, s10;
	s5 =	simm.s32 $0x5;
	[dreg:$0xa] =	wrdreg s17  }
0x1c: {  	s22 =	sadd.s32 s19, s9;
	s9 =	sadd.s32 s13, s23;
	s17 =	sshll.u32 s16, $0x4  }
0x1d: {  	s23 =	smax.u32 s12, $0x1;
	s12 =	simm.s32 $0x9;
	[dreg:$0xd] =	wrdreg s9  }
0x1e: {  	s24 =	sadd.s32 s6, s18;
	[dreg:$0x5] =	wrdreg s22;
	s9 =	sadd.s32 s8, s17  }
0x1f: {  	s18 =	smul.u32 $0x27100, s20;
	s19 =	sadd.s32 s10, s13;
	[dreg:$0x15] =	wrdreg s23  }
0x20: {  	s6 =	sadd.s32 s6, s3;
	s22 =	sadd.s32 $0x124000, s11;
	[dreg:$0x10] =	wrdreg s9  }
0x21: {  	s10 =	simm.s32 $0x6;
	s26 =	sshrl.u32 s24, $0x3;
	[dreg:$0x12] =	wrdreg s6  }
0x22: {  	[dreg:$0x13] =	wrdreg s22;
	s25 =	sadd.s32 s21, s19;
	s6 =	simm.s32 $0x50  }
0x23: {  	s9 =	simm.s32 $0x4;
	s1 =	sadd.s32 s1, s26;
	s26 =	sadd.s32 $0xA, s25  }
0x24: {  	s25 =	simm.s32 $0x16800;
	[dreg:$0xf] =	wrdreg s1;
	s1 =	sadd.s32 s14, s8  }
0x25: {  	[dreg:$0x17] =	wrdreg s26;
	s26 =	simm.s32 $0x168A0;
	s24 =	sadd.s32 s18, s1  }
0x26: {  	s8 =	simm.s32 $0x2;
	s1 =	simm.s32 $0x3;
	s0 =	sadd.s32 $0x500, s24  }
0x27: {  	s24 =	simm.s32 $0xB;
	[dreg:$0x16] =	wrdreg s0;
	s0 =	simm.s32 $0x1  }
.LBB2_1:
0x28: {  	s11 =	rddreg [dreg:$0x6]  }
0x29: {  	s23 =	rddreg [dreg:$0x7];
	s16 =	sshrl.u32 s11, $0x3  }
0x2a: {  	[spmem:s16], [sflag:s7] =	dma.local [hbm:s23], $0x2800  }
0x2b: {  	_ =	swait.ge [sflag:s24], $0x2800  }
0x2c: {  	[sflag:s24] =	ssyncset.done $0x0;
	s13 =	rddreg [dreg:$0x12]  }
0x2d: {  	s14 =	rddreg [dreg:$0x13];
	[sflag:s24] =	ssyncadd.s32 $0xFFFFD800;
	s17 =	sshrl.u32 s13, $0x3  }
0x2e: {  	[spmem:s17], [sflag:s7] =	dma.local [hbm:s14], $0x500  }
0x2f: {  	_ =	swait.ge [sflag:s24], $0x500  }
0x30: {  	[sflag:s24] =	ssyncset.done $0x0  }
0x31: {  	[sflag:s24] =	ssyncadd.s32 $0xFFFFFB00  }
0x32: {  	[bflag:$0x0] =	sbarrier.arrive $0xFFFF  }
0x33: {  	s18 =	rddreg [dreg:$0xb]  }
0x34: {  	[tilespmem:s25], [sflag:$0x1] =	stream.linear.gather [hbm4b:s18+s4], $0x50, $0x38;
	[tilespmem:$0x1C2A0] =	vst v63  }
0x35: {  	s19 =	rddreg [dreg:$0xc]  }
0x36: {  	[tilespmem:s26], [sflag:$0x3] =	stream.linear.gather [hbm4b:s19+s4], $0x2800, $0x38;
	[tilespmem:$0x1C2A0] =	vst v63  }
0x37: {  	s20 =	rddreg [dreg:$0x8]  }
0x38: {  	[tilespmem:s28], [sflag:$0x5] =	stream.linear.gather [hbm4b:s20+s4], $0x500, $0x38;
	[tilespmem:$0x1C2A0] =	vst v63  }
0x39: {  	s21 =	rddreg [dreg:$0xd]  }
0x3a: {  	[tilespmem:s29], [sflag:$0x2] =	stream.linear.gather [hbm4b:s21+s4], $0x50, $0x38;
	[tilespmem:$0x1C2A0] =	vst v63  }
0x3b: {  	p0 =	por $0x1, $0x1;
	s22 =	rddreg [dreg:$0xe]  }
0x3c: {  	[tilespmem:s30], [sflag:$0x4] =	stream.linear.gather [hbm4b:s22+s4], $0x2800, $0x38;
	[tilespmem:$0x1C2A0] =	vst v63  }
0x3d: {  	s13 =	simm.s32 @!p0 $0x7;
	s23 =	rddreg [dreg:$0x9]  }
0x3e: {  	[tilespmem:s31], [sflag:$0x6] =	stream.linear.gather [hbm4b:s23+s4], $0x500, $0x38;
	[tilespmem:$0x1C2A0] =	vst v63  }
0x3f: {  	_ =	swait.ge @!p0 [sflag:s13], $0x2800  }
0x40: {  	[sflag:s13] =	ssyncset.done @!p0 $0x0  }
0x41: {  	[sflag:s13] =	ssyncadd.s32 @!p0 $0xFFFFD800;
	s13 =	simm.s32 @!p0 $0x9  }
0x42: {  	s18 =	simm.s32 @!p0 $0x0;
	_ =	swait.ge @!p0 [sflag:s13], $0x500  }
0x43: {  	s19 =	simm.s32 @!p0 $0x16800;
	[sflag:s13] =	ssyncset.done @!p0 $0x0;
	s11 =	rddreg [dreg:$0x17]  }
0x44: {  	s22 =	rddreg [dreg:$0x16];
	[sflag:s13] =	ssyncadd.s32 @!p0 $0xFFFFFB00;
	s13 =	sadd.s32 @!p0 $0xFFFFFFF6, s11  }
0x45: {  	[tilespmem:s19], [sflag:$0x1] =	stream.linear.gather @!p0 [hbm4b:s13+s18], $0x50, $0x38;
	[tilespmem:$0x1C2A0] =	vst v63  }
0x46: {  	s21 =	rddreg [dreg:$0x5];
	s13 =	sadd.s32 @!p0 $0xFFFFFB00, s22;
	s19 =	simm.s32 @!p0 $0x168A0  }
0x47: {  	[tilespmem:s19], [sflag:$0x3] =	stream.linear.gather @!p0 [hbm4b:s13+s18], $0x2800, $0x38;
	[tilespmem:$0x1C2A0] =	vst v63  }
0x48: {  	s13 =	sadd.s32 @!p0 $0x0, s21;
	s19 =	simm.s32 @!p0 $0x1B8A0  }
0x49: {  	[tilespmem:s19], [sflag:$0x5] =	stream.linear.gather @!p0 [hbm4b:s13+s18], $0x500, $0x38;
	[tilespmem:$0x1C2A0] =	vst v63  }
0x4a: {  	_ =	swait.ge [sflag:s0], $0x50  }
0x4b: {  	[sflag:s0] =	ssyncset.done $0x0  }
0x4c: {  	[sflag:s0] =	ssyncadd.s32 $0xFFFFFFB0  }
0x4d: {  	_ =	swait.ge [sflag:s1], $0x2800  }
0x4e: {  	[sflag:s1] =	ssyncset.done $0x0  }
0x4f: {  	[sflag:s1] =	ssyncadd.s32 $0xFFFFD800  }
0x50: {  	_ =	swait.ge [sflag:s5], $0x500  }
0x51: {  	[sflag:s5] =	ssyncset.done $0x0  }
0x52: {  	[sflag:s5] =	ssyncadd.s32 $0xFFFFFB00  }
0x53: {  	[spmem:s2] =	stream.indirect.scatter.add.f32 [tilespmem:s26], [sflag:$0x7], $0x80, s25, s6, $0xb8;
	[tilespmem:$0x1C2A0] =	vst v63  }
0x54: {  	s19 =	simm.s32 @!p0 $0x8  }
0x55: {  	[spmem:s3] =	stream.indirect.scatter.add.f32 [tilespmem:s28], [sflag:$0x9], $0x10, s25, s6, $0xb8;
	[tilespmem:$0x1C2A0] =	vst v63  }
0x56: {  	_ =	swait.ge @!p0 [sflag:s19], $0x2800  }
0x57: {  	[sflag:s19] =	ssyncset.done @!p0 $0x0  }
0x58: {  	[sflag:s19] =	ssyncadd.s32 @!p0 $0xFFFFD800;
	s19 =	simm.s32 @!p0 $0xA  }
0x59: {  	_ =	swait.ge @!p0 [sflag:s19], $0x500  }
0x5a: {  	[sflag:s19] =	ssyncset.done @!p0 $0x0  }
0x5b: {  	[sflag:s19] =	ssyncadd.s32 @!p0 $0xFFFFFB00;
	s19 =	simm.s32 @!p0 $0x16850  }
0x5c: {  	[tilespmem:s19], [sflag:$0x2] =	stream.linear.gather @!p0 [hbm4b:s11+s18], $0x50, $0x38;
	[tilespmem:$0x1C2A0] =	vst v63  }
0x5d: {  	s19 =	simm.s32 @!p0 $0x190A0  }
0x5e: {  	[tilespmem:s19], [sflag:$0x4] =	stream.linear.gather @!p0 [hbm4b:s22+s18], $0x2800, $0x38;
	[tilespmem:$0x1C2A0] =	vst v63  }
0x5f: {  	s13 =	sadd.s32 @!p0 $0xA0, s13;
	s19 =	simm.s32 @!p0 $0x1BDA0  }
0x60: {  	[tilespmem:s19], [sflag:$0x6] =	stream.linear.gather @!p0 [hbm4b:s13+s18], $0x500, $0x38;
	[tilespmem:$0x1C2A0] =	vst v63  }
0x61: {  	_ =	swait.ge [sflag:s8], $0x50  }
0x62: {  	[sflag:s8] =	ssyncset.done $0x0  }
0x63: {  	[sflag:s8] =	ssyncadd.s32 $0xFFFFFFB0  }
0x64: {  	_ =	swait.ge [sflag:s9], $0x2800  }
0x65: {  	[sflag:s9] =	ssyncset.done $0x0  }
0x66: {  	[sflag:s9] =	ssyncadd.s32 $0xFFFFD800  }
0x67: {  	_ =	swait.ge [sflag:s10], $0x500  }
0x68: {  	s21 =	simm.s32 $0x280;
	s19 =	simm.s32 $0x140;
	[sflag:s10] =	ssyncset.done $0x0  }
0x69: {  	p0 =	por $0x0, $0x0;
	s18 =	sadd.s32 $0x14, s11;
	[sflag:s10] =	ssyncadd.s32 $0xFFFFFB00  }
0x6a: {  	[spmem:s2] =	stream.indirect.scatter.add.f32 [tilespmem:s30], [sflag:$0x8], $0x80, s29, s6, $0xb8;
	[tilespmem:$0x1C2A0] =	vst v63  }
.LBB2_2:
0x6b: {  	s13 =	simm.s32 @!p0 $0x7  }
0x6c: {  	[spmem:s3] =	stream.indirect.scatter.add.f32 [tilespmem:s31], [sflag:$0xA], $0x10, s29, s6, $0xb8;
	[tilespmem:$0x1C2A0] =	vst v63  }
0x6d: {  	_ =	swait.ge @!p0 [sflag:s13], $0x2800  }
0x6e: {  	[sflag:s13] =	ssyncset.done @!p0 $0x0  }
0x6f: {  	s23 =	simm.s32 @!p0 $0x9;
	[sflag:s13] =	ssyncadd.s32 @!p0 $0xFFFFD800  }
0x70: {  	_ =	swait.ge @!p0 [sflag:s23], $0x500  }
0x71: {  	s22 =	sadd.s32 $0xA00, s22;
	s20 =	simm.s32 @!p0 $0x16800;
	[sflag:s23] =	ssyncset.done @!p0 $0x0  }
0x72: {  	s13 =	simm.s32 @!p0 $0x0;
	[sflag:s23] =	ssyncadd.s32 @!p0 $0xFFFFFB00;
	s23 =	sadd.s32 @!p0 $0xFFFFFFF6, s18  }
0x73: {  	[tilespmem:s20], [sflag:$0x1] =	stream.linear.gather @!p0 [hbm4b:s23+s13], $0x50, $0x38;
	[tilespmem:$0x1C2A0] =	vst v63  }
0x74: {  	s11 =	rddreg [dreg:$0x5];
	s20 =	sadd.s32 @!p0 $0xFFFFFB00, s22;
	s23 =	simm.s32 @!p0 $0x168A0  }
0x75: {  	[tilespmem:s23], [sflag:$0x3] =	stream.linear.gather @!p0 [hbm4b:s20+s13], $0x2800, $0x38;
	[tilespmem:$0x1C2A0] =	vst v63  }
0x76: {  	s11 =	sadd.s32 @!p0 s19, s11;
	s20 =	simm.s32 @!p0 $0x1B8A0  }
0x77: {  	[tilespmem:s20], [sflag:$0x5] =	stream.linear.gather @!p0 [hbm4b:s11+s13], $0x500, $0x38;
	[tilespmem:$0x1C2A0] =	vst v63  }
0x78: {  	_ =	swait.ge [sflag:s0], $0x50  }
0x79: {  	[sflag:s0] =	ssyncset.done $0x0  }
0x7a: {  	[sflag:s0] =	ssyncadd.s32 $0xFFFFFFB0  }
0x7b: {  	_ =	swait.ge [sflag:s1], $0x2800  }
0x7c: {  	[sflag:s1] =	ssyncset.done $0x0  }
0x7d: {  	[sflag:s1] =	ssyncadd.s32 $0xFFFFD800  }
0x7e: {  	_ =	swait.ge [sflag:s5], $0x500  }
0x7f: {  	[sflag:s5] =	ssyncset.done $0x0  }
0x80: {  	s14 =	smov.u32 s21;
	[sflag:s5] =	ssyncadd.s32 $0xFFFFFB00  }
0x81: {  	[spmem:s2] =	stream.indirect.scatter.add.f32 [tilespmem:s26], [sflag:$0x7], $0x80, s25, s6, $0xb8;
	[tilespmem:$0x1C2A0] =	vst v63  }
0x82: {  	s19 =	smov.u32 s14;
	s14 =	simm.s32 @!p0 $0x8  }
0x83: {  	[spmem:s3] =	stream.indirect.scatter.add.f32 [tilespmem:s28], [sflag:$0x9], $0x10, s25, s6, $0xb8;
	[tilespmem:$0x1C2A0] =	vst v63  }
0x84: {  	_ =	swait.ge @!p0 [sflag:s14], $0x2800  }
0x85: {  	[sflag:s14] =	ssyncset.done @!p0 $0x0  }
0x86: {  	[sflag:s14] =	ssyncadd.s32 @!p0 $0xFFFFD800;
	s14 =	simm.s32 @!p0 $0xA  }
0x87: {  	_ =	swait.ge @!p0 [sflag:s14], $0x500  }
0x88: {  	[sflag:s14] =	ssyncset.done @!p0 $0x0  }
0x89: {  	[sflag:s14] =	ssyncadd.s32 @!p0 $0xFFFFFB00;
	s14 =	simm.s32 @!p0 $0x16850  }
0x8a: {  	[tilespmem:s14], [sflag:$0x2] =	stream.linear.gather @!p0 [hbm4b:s18+s13], $0x50, $0x38;
	[tilespmem:$0x1C2A0] =	vst v63  }
0x8b: {  	s14 =	simm.s32 @!p0 $0x190A0  }
0x8c: {  	[tilespmem:s14], [sflag:$0x4] =	stream.linear.gather @!p0 [hbm4b:s22+s13], $0x2800, $0x38;
	[tilespmem:$0x1C2A0] =	vst v63  }
0x8d: {  	s11 =	sadd.s32 @!p0 $0xA0, s11;
	s14 =	simm.s32 @!p0 $0x1BDA0  }
0x8e: {  	[tilespmem:s14], [sflag:$0x6] =	stream.linear.gather @!p0 [hbm4b:s11+s13], $0x500, $0x38;
	[tilespmem:$0x1C2A0] =	vst v63  }
0x8f: {  	_ =	swait.ge [sflag:s8], $0x50  }
0x90: {  	[sflag:s8] =	ssyncset.done $0x0  }
0x91: {  	[sflag:s8] =	ssyncadd.s32 $0xFFFFFFB0  }
0x92: {  	s21 =	sadd.s32 $0x140, s21;
	_ =	swait.ge [sflag:s9], $0x2800  }
0x93: {  	p1 =	sne.s32 s21, $0x4D80;
	[sflag:s9] =	ssyncset.done $0x0  }
.Ltmp0:
0x94: {  	[sflag:s9] =	ssyncadd.s32 $0xFFFFD800;
	(pc) =	sbr.rel @p1 .LBB2_2-.Ltmp0, $4  }
0x95: {  	_ =	swait.ge [sflag:s10], $0x500  }
0x96: {  	[sflag:s10] =	ssyncset.done $0x0  }
0x97: {  	s18 =	sadd.s32 $0x14, s18;
	p0 =	seq.s32 s19, $0x0;
	[sflag:s10] =	ssyncadd.s32 $0xFFFFFB00  }
0x98: {  	[spmem:s2] =	stream.indirect.scatter.add.f32 [tilespmem:s30], [sflag:$0x8], $0x80, s29, s6, $0xb8;
	[tilespmem:$0x1C2A0] =	vst v63  }
0x99: {  	s11 =	simm.s32 @!p0 $0x7  }
0x9a: {  	[spmem:s3] =	stream.indirect.scatter.add.f32 [tilespmem:s31], [sflag:$0xA], $0x10, s29, s6, $0xb8;
	[tilespmem:$0x1C2A0] =	vst v63  }
0x9b: {  	_ =	swait.ge @!p0 [sflag:s11], $0x2800  }
0x9c: {  	[sflag:s11] =	ssyncset.done @!p0 $0x0  }
0x9d: {  	[sflag:s11] =	ssyncadd.s32 @!p0 $0xFFFFD800;
	s11 =	simm.s32 @!p0 $0x9  }
0x9e: {  	_ =	swait.ge @!p0 [sflag:s11], $0x500  }
0x9f: {  	s13 =	sadd.s32 $0xA00, s22;
	s14 =	simm.s32 @!p0 $0x0;
	[sflag:s11] =	ssyncset.done @!p0 $0x0  }
0xa0: {  	s20 =	simm.s32 @!p0 $0x16800;
	[sflag:s11] =	ssyncadd.s32 @!p0 $0xFFFFFB00;
	s11 =	sadd.s32 @!p0 $0xFFFFFFF6, s18  }
0xa1: {  	[tilespmem:s20], [sflag:$0x1] =	stream.linear.gather @!p0 [hbm4b:s11+s14], $0x50, $0x38;
	[tilespmem:$0x1C2A0] =	vst v63  }
0xa2: {  	s21 =	rddreg [dreg:$0x5];
	s11 =	sadd.s32 @!p0 $0xFFFFFB00, s13;
	s20 =	simm.s32 @!p0 $0x168A0  }
0xa3: {  	[tilespmem:s20], [sflag:$0x3] =	stream.linear.gather @!p0 [hbm4b:s11+s14], $0x2800, $0x38;
	[tilespmem:$0x1C2A0] =	vst v63  }
0xa4: {  	s11 =	sadd.s32 @!p0 s19, s21;
	s19 =	simm.s32 @!p0 $0x1B8A0  }
0xa5: {  	[tilespmem:s19], [sflag:$0x5] =	stream.linear.gather @!p0 [hbm4b:s11+s14], $0x500, $0x38;
	[tilespmem:$0x1C2A0] =	vst v63  }
0xa6: {  	_ =	swait.ge [sflag:s0], $0x50  }
0xa7: {  	[sflag:s0] =	ssyncset.done $0x0  }
0xa8: {  	[sflag:s0] =	ssyncadd.s32 $0xFFFFFFB0  }
0xa9: {  	_ =	swait.ge [sflag:s1], $0x2800  }
0xaa: {  	[sflag:s1] =	ssyncset.done $0x0  }
0xab: {  	[sflag:s1] =	ssyncadd.s32 $0xFFFFD800  }
0xac: {  	_ =	swait.ge [sflag:s5], $0x500  }
0xad: {  	[sflag:s5] =	ssyncset.done $0x0  }
0xae: {  	[sflag:s5] =	ssyncadd.s32 $0xFFFFFB00  }
0xaf: {  	[spmem:s2] =	stream.indirect.scatter.add.f32 [tilespmem:s26], [sflag:$0x7], $0x80, s25, s6, $0xb8;
	[tilespmem:$0x1C2A0] =	vst v63  }
0xb0: {  	s19 =	simm.s32 @!p0 $0x8  }
0xb1: {  	[spmem:s3] =	stream.indirect.scatter.add.f32 [tilespmem:s28], [sflag:$0x9], $0x10, s25, s6, $0xb8;
	[tilespmem:$0x1C2A0] =	vst v63  }
0xb2: {  	_ =	swait.ge @!p0 [sflag:s19], $0x2800  }
0xb3: {  	[sflag:s19] =	ssyncset.done @!p0 $0x0  }
0xb4: {  	[sflag:s19] =	ssyncadd.s32 @!p0 $0xFFFFD800;
	s19 =	simm.s32 @!p0 $0xA  }
0xb5: {  	_ =	swait.ge @!p0 [sflag:s19], $0x500  }
0xb6: {  	[sflag:s19] =	ssyncset.done @!p0 $0x0  }
0xb7: {  	[sflag:s19] =	ssyncadd.s32 @!p0 $0xFFFFFB00;
	s19 =	simm.s32 @!p0 $0x16850  }
0xb8: {  	[tilespmem:s19], [sflag:$0x2] =	stream.linear.gather @!p0 [hbm4b:s18+s14], $0x50, $0x38;
	[tilespmem:$0x1C2A0] =	vst v63  }
0xb9: {  	s18 =	simm.s32 @!p0 $0x190A0  }
0xba: {  	[tilespmem:s18], [sflag:$0x4] =	stream.linear.gather @!p0 [hbm4b:s13+s14], $0x2800, $0x38;
	[tilespmem:$0x1C2A0] =	vst v63  }
0xbb: {  	s11 =	sadd.s32 @!p0 $0xA0, s11;
	s13 =	simm.s32 @!p0 $0x1BDA0  }
0xbc: {  	[tilespmem:s13], [sflag:$0x6] =	stream.linear.gather @!p0 [hbm4b:s11+s14], $0x500, $0x38;
	[tilespmem:$0x1C2A0] =	vst v63  }
0xbd: {  	_ =	swait.ge [sflag:s8], $0x50  }
0xbe: {  	[sflag:s8] =	ssyncset.done $0x0  }
0xbf: {  	[sflag:s8] =	ssyncadd.s32 $0xFFFFFFB0  }
0xc0: {  	_ =	swait.ge [sflag:s9], $0x2800  }
0xc1: {  	[sflag:s9] =	ssyncset.done $0x0  }
0xc2: {  	[sflag:s9] =	ssyncadd.s32 $0xFFFFD800  }
0xc3: {  	_ =	swait.ge [sflag:s10], $0x500  }
0xc4: {  	[sflag:s10] =	ssyncset.done $0x0  }
0xc5: {  	[sflag:s10] =	ssyncadd.s32 $0xFFFFFB00  }
0xc6: {  	[spmem:s2] =	stream.indirect.scatter.add.f32 [tilespmem:s30], [sflag:$0x8], $0x80, s29, s6, $0xb8;
	[tilespmem:$0x1C2A0] =	vst v63  }
0xc7: {  	s22 =	simm.s32 $0x7  }
0xc8: {  	[spmem:s3] =	stream.indirect.scatter.add.f32 [tilespmem:s31], [sflag:$0xA], $0x10, s29, s6, $0xb8;
	[tilespmem:$0x1C2A0] =	vst v63  }
0xc9: {  	_ =	swait.ge [sflag:s22], $0x2800  }
0xca: {  	[sflag:s22] =	ssyncset.done $0x0  }
0xcb: {  	[sflag:s22] =	ssyncadd.s32 $0xFFFFD800  }
0xcc: {  	_ =	swait.ge [sflag:s12], $0x500  }
0xcd: {  	[sflag:s12] =	ssyncset.done $0x0  }
0xce: {  	s23 =	rddreg [dreg:$0x11];
	[sflag:s12] =	ssyncadd.s32 $0xFFFFFB00  }
0xcf: {  	[tilespmem:s25], [sflag:$0x1] =	stream.linear.gather [hbm4b:s23+s4], $0x50, $0x38;
	[tilespmem:$0x1C2A0] =	vst v63  }
0xd0: {  	s14 =	rddreg [dreg:$0x10]  }
0xd1: {  	[tilespmem:s26], [sflag:$0x3] =	stream.linear.gather [hbm4b:s14+s4], $0x2800, $0x38;
	[tilespmem:$0x1C2A0] =	vst v63  }
0xd2: {  	s18 =	rddreg [dreg:$0xa]  }
0xd3: {  	[tilespmem:s28], [sflag:$0x5] =	stream.linear.gather [hbm4b:s18+s4], $0x500, $0x38;
	[tilespmem:$0x1C2A0] =	vst v63  }
0xd4: {  	_ =	swait.ge [sflag:s0], $0x50  }
0xd5: {  	[sflag:s0] =	ssyncset.done $0x0  }
0xd6: {  	[sflag:s0] =	ssyncadd.s32 $0xFFFFFFB0  }
0xd7: {  	_ =	swait.ge [sflag:s1], $0x2800  }
0xd8: {  	[sflag:s1] =	ssyncset.done $0x0  }
0xd9: {  	[sflag:s1] =	ssyncadd.s32 $0xFFFFD800  }
0xda: {  	_ =	swait.ge [sflag:s5], $0x500  }
0xdb: {  	[sflag:s5] =	ssyncset.done $0x0  }
0xdc: {  	[sflag:s5] =	ssyncadd.s32 $0xFFFFFB00  }
0xdd: {  	[spmem:s2] =	stream.indirect.scatter.add.f32 [tilespmem:s26], [sflag:$0x7], $0x80, s25, s6, $0xb8;
	[tilespmem:$0x1C2A0] =	vst v63  }
0xde: {  	_ = 	snop  }
0xdf: {  	[spmem:s3] =	stream.indirect.scatter.add.f32 [tilespmem:s28], [sflag:$0x9], $0x10, s25, s6, $0xb8;
	[tilespmem:$0x1C2A0] =	vst v63  }
0xe0: {  	_ =	swait.ge [sflag:s22], $0x2800  }
0xe1: {  	[sflag:s22] =	ssyncset.done $0x0  }
0xe2: {  	[sflag:s22] =	ssyncadd.s32 $0xFFFFD800  }
0xe3: {  	_ =	swait.ge [sflag:s12], $0x500  }
0xe4: {  	[sflag:s12] =	ssyncset.done $0x0  }
0xe5: {  	s19 =	simm.s32 $0x8;
	[sflag:s12] =	ssyncadd.s32 $0xFFFFFB00  }
0xe6: {  	_ =	swait.ge [sflag:s19], $0x2800  }
0xe7: {  	[sflag:s19] =	ssyncset.done $0x0  }
0xe8: {  	s20 =	simm.s32 $0xA;
	[sflag:s19] =	ssyncadd.s32 $0xFFFFD800  }
0xe9: {  	_ =	swait.ge [sflag:s20], $0x500  }
0xea: {  	[sflag:s20] =	ssyncset.done $0x0  }
0xeb: {  	[sflag:s20] =	ssyncadd.s32 $0xFFFFFB00  }
0xec: {  	[bflag:$0x0] =	sbarrier.arrive $0xFFFF  }
0xed: {  	s21 =	rddreg [dreg:$0x14]  }
0xee: {  	[hbm:s21], [sflag:s7] =	dma.local [spmem:s16], $0x2800  }
0xef: {  	_ =	swait.ge [sflag:s24], $0x2800  }
0xf0: {  	[sflag:s24] =	ssyncset.done $0x0  }
0xf1: {  	s22 =	rddreg [dreg:$0xf];
	[sflag:s24] =	ssyncadd.s32 $0xFFFFD800  }
0xf2: {  	[hbm:s22], [sflag:s7] =	dma.local [spmem:s17], $0x500  }
0xf3: {  	_ =	swait.ge [sflag:s24], $0x500  }
0xf4: {  	s15 =	sadd.s32 $0x1, s15;
	s23 =	rddreg [dreg:$0x15]  }
0xf5: {  	p0 =	sne.s32 s15, s23  }
.Ltmp1:
0xf6: {  	_ = 	snop;
	(pc) =	sbr.rel @p0 .LBB2_1-.Ltmp1, $3  }
0xf7: {  	_ =	sdelay $0x1  }
0xf8: {  	[sflag:s24] =	ssyncset.done $0x0  }
0xf9: {  	[sflag:s24] =	ssyncadd.s32 $0xFFFFFB00  }
0xfa: {  	_ =	sfence.sel $0x180000  }
0xfb: {  	[bflag:$0x0] =	sbarrier.arrive $0xFFFF  }
0xfc: {  	_ =	strace $0x9000004A  }
0xfd: {  	s0 =	stileid.u32;
	[bflag:$0x2] =	sbarrier.arrive $0xFFFF  }
0xfe: {  	p0 =	sne.s32 s0, $0x0;
	s0 =	rddreg [dreg:$0x4]  }
0xff: {  	s0 =	sadd.s32 @!p0 $0x100000, s0  }
0x100: {  	[sflag:s0] =	ssyncadd.tile.s32 @!p0 $0x1;
	_ =	shalt  }
.Lfunc_end2:
_tile_overlayer_lowered:
.L_overlay_start_2:
0x101: {  	(tag) =	ssettag $0x2  }
0x102: {  	s0 =	rddreg [dreg:$0x0];
	s2 =	stileid.u32  }
0x103: {  	s1 =	rddreg [dreg:$0x1];
	p0 =	sne.s32 s2, $0x0  }
0x104: {  	s3 =	rddreg [dreg:$0x2];
	[bflag:$0x3] =	sbarrier.arrive $0xFFFF;
	s2 =	simm.s32 @!p0 $0x1C0B  }
0x105: {  	[timem:s3], [sflag:s2] =	dma.local @!p0 [hbm:s0], s1  }
0x106: {  	s0 =	simm.s32 @!p0 $0xB  }
0x107: {  	_ =	swait.ge @!p0 [sflag:s0], s1  }
0x108: {  	s1 =	ssub.s32 @!p0 $0x0, s1;
	[sflag:s0] =	ssyncset.done @!p0 $0x0  }
0x109: {  	[sflag:s0] =	ssyncadd.s32 @!p0 s1  }
0x10a: {  	[bflag:$0x3] =	sbarrier.arrive $0xFFFF  }
0x10b: {  	_ =	shalt  }

// kernel: kernel.7.cloned.1.call-start
scs
__scs_entry_jumppad:
0x0: {  	(pc) =	sbr.rel $0x88, $3  }
0x1: {  	(tag) =	ssettag $0x0;
	lr =	simm.s32 $0x1  }
0x2: {  	[smem:$0x3F90] =	sst lr;
	_ =	strace $0xD0000000  }
0x3: {  	_ = 	snop  }
0x4: {  	_ = 	snop  }
0x5: {  	_ = 	snop  }
0x6: {  	_ = 	snop  }
0x7: {  	_ = 	snop  }
__scs_overlays_trampoline_lowered:
0x8: {  	[smem:$0x3F9F] =	sst s0  }
0x9: {  	[smem:$0x3FA0] =	sst s1  }
0xa: {  	[smem:$0x3FA1] =	sst s2  }
0xb: {  	[smem:$0x3FA2] =	sst s3  }
0xc: {  	[smem:$0x3FA3] =	sst s4  }
0xd: {  	[smem:$0x3FA4] =	sst s5  }
0xe: {  	[smem:$0x3FA5] =	sst s6  }
0xf: {  	[smem:$0x3FA6] =	sst s7  }
0x10: {  	[smem:$0x3FA7] =	sst s8  }
0x11: {  	[smem:$0x3FA8] =	sst s9;
	s0 =	simm.s32 @!p0 $0x0  }
0x12: {  	s1 =	sld [smem:$0x3F8E];
	s0 =	simm.s32 @p0 $0x1  }
0x13: {  	[smem:$0x3FA9] =	sst s0;
	s0 =	simm.s32 @!p1 $0x0  }
0x14: {  	s2 =	sld [smem:$0x3F8D];
	s0 =	simm.s32 @p1 $0x1  }
0x15: {  	[smem:$0x3FAA] =	sst s0;
	s0 =	simm.s32 @!p2 $0x0  }
0x16: {  	s3 =	sld [smem:$0x3FDB];
	s0 =	simm.s32 @p2 $0x1  }
0x17: {  	s4 =	simm.s32 $0x1BF5;
	[smem:$0x3FAC] =	sst s0  }
0x18: {  	s0 =	sld [smem:$0x3F8F];
	_ =	swait.ge [sflag:s4], $0x0  }
0x19: {  	s7 =	sld [smem:$0x3F90]  }
0x1a: {  	s8 =	sadd.s32 $0xFFFFE003, lr  }
0x1b: {  	s9 =	sadd.s32 $0xFFFFFEF7, lr;
	s5 =	simm.s32 $0xFFFFFFFF;
	p2 =	slt.u32 s8, $0xFFFFF086  }
0x1c: {  	p1 =	slt.u32 s9, $0xF7A;
	s5 =	simm.s32 @!p2 $0x0  }
0x1d: {  	s5 =	simm.s32 @p1 $0x1;
	p0 =	seq.s32 s7, s2  }
0x1e: {  	s7 =	smul.u32 @!p0 $0xF7A, s2;
	p2 =	seq.s32 @!p0 s5, $0x0  }
0x1f: {  	s9 =	smul.u32 $0xF7A, s1;
	s8 =	simm.s32 @!p0 $0x1BF5;
	p2 =	por !p2, p0  }
0x20: {  	[sflag:s8] =	ssyncset.s32 @!p0 $0xFFFFF086;
	s6 =	sadd.s32 @!p0 s3, s7;
	s7 =	simm.s32 @!p0 $0x108  }
0x21: {  	s3 =	sadd.s32 s3, s9;
	s6 =	sadd.s32 @!p0 $0x88, s6;
	s7 =	simm.s32 @p2 $0x1082  }
0x22: {  	[simem:s7], [sflag:s8] =	dma.local @!p0 [hbm:s6], $0xF7A  }
0x23: {  	s9 =	sor.u32 $0xD0000000, s2;
	s6 =	simm.s32 $0x108;
	_ =	swait.ge @!p0 [sflag:s8], $0x0  }
0x24: {  	s3 =	sadd.s32 $0x88, s3;
	s6 =	simm.s32 @!p1 $0x1082;
	[sflag:s4] =	ssyncset.s32 $0xFFFFF086  }
0x25: {  	[simem:s6], [sflag:s4] =	dma.local [hbm:s3], $0xF7A  }
0x26: {  	[smem:$0x3F90] =	sst s1;
	(tag) =	ssettag s2;
	_ =	strace s9  }
0x27: {  	s1 =	sld [smem:$0x3FA0]  }
0x28: {  	s2 =	sld [smem:$0x3FA1]  }
0x29: {  	s4 =	sld [smem:$0x3FA3]  }
0x2a: {  	p0 =	seq.s32 s5, $0x0;
	s5 =	sld [smem:$0x3FA4]  }
0x2b: {  	s6 =	sld [smem:$0x3FA5]  }
0x2c: {  	s7 =	sld [smem:$0x3FA6]  }
0x2d: {  	s3 =	simm.s32 $0x108;
	s8 =	sld [smem:$0x3FA7]  }
0x2e: {  	s3 =	simm.s32 @!p0 $0x1082;
	s9 =	sld [smem:$0x3FA8]  }
0x2f: {  	lr =	sadd.s32 s0, s3;
	s0 =	sld [smem:$0x3F9F]  }
0x30: {  	s3 =	sld [smem:$0x3FA2]  }
0x31: {  	[smem:$0x3FAB] =	sst s10  }
0x32: {  	s10 =	sld [smem:$0x3FA9];
	_ =	sdelay $0x3  }
0x33: {  	p0 =	seq.s32 s10, $0x1;
	s10 =	sld [smem:$0x3FAB];
	_ =	sdelay $0x3  }
0x34: {  	[smem:$0x3FAB] =	sst s10  }
0x35: {  	s10 =	sld [smem:$0x3FAA];
	_ =	sdelay $0x3  }
0x36: {  	p1 =	seq.s32 s10, $0x1;
	s10 =	sld [smem:$0x3FAB];
	_ =	sdelay $0x3  }
0x37: {  	[smem:$0x3FAB] =	sst s10  }
0x38: {  	s10 =	sld [smem:$0x3FAC]  }
0x39: {  	_ = 	snop;
	(pc) =	sbr.ind lr, $3  }
0x3a: {  	_ = 	snop  }
0x3b: {  	_ = 	snop  }
0x3c: {  	p2 =	seq.s32 s10, $0x1;
	s10 =	sld [smem:$0x3FAB]  }
0x3d: {  	_ =	shalt  }
0x3e: {  	_ =	shalt  }
0x3f: {  	_ =	shalt  }
0x40: {  	_ =	shalt  }
0x41: {  	_ =	shalt  }
0x42: {  	_ =	shalt  }
0x43: {  	_ =	shalt  }
0x44: {  	_ =	shalt  }
0x45: {  	_ =	shalt  }
0x46: {  	_ =	shalt  }
0x47: {  	_ =	shalt  }
0x48: {  	_ =	shalt  }
0x49: {  	_ =	shalt  }
0x4a: {  	_ =	shalt  }
0x4b: {  	_ =	shalt  }
0x4c: {  	_ =	shalt  }
0x4d: {  	_ =	shalt  }
0x4e: {  	_ =	shalt  }
0x4f: {  	_ =	shalt  }
0x50: {  	_ =	shalt  }
0x51: {  	_ =	shalt  }
0x52: {  	_ =	shalt  }
0x53: {  	_ =	shalt  }
0x54: {  	_ =	shalt  }
0x55: {  	_ =	shalt  }
0x56: {  	_ =	shalt  }
0x57: {  	_ =	shalt  }
0x58: {  	_ =	shalt  }
0x59: {  	_ =	shalt  }
0x5a: {  	_ =	shalt  }
0x5b: {  	_ =	shalt  }
0x5c: {  	_ =	shalt  }
0x5d: {  	_ =	shalt  }
0x5e: {  	_ =	shalt  }
0x5f: {  	_ =	shalt  }
0x60: {  	_ =	shalt  }
0x61: {  	_ =	shalt  }
0x62: {  	_ =	shalt  }
0x63: {  	_ =	shalt  }
0x64: {  	_ =	shalt  }
0x65: {  	_ =	shalt  }
0x66: {  	_ =	shalt  }
0x67: {  	_ =	shalt  }
0x68: {  	_ =	shalt  }
0x69: {  	_ =	shalt  }
0x6a: {  	_ =	shalt  }
0x6b: {  	_ =	shalt  }
0x6c: {  	_ =	shalt  }
0x6d: {  	_ =	shalt  }
0x6e: {  	_ =	shalt  }
0x6f: {  	_ =	shalt  }
0x70: {  	_ =	shalt  }
0x71: {  	_ =	shalt  }
0x72: {  	_ =	shalt  }
0x73: {  	_ =	shalt  }
0x74: {  	_ =	shalt  }
0x75: {  	_ =	shalt  }
0x76: {  	_ =	shalt  }
0x77: {  	_ =	shalt  }
0x78: {  	_ =	shalt  }
0x79: {  	_ =	shalt  }
0x7a: {  	_ =	shalt  }
0x7b: {  	_ =	shalt  }
0x7c: {  	_ =	shalt  }
0x7d: {  	_ =	shalt  }
0x7e: {  	_ =	shalt  }
0x7f: {  	_ =	shalt  }
0x80: {  	_ =	shalt  }
0x81: {  	_ =	shalt  }
0x82: {  	_ =	shalt  }
0x83: {  	_ =	shalt  }
0x84: {  	_ =	shalt  }
0x85: {  	_ =	shalt  }
0x86: {  	_ =	shalt  }
0x87: {  	_ =	shalt  }
.Lfunc_end0:
.L_simem_size_0:
called_computation_lowered:
.L_overlay_start_0:
0x88: {  	s2 =	sld [smem:$0x3FD9]  }
0x89: {  	s3 =	sld [smem:$0x3FFE];
	_ =	sdelay $0x1  }
0x8a: {  	s1 =	srdreg.scid  }
0x8b: {  	s0 =	sand.u32 $0x1, s1  }
0x8c: {  	s14 =	sshll.u32 s0, $0xA;
	s2 =	sadd.s32 s3, s2  }
0x8d: {  	s2 =	sadd.s32 s2, s14  }
0x8e: {  	[smem:$0x3FB7] =	sst s2  }
0x8f: {  	_ = 	snop  }
0x90: {  	s2 =	sld [smem:$0x3FD0];
	_ =	sdelay $0x2  }
0x91: {  	s15 =	simm.s32 $0xA;
	s4 =	simm.s32 $0x10  }
0x92: {  	[smem:s4], [sflag:s15] =	dma.local [hbm:s2], $0x1  }
0x93: {  	_ =	swait.eq [sflag:s15], $0x1  }
0x94: {  	[sflag:s15] =	ssyncset.done $0x0  }
0x95: {  	[sflag:s15] =	ssyncadd.s32 $0xFFFFFFFF  }
0x96: {  	s16 =	sld [smem:$0x10];
	(tm) =	ssettm $0x1  }
0x97: {  	s17 =	sld [smem:$0x3FFB];
	_ =	sdelay $0x3  }
0x98: {  	_ =	strace s17  }
0x99: {  	s3 =	sld [smem:$0x3FFC];
	_ =	sdelay $0x3  }
0x9a: {  	_ =	strace s3  }
0x9b: {  	s3 =	sld [smem:$0x3FFD];
	_ =	sdelay $0x3  }
0x9c: {  	_ =	strace s3  }
0x9d: {  	_ =	strace $0x8FFFFFFF  }
0x9e: {  	s18 =	sld [smem:$0x3FDB];
	_ =	sdelay $0x1  }
0x9f: {  	s19 =	simm.s32 $_scs_section_size  }
0xa0: {  	s5 =	simm.s32 $_size__tile_overlayer_lowered;
	s6 =	simm.s32 $_tile_overlayer_lowered  }
0xa1: {  	s22 =	simm.s32 $0x1BFF;
	s21 =	sshll.u32 s6, $0x1;
	s3 =	sadd.s32 s19, s18  }
0xa2: {  	s7 =	simm.s32 $0x0;
	s20 =	sshll.u32 s5, $0x1;
	s5 =	sadd.s32 s21, s3  }
0xa3: {  	[timem:s7], [sflag:s22] =	dma.local [hbm:s5], s20  }
0xa4: {  	_ =	swait.ge [sflag:s22], s20  }
0xa5: {  	s4 =	ssub.s32 $0x0, s20;
	[sflag:s22] =	ssyncset.done $0x0  }
0xa6: {  	[sflag:s22] =	ssyncadd.s32 s4;
	_ =	sdelay $0x1  }
0xa7: {  	s23 =	simm.s32 $0x1B8B  }
0xa8: {  	_ =	swait.ge [sflag:s23], $0x1  }
0xa9: {  	[sflag:s23] =	ssyncset.done $0x0  }
0xaa: {  	s25 =	simm.s32 $0x1B8E;
	s24 =	sld [smem:$0x3FFE];
	[sflag:s23] =	ssyncadd.s32 $0xFFFFFFFF  }
0xab: {  	s26 =	simm.s32 $execute0_lowered;
	[smem:$0x3FD2] =	sst s25  }
0xac: {  	s5 =	sshll.u32 s26, $0x1;
	_ =	strace $0x80000046;
	[dreg:$0x1] =	wrdreg $0xFFFFFFFF  }
0xad: {  	s28 =	simm.s32 $_size_execute0_lowered;
	s3 =	sadd.s32 s3, s5;
	[dreg:$0x0] =	wrdreg $0x0  }
0xae: {  	s5 =	sshll.u32 s28, $0x1;
	[dreg:$0x2] =	wrdreg s3  }
0xaf: {  	[dreg:$0x3] =	wrdreg s5  }
0xb0: {  	[dreg:$0x4] =	wrdreg $0xC0  }
0xb1: {  	_ =	task [dreg:s7], $0x5FFFF  }
0xb2: {  	[dreg:$0x1] =	wrdreg $0xFFFFFFFF  }
0xb3: {  	[dreg:$0x0] =	wrdreg $0x60  }
0xb4: {  	[dreg:$0x2] =	wrdreg s24  }
0xb5: {  	[dreg:$0x3] =	wrdreg s16  }
0xb6: {  	[dreg:$0x4] =	wrdreg $0x0  }
0xb7: {  	[dreg:$0x5] =	wrdreg $0x9  }
0xb8: {  	_ =	task.clear_ibuf [dreg:s7], $0x6FFFF;
	_ =	strace $0x90000046  }
0xb9: {  	s29 =	simm.s32 $0x9;
	_ =	strace $0x80000048  }
0xba: {  	_ =	swait.ge [sflag:s29], $0x1  }
0xbb: {  	[sflag:s29] =	ssyncadd.s32 $0xFFFFFFFF  }
0xbc: {  	_ =	strace $0x90000048  }
0xbd: {  	_ =	sfence  }
0xbe: {  	s30 =	sld [smem:$0x0];
	_ =	sdelay $0x2  }
0xbf: {  	s31 =	sshll.u32 s1, $0xD;
	s1 =	sshrl.u32 s1, $0x2  }
0xc0: {  	s3 =	sand.u32 $0x4000, s31;
	s1 =	sadd.s32 s1, s30  }
0xc1: {  	s0 =	sor.u32 s3, s0;
	s1 =	sshll.u32 s1, $0x11  }
0xc2: {  	s0 =	sor.u32 s1, s0  }
0xc3: {  	s0 =	sadd.s32 $0x8F2B, s0  }
0xc4: {  	[sflag:s0] =	ssyncadd.remote.s32 $0x1  }
0xc5: {  	_ =	sfence.sel $0xFFFF  }
0xc6: {  	[dreg:$0x0] =	wrdreg $0xFFFFFFFF;
	(pc) =	sbr.abs _section_cstart, $3  }
0xc7: {  	[dreg:$0x1] =	wrdreg $0xFFFFFFFF  }
0xc8: {  	_ =	task.clear_ibuf [dreg:s7], $0x2FFFF;
	_ =	strace $0x9FFFFFFF  }
0xc9: {  	(tm) =	ssettm $0x7FFFFFFF  }
tec
execute0_lowered:
.L_overlay_start_1:
0x0: {  	(tag) =	ssettag $0x1  }
0x1: {  	s0 =	rddreg [dreg:$0x0]  }
0x2: {  	s1 =	rddreg [dreg:$0x1]  }
0x3: {  	s2 =	rddreg [dreg:$0x2];
	s16 =	stileid.u32;
	s3 =	simm.s32 $0x0  }
0x4: {  	s5 =	srdreg.scid;
	s28 =	simm.s32 $0x80;
	s29 =	simm.s32 $0x14100  }
0x5: {  	s30 =	simm.s32 $0x2;
	s31 =	simm.s32 $0x18100;
	s4 =	smul.u32 $0x2800, s16  }
0x6: {  	[smem:$0x7FF] =	sst s3;
	s8 =	sand.u32 $0x1, s5;
	s9 =	sshll.u32 s16, $0x4  }
0x7: {  	s10 =	smul.u32 $0x50000, s16;
	s18 =	sadd.s32 $0xB9A00, s0;
	s5 =	sadd.s32 $0x5A1A00, s0  }
0x8: {  	s22 =	sshll.u32 s16, $0xB;
	s26 =	sshll.u32 s16, $0x6;
	_ =	strace $0x80000047  }
0x9: {  	s6 =	ssub.s32 $0x2, s8;
	s11 =	sadd.s32 s9, s0;
	[dreg:$0x4] =	wrdreg s18  }
0xa: {  	s15 =	sadd.s32 s18, s22;
	s18 =	sor.u32 $0x4E0000, s22;
	p0 =	seq.s32 s8, $0x0  }
0xb: {  	s8 =	simm.s32 $0x6;
	s7 =	sadd.s32 s4, s0;
	s12 =	sshrl.u32 s6, $0x1  }
0xc: {  	s20 =	sshrl.u32 s10, $0x2;
	s23 =	sadd.s32 $0x5FC00, s11;
	s24 =	sadd.s32 $0x5FD00, s11  }
0xd: {  	s10 =	sadd.s32 s5, s22;
	s13 =	sadd.s32 $0x5FE00, s11;
	[dreg:$0x6] =	wrdreg s23  }
0xe: {  	s0 =	simm.s32 $0x3;
	s19 =	ssub.s32 s6, s12;
	[dreg:$0x7] =	wrdreg s24  }
0xf: {  	s6 =	sadd.s32 s20, s2;
	s21 =	sadd.s32 $0x91A00, s7;
	[dreg:$0x8] =	wrdreg s13  }
0x10: {  	s7 =	sadd.s32 $0x69A00, s7;
	s13 =	sadd.s32 s1, s9;
	s20 =	sadd.s32 $0x60000, s11  }
0x11: {  	s23 =	simm.s32 $0x7;
	s24 =	simm.s32 $0x14000;
	[dreg:$0x5] =	wrdreg s21  }
.Ltmp0:
0x12: {  	s9 =	simm.s32 $0x0;
	[dreg:$0x9] =	wrdreg s7;
	(pc) =	sbr.rel .LBB2_1-.Ltmp0, $4  }
0x13: {  	s1 =	sadd.s32 $0x100, s13;
	s25 =	sadd.s32 $0x200, s13;
	s17 =	smax.u32 s19, $0x1  }
0x14: {  	s19 =	sor.u32 $0x4D8000, s22;
	s14 =	sadd.s32 $0x400, s13;
	s22 =	sor.u32 $0x1C07, s26  }
0x15: {  	s26 =	simm.s32 $0x1;
	s7 =	simm.s32 $0x4;
	[dreg:$0xa] =	wrdreg s1  }
0x16: {  	[dreg:$0xb] =	wrdreg s25;
	s25 =	simm.s32 $0x14080;
	s1 =	simm.s32 $0x5  }
.LBB2_7:
0x17: {  	[tilespmem:s24], [sflag:$0x1] =	stream.linear.gather [hbm4b:s21+s3], $0x80, $0x38;
	[tilespmem:$0x1C100] =	vst v63  }
0x18: {  	s11 =	rddreg [dreg:$0x4]  }
.LBB2_8:
0x19: {  	_ =	swait.ge [sflag:s1], $0x4000  }
0x1a: {  	[sflag:s1] =	ssyncset.done $0x0  }
0x1b: {  	[sflag:s1] =	ssyncadd.s32 $0xFFFFC000  }
0x1c: {  	_ =	swait.ge [sflag:s26], $0x80  }
0x1d: {  	[sflag:s26] =	ssyncset.done $0x0  }
0x1e: {  	[sflag:s26] =	ssyncadd.s32 $0xFFFFFF80  }
0x1f: {  	[tilespmem:s29], [sflag:$0x3] =	stream.indirect.gather [spmem:s2], $0x80, s24, s28, $0xb8;
	[tilespmem:$0x1C100] =	vst v63  }
0x20: {  	_ =	swait.ge [sflag:s7], $0x4000  }
0x21: {  	[sflag:s7] =	ssyncset.done $0x0  }
0x22: {  	s4 =	sadd.s32 s19, s11;
	[sflag:s7] =	ssyncadd.s32 $0xFFFFC000  }
0x23: {  	[hbm4b:s4+s3] =	stream.linear.scatter [tilespmem:s31], [sflag:$0x6], $0x4000, $0x38;
	[tilespmem:$0x1C100] =	vst v63  }
0x24: {  	_ =	swait.ge [sflag:s0], $0x4000  }
0x25: {  	[sflag:s0] =	ssyncset.done $0x0  }
0x26: {  	s21 =	sadd.s32 s18, s11;
	s9 =	sadd.s32 $0x1, s9;
	[sflag:s0] =	ssyncadd.s32 $0xFFFFC000  }
0x27: {  	[hbm4b:s21+s3] =	stream.linear.scatter [tilespmem:s29], [sflag:$0x5], $0x4000, $0x38;
	[tilespmem:$0x1C100] =	vst v63  }
0x28: {  	p1 =	sne.s32 s9, s17;
	_ =	swait.ge [sflag:s8], $0x4000  }
.Ltmp1:
0x29: {  	[sflag:s8] =	ssyncset.done $0x0;
	(pc) =	sbr.rel @!p1 .LBB2_9-.Ltmp1, $4  }
0x2a: {  	[sflag:s8] =	ssyncadd.s32 $0xFFFFC000  }
0x2b: {  	_ =	swait.ge [sflag:s1], $0x4000  }
0x2c: {  	[sflag:s1] =	ssyncset.done $0x0  }
0x2d: {  	[sflag:s1] =	ssyncadd.s32 $0xFFFFC000  }
.LBB2_1:
.Ltmp2:
0x2e: {  	(pc) =	sbr.rel @!p0 .LBB2_2-.Ltmp2, $2  }
0x2f: {  	_ =	sdelay $0x2  }
0x30: {  	s11 =	sshrl.u32 s6, $0x3  }
0x31: {  	s4 =	rddreg [dreg:$0x9]  }
0x32: {  	[spmem:s11], [sflag:s22] =	dma.local [hbm:s4], $0x2800  }
0x33: {  	_ =	swait.ge [sflag:s23], $0x2800  }
0x34: {  	[sflag:s23] =	ssyncset.done $0x0  }
0x35: {  	[sflag:s23] =	ssyncadd.s32 $0xFFFFD800  }
0x36: {  	s16 =	simm.s32 $0x0;
	[bflag:$0x0] =	sbarrier.arrive $0xFFFF  }
0x37: {  	[tilespmem:s24], [sflag:$0x1] =	stream.linear.gather [hbm4b:s13+s16], $0x80, $0x38;
	[tilespmem:$0x1C100] =	vst v63  }
0x38: {  	s21 =	rddreg [dreg:$0xa]  }
0x39: {  	[tilespmem:s25], [sflag:$0x2] =	stream.linear.gather [hbm4b:s21+s16], $0x80, $0x38;
	[tilespmem:$0x1C100] =	vst v63  }
0x3a: {  	_ =	swait.ge [sflag:s26], $0x80  }
0x3b: {  	[sflag:s26] =	ssyncset.done $0x0  }
0x3c: {  	[sflag:s26] =	ssyncadd.s32 $0xFFFFFF80  }
0x3d: {  	[tilespmem:s29], [sflag:$0x3] =	stream.indirect.gather [spmem:s2], $0x80, s24, s28, $0xb8;
	[tilespmem:$0x1C100] =	vst v63  }
0x3e: {  	_ =	swait.ge [sflag:s30], $0x80  }
0x3f: {  	[sflag:s30] =	ssyncset.done $0x0  }
0x40: {  	[sflag:s30] =	ssyncadd.s32 $0xFFFFFF80  }
0x41: {  	[tilespmem:s31], [sflag:$0x4] =	stream.indirect.gather [spmem:s2], $0x80, s25, s28, $0xb8;
	[tilespmem:$0x1C100] =	vst v63  }
0x42: {  	_ =	swait.ge [sflag:s0], $0x4000  }
0x43: {  	[sflag:s0] =	ssyncset.done $0x0  }
0x44: {  	[sflag:s0] =	ssyncadd.s32 $0xFFFFC000  }
0x45: {  	[hbm4b:s15+s16] =	stream.linear.scatter [tilespmem:s29], [sflag:$0x5], $0x4000, $0x38;
	[tilespmem:$0x1C100] =	vst v63  }
0x46: {  	s12 =	rddreg [dreg:$0xb]  }
0x47: {  	[tilespmem:s24], [sflag:$0x1] =	stream.linear.gather [hbm4b:s12+s16], $0x80, $0x38;
	[tilespmem:$0x1C100] =	vst v63  }
0x48: {  	_ =	swait.ge [sflag:s1], $0x4000  }
0x49: {  	[sflag:s1] =	ssyncset.done $0x0  }
0x4a: {  	[sflag:s1] =	ssyncadd.s32 $0xFFFFC000  }
0x4b: {  	_ =	swait.ge [sflag:s26], $0x80  }
0x4c: {  	[sflag:s26] =	ssyncset.done $0x0  }
0x4d: {  	[sflag:s26] =	ssyncadd.s32 $0xFFFFFF80  }
0x4e: {  	[tilespmem:s29], [sflag:$0x3] =	stream.indirect.gather [spmem:s2], $0x80, s24, s28, $0xb8;
	[tilespmem:$0x1C100] =	vst v63  }
0x4f: {  	_ =	swait.ge [sflag:s7], $0x4000  }
0x50: {  	s16 =	sadd.s32 $0x0, s15;
	[sflag:s7] =	ssyncset.done $0x0  }
0x51: {  	s12 =	sadd.s32 $0x8000, s16;
	[sflag:s7] =	ssyncadd.s32 $0xFFFFC000  }
0x52: {  	[hbm4b:s12+s3] =	stream.linear.scatter [tilespmem:s31], [sflag:$0x6], $0x4000, $0x38;
	[tilespmem:$0x1C100] =	vst v63  }
0x53: {  	s21 =	sadd.s32 $0xFFFFFF00, s14  }
0x54: {  	[tilespmem:s25], [sflag:$0x2] =	stream.linear.gather [hbm4b:s21+s3], $0x80, $0x38;
	[tilespmem:$0x1C100] =	vst v63  }
0x55: {  	_ =	swait.ge [sflag:s8], $0x4000  }
0x56: {  	[sflag:s8] =	ssyncset.done $0x0  }
0x57: {  	[sflag:s8] =	ssyncadd.s32 $0xFFFFC000  }
0x58: {  	_ =	swait.ge [sflag:s30], $0x80  }
0x59: {  	[sflag:s30] =	ssyncset.done $0x0  }
0x5a: {  	[sflag:s30] =	ssyncadd.s32 $0xFFFFFF80  }
0x5b: {  	[tilespmem:s31], [sflag:$0x4] =	stream.indirect.gather [spmem:s2], $0x80, s25, s28, $0xb8;
	[tilespmem:$0x1C100] =	vst v63  }
0x5c: {  	_ =	swait.ge [sflag:s0], $0x4000  }
0x5d: {  	[sflag:s0] =	ssyncset.done $0x0  }
0x5e: {  	s11 =	sadd.s32 $0x10000, s16;
	[sflag:s0] =	ssyncadd.s32 $0xFFFFC000  }
0x5f: {  	[hbm4b:s11+s3] =	stream.linear.scatter [tilespmem:s29], [sflag:$0x5], $0x4000, $0x38;
	[tilespmem:$0x1C100] =	vst v63  }
0x60: {  	s12 =	sadd.s32 $0x200, s14;
	s21 =	smov.u32 s14;
	s11 =	simm.s32 $0x10000  }
.LBB2_6:
0x61: {  	[tilespmem:s24], [sflag:$0x1] =	stream.linear.gather [hbm4b:s21+s3], $0x80, $0x38;
	[tilespmem:$0x1C100] =	vst v63  }
0x62: {  	s16 =	smov.u32 s11;
	s21 =	smov.u32 s12  }
0x63: {  	p1 =	seq.s32 s11, $0x4C0000;
	s11 =	sadd.s32 $0x10000, s11;
	_ =	swait.ge [sflag:s1], $0x4000  }
0x64: {  	[sflag:s1] =	ssyncset.done $0x0  }
0x65: {  	[sflag:s1] =	ssyncadd.s32 $0xFFFFC000  }
0x66: {  	_ =	swait.ge [sflag:s26], $0x80  }
0x67: {  	[sflag:s26] =	ssyncset.done $0x0  }
0x68: {  	[sflag:s26] =	ssyncadd.s32 $0xFFFFFF80  }
0x69: {  	[tilespmem:s29], [sflag:$0x3] =	stream.indirect.gather [spmem:s2], $0x80, s24, s28, $0xb8;
	[tilespmem:$0x1C100] =	vst v63  }
0x6a: {  	_ =	swait.ge [sflag:s7], $0x4000  }
0x6b: {  	s16 =	sadd.s32 s16, s15;
	[sflag:s7] =	ssyncset.done $0x0  }
0x6c: {  	s4 =	sadd.s32 $0x8000, s16;
	[sflag:s7] =	ssyncadd.s32 $0xFFFFC000  }
0x6d: {  	[hbm4b:s4+s3] =	stream.linear.scatter [tilespmem:s31], [sflag:$0x6], $0x4000, $0x38;
	[tilespmem:$0x1C100] =	vst v63  }
0x6e: {  	s4 =	sadd.s32 $0xFFFFFF00, s12  }
0x6f: {  	[tilespmem:s25], [sflag:$0x2] =	stream.linear.gather [hbm4b:s4+s3], $0x80, $0x38;
	[tilespmem:$0x1C100] =	vst v63  }
0x70: {  	_ =	swait.ge [sflag:s8], $0x4000  }
0x71: {  	[sflag:s8] =	ssyncset.done $0x0  }
0x72: {  	[sflag:s8] =	ssyncadd.s32 $0xFFFFC000  }
0x73: {  	_ =	swait.ge [sflag:s30], $0x80  }
0x74: {  	[sflag:s30] =	ssyncset.done $0x0  }
0x75: {  	[sflag:s30] =	ssyncadd.s32 $0xFFFFFF80  }
0x76: {  	[tilespmem:s31], [sflag:$0x4] =	stream.indirect.gather [spmem:s2], $0x80, s25, s28, $0xb8;
	[tilespmem:$0x1C100] =	vst v63  }
.Ltmp3:
0x77: {  	_ =	swait.ge [sflag:s0], $0x4000;
	(pc) =	sbr.rel @!p1 .LBB2_6-.Ltmp3, $4  }
0x78: {  	[sflag:s0] =	ssyncset.done $0x0  }
0x79: {  	s4 =	sadd.s32 $0x10000, s16;
	[sflag:s0] =	ssyncadd.s32 $0xFFFFC000  }
0x7a: {  	[hbm4b:s4+s3] =	stream.linear.scatter [tilespmem:s29], [sflag:$0x5], $0x4000, $0x38;
	[tilespmem:$0x1C100] =	vst v63  }
0x7b: {  	s12 =	sadd.s32 $0x200, s12  }
.Ltmp4:
0x7c: {  	_ = 	snop;
	(pc) =	sbr.rel .LBB2_7-.Ltmp4, $1  }
0x7d: {  	_ =	sdelay $0x3  }
.LBB2_2:
0x7e: {  	s4 =	rddreg [dreg:$0x5]  }
0x7f: {  	[spmem:s11], [sflag:s22] =	dma.local [hbm:s4], $0x2800  }
0x80: {  	_ =	swait.ge [sflag:s23], $0x2800  }
0x81: {  	[sflag:s23] =	ssyncset.done $0x0  }
0x82: {  	[sflag:s23] =	ssyncadd.s32 $0xFFFFD800  }
0x83: {  	[bflag:$0x0] =	sbarrier.arrive $0xFFFF  }
0x84: {  	s11 =	simm.s32 $0x0;
	s12 =	rddreg [dreg:$0x6]  }
0x85: {  	[tilespmem:s24], [sflag:$0x1] =	stream.linear.gather [hbm4b:s12+s11], $0x80, $0x38;
	[tilespmem:$0x1C100] =	vst v63  }
0x86: {  	s16 =	rddreg [dreg:$0x7]  }
0x87: {  	[tilespmem:s25], [sflag:$0x2] =	stream.linear.gather [hbm4b:s16+s11], $0x80, $0x38;
	[tilespmem:$0x1C100] =	vst v63  }
0x88: {  	_ =	swait.ge [sflag:s26], $0x80  }
0x89: {  	[sflag:s26] =	ssyncset.done $0x0  }
0x8a: {  	[sflag:s26] =	ssyncadd.s32 $0xFFFFFF80  }
0x8b: {  	[tilespmem:s29], [sflag:$0x3] =	stream.indirect.gather [spmem:s2], $0x80, s24, s28, $0xb8;
	[tilespmem:$0x1C100] =	vst v63  }
0x8c: {  	_ =	swait.ge [sflag:s30], $0x80  }
0x8d: {  	[sflag:s30] =	ssyncset.done $0x0  }
0x8e: {  	[sflag:s30] =	ssyncadd.s32 $0xFFFFFF80  }
0x8f: {  	[tilespmem:s31], [sflag:$0x4] =	stream.indirect.gather [spmem:s2], $0x80, s25, s28, $0xb8;
	[tilespmem:$0x1C100] =	vst v63  }
0x90: {  	_ =	swait.ge [sflag:s0], $0x4000  }
0x91: {  	[sflag:s0] =	ssyncset.done $0x0  }
0x92: {  	[sflag:s0] =	ssyncadd.s32 $0xFFFFC000  }
0x93: {  	[hbm4b:s10+s11] =	stream.linear.scatter [tilespmem:s29], [sflag:$0x5], $0x4000, $0x38;
	[tilespmem:$0x1C100] =	vst v63  }
0x94: {  	s21 =	rddreg [dreg:$0x8]  }
0x95: {  	[tilespmem:s24], [sflag:$0x1] =	stream.linear.gather [hbm4b:s21+s11], $0x80, $0x38;
	[tilespmem:$0x1C100] =	vst v63  }
0x96: {  	_ =	swait.ge [sflag:s1], $0x4000  }
0x97: {  	[sflag:s1] =	ssyncset.done $0x0  }
0x98: {  	[sflag:s1] =	ssyncadd.s32 $0xFFFFC000  }
0x99: {  	_ =	swait.ge [sflag:s26], $0x80  }
0x9a: {  	[sflag:s26] =	ssyncset.done $0x0  }
0x9b: {  	[sflag:s26] =	ssyncadd.s32 $0xFFFFFF80  }
0x9c: {  	[tilespmem:s29], [sflag:$0x3] =	stream.indirect.gather [spmem:s2], $0x80, s24, s28, $0xb8;
	[tilespmem:$0x1C100] =	vst v63  }
0x9d: {  	_ =	swait.ge [sflag:s7], $0x4000  }
0x9e: {  	s12 =	sadd.s32 $0x0, s10;
	[sflag:s7] =	ssyncset.done $0x0  }
0x9f: {  	s16 =	sadd.s32 $0x8000, s12;
	[sflag:s7] =	ssyncadd.s32 $0xFFFFC000  }
0xa0: {  	[hbm4b:s16+s3] =	stream.linear.scatter [tilespmem:s31], [sflag:$0x6], $0x4000, $0x38;
	[tilespmem:$0x1C100] =	vst v63  }
0xa1: {  	s21 =	sadd.s32 $0xFFFFFF00, s20  }
0xa2: {  	[tilespmem:s25], [sflag:$0x2] =	stream.linear.gather [hbm4b:s21+s3], $0x80, $0x38;
	[tilespmem:$0x1C100] =	vst v63  }
0xa3: {  	_ =	swait.ge [sflag:s8], $0x4000  }
0xa4: {  	[sflag:s8] =	ssyncset.done $0x0  }
0xa5: {  	[sflag:s8] =	ssyncadd.s32 $0xFFFFC000  }
0xa6: {  	_ =	swait.ge [sflag:s30], $0x80  }
0xa7: {  	[sflag:s30] =	ssyncset.done $0x0  }
0xa8: {  	[sflag:s30] =	ssyncadd.s32 $0xFFFFFF80  }
0xa9: {  	[tilespmem:s31], [sflag:$0x4] =	stream.indirect.gather [spmem:s2], $0x80, s25, s28, $0xb8;
	[tilespmem:$0x1C100] =	vst v63  }
0xaa: {  	_ =	swait.ge [sflag:s0], $0x4000  }
0xab: {  	s4 =	sadd.s32 $0x10000, s12;
	s12 =	sadd.s32 $0x200, s20;
	[sflag:s0] =	ssyncset.done $0x0  }
0xac: {  	s11 =	simm.s32 $0x10000;
	s21 =	smov.u32 s20;
	[sflag:s0] =	ssyncadd.s32 $0xFFFFC000  }
0xad: {  	[hbm4b:s4+s3] =	stream.linear.scatter [tilespmem:s29], [sflag:$0x5], $0x4000, $0x38;
	[tilespmem:$0x1C100] =	vst v63  }
.LBB2_3:
0xae: {  	[tilespmem:s24], [sflag:$0x1] =	stream.linear.gather [hbm4b:s21+s3], $0x80, $0x38;
	[tilespmem:$0x1C100] =	vst v63  }
0xaf: {  	s4 =	smov.u32 s11;
	s21 =	smov.u32 s12  }
0xb0: {  	p1 =	sne.s32 s11, $0x4C0000;
	s11 =	sadd.s32 $0x10000, s11;
	_ =	swait.ge [sflag:s1], $0x4000  }
0xb1: {  	[sflag:s1] =	ssyncset.done $0x0  }
0xb2: {  	[sflag:s1] =	ssyncadd.s32 $0xFFFFC000  }
0xb3: {  	_ =	swait.ge [sflag:s26], $0x80  }
0xb4: {  	[sflag:s26] =	ssyncset.done $0x0  }
0xb5: {  	[sflag:s26] =	ssyncadd.s32 $0xFFFFFF80  }
0xb6: {  	[tilespmem:s29], [sflag:$0x3] =	stream.indirect.gather [spmem:s2], $0x80, s24, s28, $0xb8;
	[tilespmem:$0x1C100] =	vst v63  }
0xb7: {  	_ =	swait.ge [sflag:s7], $0x4000  }
0xb8: {  	s4 =	sadd.s32 s4, s10;
	[sflag:s7] =	ssyncset.done $0x0  }
0xb9: {  	s16 =	sadd.s32 $0x8000, s4;
	[sflag:s7] =	ssyncadd.s32 $0xFFFFC000  }
0xba: {  	[hbm4b:s16+s3] =	stream.linear.scatter [tilespmem:s31], [sflag:$0x6], $0x4000, $0x38;
	[tilespmem:$0x1C100] =	vst v63  }
0xbb: {  	s16 =	sadd.s32 $0xFFFFFF00, s12  }
0xbc: {  	[tilespmem:s25], [sflag:$0x2] =	stream.linear.gather [hbm4b:s16+s3], $0x80, $0x38;
	[tilespmem:$0x1C100] =	vst v63  }
0xbd: {  	_ =	swait.ge [sflag:s8], $0x4000  }
0xbe: {  	[sflag:s8] =	ssyncset.done $0x0  }
0xbf: {  	[sflag:s8] =	ssyncadd.s32 $0xFFFFC000  }
0xc0: {  	_ =	swait.ge [sflag:s30], $0x80  }
0xc1: {  	[sflag:s30] =	ssyncset.done $0x0  }
0xc2: {  	[sflag:s30] =	ssyncadd.s32 $0xFFFFFF80  }
0xc3: {  	[tilespmem:s31], [sflag:$0x4] =	stream.indirect.gather [spmem:s2], $0x80, s25, s28, $0xb8;
	[tilespmem:$0x1C100] =	vst v63  }
.Ltmp5:
0xc4: {  	_ =	swait.ge [sflag:s0], $0x4000;
	(pc) =	sbr.rel @p1 .LBB2_3-.Ltmp5, $4  }
0xc5: {  	[sflag:s0] =	ssyncset.done $0x0  }
0xc6: {  	s4 =	sadd.s32 $0x10000, s4;
	[sflag:s0] =	ssyncadd.s32 $0xFFFFC000  }
0xc7: {  	[hbm4b:s4+s3] =	stream.linear.scatter [tilespmem:s29], [sflag:$0x5], $0x4000, $0x38;
	[tilespmem:$0x1C100] =	vst v63  }
0xc8: {  	s12 =	sadd.s32 $0x200, s12  }
.Ltmp6:
0xc9: {  	(pc) =	sbr.rel .LBB2_8-.Ltmp6, $3  }
0xca: {  	_ =	sdelay $0x1  }
0xcb: {  	[tilespmem:s24], [sflag:$0x1] =	stream.linear.gather [hbm4b:s21+s3], $0x80, $0x38;
	[tilespmem:$0x1C100] =	vst v63  }
0xcc: {  	s11 =	smov.u32 s5  }
.LBB2_9:
0xcd: {  	_ =	sfence.sel $0x180000  }
0xce: {  	[bflag:$0x0] =	sbarrier.arrive $0xFFFF  }
0xcf: {  	_ =	strace $0x90000047  }
0xd0: {  	s0 =	stileid.u32;
	[bflag:$0x2] =	sbarrier.arrive $0xFFFF  }
0xd1: {  	p0 =	sne.s32 s0, $0x0;
	s0 =	rddreg [dreg:$0x3]  }
0xd2: {  	s0 =	sadd.s32 @!p0 $0x100000, s0  }
0xd3: {  	[sflag:s0] =	ssyncadd.tile.s32 @!p0 $0x1;
	_ =	shalt  }
.Lfunc_end2:
_tile_overlayer_lowered:
.L_overlay_start_2:
0xd4: {  	(tag) =	ssettag $0x2  }
0xd5: {  	s0 =	rddreg [dreg:$0x0];
	s2 =	stileid.u32  }
0xd6: {  	s1 =	rddreg [dreg:$0x1];
	p0 =	sne.s32 s2, $0x0  }
0xd7: {  	s3 =	rddreg [dreg:$0x2];
	[bflag:$0x3] =	sbarrier.arrive $0xFFFF;
	s2 =	simm.s32 @!p0 $0x1C07  }
0xd8: {  	[timem:s3], [sflag:s2] =	dma.local @!p0 [hbm:s0], s1  }
0xd9: {  	s0 =	simm.s32 @!p0 $0x7  }
0xda: {  	_ =	swait.ge @!p0 [sflag:s0], s1  }
0xdb: {  	s1 =	ssub.s32 @!p0 $0x0, s1;
	[sflag:s0] =	ssyncset.done @!p0 $0x0  }
0xdc: {  	[sflag:s0] =	ssyncadd.s32 @!p0 s1  }
0xdd: {  	[bflag:$0x3] =	sbarrier.arrive $0xFFFF  }
0xde: {  	_ =	shalt  }

</sc_bundles>
